<compile_context>
chip_gen: v7x
topology: tpu7x:2x2x1
jax: 0.10.2.dev20260603
libtpu: 0.0.44.dev20260713+nightly
codegen_flags: <defaults>
</compile_context>

<pallas_src>
import functools

import jax
import jax.numpy as jnp
from jax import lax
from jax.experimental import pallas as pl
from jax.experimental.pallas import tpu as pltpu
from jax.experimental.pallas import tpu_sc as plsc

_FC = 8
_LB = 1024


def _prep_body(c1T_ref, cen_ref, W1_ref, b1p_ref, b1v_ref,
               ncT_ref, val_ref, *, fc, sc):
    blocks, vals = [], []
    for f in range(fc):
        w1p = W1_ref[:, f * 2 * sc:f * 2 * sc + sc]
        blk = lax.dot_general(w1p, c1T_ref[0], (((0,), (0,)), ((), ())),
                              preferred_element_type=jnp.float32)
        blk = blk + b1p_ref[f * sc:(f + 1) * sc, :]
        nrm = jnp.sqrt(jnp.sum(blk * blk, axis=0, keepdims=True))
        blocks.append(blk / jnp.maximum(nrm, 1e-12))
        w1v = W1_ref[:, f * 2 * sc + sc:(f + 1) * 2 * sc]
        vals.append(jnp.dot(cen_ref[0], w1v,
                            preferred_element_type=jnp.float32))
    ncT_ref[0] = jnp.concatenate(blocks, axis=0)
    val_ref[0] = jnp.concatenate(vals, axis=1) + b1v_ref[:]


def _route_body(x_ref, W0_ref, b0_ref, ncT_ref, ab_ref, mi_ref, mv_ref,
                *, fc, sc, s):
    xp = jnp.dot(x_ref[0], W0_ref[:],
                 preferred_element_type=jnp.float32) + b0_ref[:]
    a = ab_ref[0, 0]
    b = ab_ref[0, 1]
    n_idx = pl.program_id(0)
    iota_f32 = lax.broadcasted_iota(
        jnp.int32, (xp.shape[0], s), 1).astype(jnp.float32)
    mvs, mis = [], []
    for f in range(fc):
        ch = xp[:, f * sc:(f + 1) * sc]
        nrm = jnp.sqrt(jnp.sum(ch * ch, axis=1, keepdims=True))
        nx = ch / jnp.maximum(nrm, 1e-12)
        sims = jnp.dot(nx, ncT_ref[0, f * sc:(f + 1) * sc, :],
                       preferred_element_type=jnp.float32)
        sims = jax.nn.sigmoid(a * sims + b)
        mx = jnp.max(sims, axis=1, keepdims=True)
        am = jnp.min(jnp.where(sims == mx, iota_f32, float(s)),
                     axis=1, keepdims=True)
        am = jnp.minimum(am, float(s - 1))
        mvs.append(mx)
        mis.append(am * float(fc)
                   + (n_idx * (s * fc) + f).astype(jnp.float32))
    mv_ref[0] = jnp.concatenate(mvs, axis=1)
    mi_ref[0] = jnp.concatenate(mis, axis=1).astype(jnp.int32)


def _proj_body(d_ref, mv_ref, Wm_ref, bm_ref, out_ref, *, fc, sc):
    mvb = mv_ref[0]
    parts = [d_ref[f, 0] * mvb[:, f:f + 1] for f in range(fc)]
    sd = jnp.concatenate(parts, axis=1)
    out_ref[0] = jnp.dot(sd, Wm_ref[:],
                         preferred_element_type=jnp.float32) + bm_ref[:]


def kernel(x0, center1, W0, b0, W1, b1, Wm, bm, alpha, beta):
    fc = _FC
    n, l, c = x0.shape
    s = center1.shape[1]
    h = W0.shape[1]
    sc = h // fc

    c1T = jnp.swapaxes(center1, 1, 2)
    b1r = b1.reshape(fc, 2 * sc)
    b1p = b1r[:, :sc].reshape(fc * sc, 1)
    b1v = b1r[:, sc:].reshape(1, fc * sc)
    b0r = b0.reshape(1, h)
    bmr = bm.reshape(1, c)
    ab = jnp.concatenate([alpha, beta]).reshape(1, 2)

    ncT, val = pl.pallas_call(
        functools.partial(_prep_body, fc=fc, sc=sc),
        grid=(n,),
        in_specs=[
            pl.BlockSpec((1, c, s), lambda i: (i, 0, 0)),
            pl.BlockSpec((1, s, c), lambda i: (i, 0, 0)),
            pl.BlockSpec((c, 2 * h), lambda i: (0, 0)),
            pl.BlockSpec((h, 1), lambda i: (0, 0)),
            pl.BlockSpec((1, h), lambda i: (0, 0)),
        ],
        out_specs=[
            pl.BlockSpec((1, h, s), lambda i: (i, 0, 0)),
            pl.BlockSpec((1, s, h), lambda i: (i, 0, 0)),
        ],
        out_shape=[
            jax.ShapeDtypeStruct((n, h, s), jnp.float32),
            jax.ShapeDtypeStruct((n, s, h), jnp.float32),
        ],
    )(c1T, center1, W1, b1p, b1v)

    nlb = l // _LB
    mi, mv = pl.pallas_call(
        functools.partial(_route_body, fc=fc, sc=sc, s=s),
        grid=(n, nlb),
        in_specs=[
            pl.BlockSpec((1, _LB, c), lambda i, j: (i, j, 0)),
            pl.BlockSpec((c, h), lambda i, j: (0, 0)),
            pl.BlockSpec((1, h), lambda i, j: (0, 0)),
            pl.BlockSpec((1, h, s), lambda i, j: (i, 0, 0)),
            pl.BlockSpec(memory_space=pltpu.SMEM),
        ],
        out_specs=[
            pl.BlockSpec((1, _LB, fc), lambda i, j: (i, j, 0)),
            pl.BlockSpec((1, _LB, fc), lambda i, j: (i, j, 0)),
        ],
        out_shape=[
            jax.ShapeDtypeStruct((n, l, fc), jnp.int32),
            jax.ShapeDtypeStruct((n, l, fc), jnp.float32),
        ],
    )(x0, W0, b0r, ncT, ab)

    tbl = val.reshape(n * s * fc, sc)
    idx = jnp.transpose(mi, (2, 0, 1)).reshape(n * l * fc)
    B = n * l * fc
    NW = 32
    bpw = B // NW
    CH = 128
    nch = bpw // CH
    mesh = plsc.VectorSubcoreMesh(core_axis_name="c", subcore_axis_name="s")

    @functools.partial(
        pl.kernel, mesh=mesh,
        out_type=jax.ShapeDtypeStruct((B, sc), jnp.float32),
        scratch_types=[
            pltpu.VMEM((bpw,), jnp.int32),
            pltpu.VMEM((2, CH, sc), jnp.float32),
            pltpu.SemaphoreType.DMA,
            pltpu.SemaphoreType.DMA,
            pltpu.SemaphoreType.DMA,
            pltpu.SemaphoreType.DMA,
        ],
    )
    def _gather(tbl_hbm, idx_hbm, out_hbm, idx_v, rows_v, g0, g1, s0, s1):
        wid = lax.axis_index("s") * 2 + lax.axis_index("c")
        base = wid * bpw
        gs = (g0, g1)
        ss = (s0, s1)
        hg = [None, None]
        hs = [None, None]
        pltpu.sync_copy(idx_hbm.at[pl.ds(base, bpw)], idx_v)
        hg[0] = pltpu.async_copy(tbl_hbm.at[idx_v.at[pl.ds(0, CH)]],
                                 rows_v.at[0], gs[0])
        for i in range(nch):
            bb = i % 2
            nb = (i + 1) % 2
            if i + 1 < nch:
                if hs[nb] is not None:
                    hs[nb].wait()
                hg[nb] = pltpu.async_copy(
                    tbl_hbm.at[idx_v.at[pl.ds((i + 1) * CH, CH)]],
                    rows_v.at[nb], gs[nb])
            hg[bb].wait()
            hs[bb] = pltpu.async_copy(rows_v.at[bb],
                                      out_hbm.at[pl.ds(base + i * CH, CH)],
                                      ss[bb])
        hs[0].wait()
        hs[1].wait()

    disp = _gather(tbl, idx)

    dispr = disp.reshape(fc, n, l, sc)
    out = pl.pallas_call(
        functools.partial(_proj_body, fc=fc, sc=sc),
        grid=(n, nlb),
        in_specs=[
            pl.BlockSpec((fc, 1, _LB, sc), lambda i, j: (0, i, j, 0)),
            pl.BlockSpec((1, _LB, fc), lambda i, j: (i, j, 0)),
            pl.BlockSpec((h, c), lambda i, j: (0, 0)),
            pl.BlockSpec((1, c), lambda i, j: (0, 0)),
        ],
        out_specs=pl.BlockSpec((1, _LB, c), lambda i, j: (i, j, 0)),
        out_shape=jax.ShapeDtypeStruct((n, l, c), jnp.float32),
    )(dispr, mv, Wm, bmr)
    return out

# --- scband reference (transcript-rebuilt; emitter-appended) ---
"""Pipeline reference for scband-global-cluster-1434519077361 (READ-ONLY COPY).

The authoritative reference and input builder live on the scoring server;
editing this copy changes nothing except your own understanding.
"""

import jax, jax.numpy as jnp
import numpy as np

FC = 8

def setup_inputs(seed: int = 0) -> dict:
    key = jax.random.key(seed)
    ks = jax.random.split(key, 8)
    n, l, s, c, h = 2, 4096, 64, 1024, 1024
    x0 = jax.random.normal(ks[0], (n, l, c), dtype=jnp.float32)
    center1 = jax.random.normal(ks[1], (n, s, c), dtype=jnp.float32)
    W0 = jax.random.normal(ks[2], (c, h), dtype=jnp.float32) * 0.02
    b0 = jnp.zeros((h,), dtype=jnp.float32)
    W1 = jax.random.normal(ks[3], (c, 2 * h), dtype=jnp.float32) * 0.02
    b1 = jnp.zeros((2 * h,), dtype=jnp.float32)
    Wm = jax.random.normal(ks[4], (h, c), dtype=jnp.float32) * 0.02
    bm = jnp.zeros((c,), dtype=jnp.float32)
    alpha = jnp.ones((1,), dtype=jnp.float32)
    beta = jnp.zeros((1,), dtype=jnp.float32)
    return {"x0": x0, "center1": center1, "W0": W0, "b0": b0, "W1": W1, "b1": b1, "Wm": Wm, "bm": bm, "alpha": alpha, "beta": beta}

def _l2norm(v):
    nrm = jnp.sqrt(jnp.sum(v * v, axis=2, keepdims=True))
    return v / jnp.maximum(nrm, 1e-12)

def reference(x0, center1, W0, b0, W1, b1, Wm, bm, alpha, beta):
    fc = FC
    n, l, c = x0.shape
    s = center1.shape[1]
    m = n * fc
    x0p = x0 @ W0 + b0
    hidden = x0p.shape[-1]
    sc = hidden // fc
    c1 = center1 @ W1 + b1
    x0p = x0p.reshape(n, l, fc, sc).transpose(0, 2, 1, 3).reshape(m, l, sc)
    c1 = c1.reshape(n, s, fc, 2 * sc).transpose(0, 2, 1, 3).reshape(m, s, 2 * sc)
    c1_point = c1[:, :, :sc]
    c1_value = c1[:, :, sc:]
    nx = _l2norm(x0p)
    nc = _l2norm(c1_point)
    sims = jnp.einsum('mlc,msc->mls', nx, nc)
    sims = alpha * sims + beta
    sims = jax.nn.sigmoid(sims)
    max_vals = jnp.max(sims, axis=2)
    max_idx = jnp.argmax(sims, axis=2)
    max_idx = max_idx + s * jnp.arange(m)[:, None]
    mv = max_vals.reshape(-1)
    mi = max_idx.reshape(-1)
    cv = c1_value.reshape(m * s, sc)
    dispatched = mv[:, None] * jnp.take(cv, mi, axis=0)
    dispatched = dispatched.reshape(n, fc, l, sc).transpose(0, 2, 1, 3).reshape(n, l, fc * sc)
    out = dispatched @ Wm + bm
    return out

if __name__ == "__main__":
    import jax
    _d = setup_inputs()
    print(jax.jit(kernel)(*tuple(_d.values())))

</pallas_src>

<mosaic_0001>
#map = affine_map<(d0, d1) -> (0, 0)>
#map1 = affine_map<(d0, d1) -> (0)>
module attributes {stable_mosaic.version = 14 : i64} {
  func.func @_gather(%arg0: i32, %arg1: i32, %arg2: memref<1024x128xf32, #tpu.memory_space<hbm>>, %arg3: memref<65536xi32, #tpu.memory_space<hbm>>, %arg4: memref<65536x128xf32, #tpu.memory_space<hbm>>, %arg5: memref<2048xi32, #tpu.memory_space<vmem>>, %arg6: memref<2x128x128xf32, #tpu.memory_space<vmem>>, %arg7: memref<!tpu.dma_semaphore, #tpu.memory_space<semaphore_mem>>, %arg8: memref<!tpu.dma_semaphore, #tpu.memory_space<semaphore_mem>>, %arg9: memref<!tpu.dma_semaphore, #tpu.memory_space<semaphore_mem>>, %arg10: memref<!tpu.dma_semaphore, #tpu.memory_space<semaphore_mem>>) attributes {dimension_semantics = [#tpu.dimension_semantics<core_parallel>, #tpu.dimension_semantics<subcore_parallel>], iteration_bounds = array<i64: 2, 16>, scalar_prefetch = 0 : i64, scratch_operands = 6 : i64, tpu.core_type = #tpu.core_type<sc_vector_subcore>, window_params = [{transform_indices = #map}, {transform_indices = #map1}, {transform_indices = #map}]} {
    %mul3A = arith.constant 2 : i32
    %mul3A_0 = arith.muli %arg1, %mul3A : i32
    %add3A = arith.addi %mul3A_0, %arg0 : i32
    %mul3A_1 = arith.constant 2048 : i32
    %mul3A_2 = arith.muli %add3A, %mul3A_1 : i32
    "tpu.region"() ({
      %run_scoped3A = tpu.sem_alloc : memref<!tpu.dma_semaphore, #tpu.memory_space<semaphore_mem>>
      %dma_start3A_769 = tpu.memref_slice %arg3[%mul3A_2] : memref<65536xi32, #tpu.memory_space<hbm>> -> memref<2048xi32, #tpu.memory_space<hbm>>
      %dma_start3A_770 = tpu.memref_slice %arg3[%mul3A_2] : memref<65536xi32, #tpu.memory_space<hbm>> -> memref<2048xi32, #tpu.memory_space<hbm>>
      tpu.enqueue_dma source(%dma_start3A_770 : memref<2048xi32, #tpu.memory_space<hbm>>) target(%arg5 : memref<2048xi32, #tpu.memory_space<vmem>>) target_semaphore(%run_scoped3A : memref<!tpu.dma_semaphore, #tpu.memory_space<semaphore_mem>>)
      %dma_wait3A_771 = tpu.memref_slice %arg3[%mul3A_2] : memref<65536xi32, #tpu.memory_space<hbm>> -> memref<2048xi32, #tpu.memory_space<hbm>>
      %dma_wait3A_772 = tpu.memref_slice %arg3[%mul3A_2] : memref<65536xi32, #tpu.memory_space<hbm>> -> memref<2048xi32, #tpu.memory_space<hbm>>
      tpu.wait_dma2 semaphore(%run_scoped3A : memref<!tpu.dma_semaphore, #tpu.memory_space<semaphore_mem>>) src(%dma_wait3A_772 : memref<2048xi32, #tpu.memory_space<hbm>>) dst(%arg5 : memref<2048xi32, #tpu.memory_space<vmem>>)
      tpu.yield
    }) : () -> ()
    %dma_start3A = arith.constant 0 : i32
    %dma_start3A_3 = arith.constant 0 : i32
    %dma_start3A_4 = arith.constant 0 : i32
    %dma_start3A_5 = tpu.memref_slice %arg6[%dma_start3A, %dma_start3A_3, %dma_start3A_4] : memref<2x128x128xf32, #tpu.memory_space<vmem>> -> memref<1x128x128xf32, #tpu.memory_space<vmem>>
    %dma_start3A_6 = tpu.memref_squeeze %dma_start3A_5 : memref<1x128x128xf32, #tpu.memory_space<vmem>> -> memref<128x128xf32, #tpu.memory_space<vmem>>
    %dma_start3A_7 = arith.constant 0 : i32
    %dma_start3A_8 = tpu.memref_slice %arg5[%dma_start3A_7] : memref<2048xi32, #tpu.memory_space<vmem>> -> memref<128xi32, #tpu.memory_space<vmem>>
    %dma_start3A_9 = arith.constant 0 : i32
    %dma_start3A_10 = arith.constant 0 : i32
    %dma_start3A_11 = tpu.memref_slice %arg2[%dma_start3A_9, %dma_start3A_10] : memref<1024x128xf32, #tpu.memory_space<hbm>> -> memref<1024x128xf32, #tpu.memory_space<hbm>>
    tpu.enqueue_indirect_dma source(%dma_start3A_11 : memref<1024x128xf32, #tpu.memory_space<hbm>>) target(%dma_start3A_6 : memref<128x128xf32, #tpu.memory_space<vmem>>) offsets(%dma_start3A_8 : memref<128xi32, #tpu.memory_space<vmem>>) semaphore(%arg7 : memref<!tpu.dma_semaphore, #tpu.memory_space<semaphore_mem>>)
    %dma_start3A_12 = arith.constant 1 : i32
    %dma_start3A_13 = arith.constant 0 : i32
    %dma_start3A_14 = arith.constant 0 : i32
    %dma_start3A_15 = tpu.memref_slice %arg6[%dma_start3A_12, %dma_start3A_13, %dma_start3A_14] : memref<2x128x128xf32, #tpu.memory_space<vmem>> -> memref<1x128x128xf32, #tpu.memory_space<vmem>>
    %dma_start3A_16 = tpu.memref_squeeze %dma_start3A_15 : memref<1x128x128xf32, #tpu.memory_space<vmem>> -> memref<128x128xf32, #tpu.memory_space<vmem>>
    %dma_start3A_17 = arith.constant 128 : i32
    %dma_start3A_18 = tpu.memref_slice %arg5[%dma_start3A_17] : memref<2048xi32, #tpu.memory_space<vmem>> -> memref<128xi32, #tpu.memory_space<vmem>>
    %dma_start3A_19 = arith.constant 0 : i32
    %dma_start3A_20 = arith.constant 0 : i32
    %dma_start3A_21 = tpu.memref_slice %arg2[%dma_start3A_19, %dma_start3A_20] : memref<1024x128xf32, #tpu.memory_space<hbm>> -> memref<1024x128xf32, #tpu.memory_space<hbm>>
    tpu.enqueue_indirect_dma source(%dma_start3A_21 : memref<1024x128xf32, #tpu.memory_space<hbm>>) target(%dma_start3A_16 : memref<128x128xf32, #tpu.memory_space<vmem>>) offsets(%dma_start3A_18 : memref<128xi32, #tpu.memory_space<vmem>>) semaphore(%arg8 : memref<!tpu.dma_semaphore, #tpu.memory_space<semaphore_mem>>)
    %dma_wait3A = arith.constant 0 : i32
    %dma_wait3A_22 = arith.constant 0 : i32
    %dma_wait3A_23 = arith.constant 0 : i32
    %dma_wait3A_24 = tpu.memref_slice %arg6[%dma_wait3A, %dma_wait3A_22, %dma_wait3A_23] : memref<2x128x128xf32, #tpu.memory_space<vmem>> -> memref<1x128x128xf32, #tpu.memory_space<vmem>>
    %dma_wait3A_25 = tpu.memref_squeeze %dma_wait3A_24 : memref<1x128x128xf32, #tpu.memory_space<vmem>> -> memref<128x128xf32, #tpu.memory_space<vmem>>
    %dma_wait3A_26 = arith.constant 0 : i32
    %dma_wait3A_27 = tpu.memref_slice %arg5[%dma_wait3A_26] : memref<2048xi32, #tpu.memory_space<vmem>> -> memref<128xi32, #tpu.memory_space<vmem>>
    %dma_wait3A_28 = arith.constant 0 : i32
    %dma_wait3A_29 = arith.constant 0 : i32
    %dma_wait3A_30 = tpu.memref_slice %arg2[%dma_wait3A_28, %dma_wait3A_29] : memref<1024x128xf32, #tpu.memory_space<hbm>> -> memref<1024x128xf32, #tpu.memory_space<hbm>>
    tpu.wait_indirect_dma semaphore(%arg7 : memref<!tpu.dma_semaphore, #tpu.memory_space<semaphore_mem>>) src(%dma_wait3A_30 : memref<1024x128xf32, #tpu.memory_space<hbm>>) dst(%dma_wait3A_25 : memref<128x128xf32, #tpu.memory_space<vmem>>)
    %add3A_31 = arith.constant 0 : i32
    %add3A_32 = arith.addi %mul3A_2, %add3A_31 : i32
    %dma_start3A_33 = arith.constant 0 : i32
    %dma_start3A_34 = arith.constant 0 : i32
    %dma_start3A_35 = arith.constant 0 : i32
    %dma_start3A_36 = tpu.memref_slice %arg6[%dma_start3A_33, %dma_start3A_34, %dma_start3A_35] : memref<2x128x128xf32, #tpu.memory_space<vmem>> -> memref<1x128x128xf32, #tpu.memory_space<vmem>>
    %dma_start3A_37 = tpu.memref_squeeze %dma_start3A_36 : memref<1x128x128xf32, #tpu.memory_space<vmem>> -> memref<128x128xf32, #tpu.memory_space<vmem>>
    %dma_start3A_38 = arith.constant 0 : i32
    %dma_start3A_39 = tpu.memref_slice %arg4[%add3A_32, %dma_start3A_38] : memref<65536x128xf32, #tpu.memory_space<hbm>> -> memref<128x128xf32, #tpu.memory_space<hbm>>
    %dma_start3A_40 = arith.constant 0 : i32
    %dma_start3A_41 = tpu.memref_slice %arg4[%add3A_32, %dma_start3A_40] : memref<65536x128xf32, #tpu.memory_space<hbm>> -> memref<128x128xf32, #tpu.memory_space<hbm>>
    %dma_start3A_42 = arith.constant 0 : i32
    %dma_start3A_43 = arith.constant 0 : i32
    %dma_start3A_44 = tpu.memref_slice %arg6[%dma_start3A_33, %dma_start3A_42, %dma_start3A_43] : memref<2x128x128xf32, #tpu.memory_space<vmem>> -> memref<1x128x128xf32, #tpu.memory_space<vmem>>
    %dma_start3A_45 = tpu.memref_squeeze %dma_start3A_44 : memref<1x128x128xf32, #tpu.memory_space<vmem>> -> memref<128x128xf32, #tpu.memory_space<vmem>>
    tpu.enqueue_dma source(%dma_start3A_45 : memref<128x128xf32, #tpu.memory_space<vmem>>) target(%dma_start3A_41 : memref<128x128xf32, #tpu.memory_space<hbm>>) target_semaphore(%arg9 : memref<!tpu.dma_semaphore, #tpu.memory_space<semaphore_mem>>)
    %dma_wait3A_46 = arith.constant 0 : i32
    %dma_wait3A_47 = arith.constant 0 : i32
    %dma_wait3A_48 = arith.constant 0 : i32
    %dma_wait3A_49 = tpu.memref_slice %arg6[%dma_wait3A_46, %dma_wait3A_47, %dma_wait3A_48] : memref<2x128x128xf32, #tpu.memory_space<vmem>> -> memref<1x128x128xf32, #tpu.memory_space<vmem>>
    %dma_wait3A_50 = tpu.memref_squeeze %dma_wait3A_49 : memref<1x128x128xf32, #tpu.memory_space<vmem>> -> memref<128x128xf32, #tpu.memory_space<vmem>>
    %dma_wait3A_51 = arith.constant 0 : i32
    %dma_wait3A_52 = tpu.memref_slice %arg4[%add3A_32, %dma_wait3A_51] : memref<65536x128xf32, #tpu.memory_space<hbm>> -> memref<128x128xf32, #tpu.memory_space<hbm>>
    %dma_wait3A_53 = arith.constant 0 : i32
    %dma_wait3A_54 = tpu.memref_slice %arg4[%add3A_32, %dma_wait3A_53] : memref<65536x128xf32, #tpu.memory_space<hbm>> -> memref<128x128xf32, #tpu.memory_space<hbm>>
    %dma_wait3A_55 = arith.constant 0 : i32
    %dma_wait3A_56 = arith.constant 0 : i32
    %dma_wait3A_57 = tpu.memref_slice %arg6[%dma_wait3A_46, %dma_wait3A_55, %dma_wait3A_56] : memref<2x128x128xf32, #tpu.memory_space<vmem>> -> memref<1x128x128xf32, #tpu.memory_space<vmem>>
    %dma_wait3A_58 = tpu.memref_squeeze %dma_wait3A_57 : memref<1x128x128xf32, #tpu.memory_space<vmem>> -> memref<128x128xf32, #tpu.memory_space<vmem>>
    tpu.wait_dma2 semaphore(%arg9 : memref<!tpu.dma_semaphore, #tpu.memory_space<semaphore_mem>>) src(%dma_wait3A_58 : memref<128x128xf32, #tpu.memory_space<vmem>>) dst(%dma_wait3A_54 : memref<128x128xf32, #tpu.memory_space<hbm>>)
    %dma_start3A_59 = arith.constant 0 : i32
    %dma_start3A_60 = arith.constant 0 : i32
    %dma_start3A_61 = arith.constant 0 : i32
    %dma_start3A_62 = tpu.memref_slice %arg6[%dma_start3A_59, %dma_start3A_60, %dma_start3A_61] : memref<2x128x128xf32, #tpu.memory_space<vmem>> -> memref<1x128x128xf32, #tpu.memory_space<vmem>>
    %dma_start3A_63 = tpu.memref_squeeze %dma_start3A_62 : memref<1x128x128xf32, #tpu.memory_space<vmem>> -> memref<128x128xf32, #tpu.memory_space<vmem>>
    %dma_start3A_64 = arith.constant 256 : i32
    %dma_start3A_65 = tpu.memref_slice %arg5[%dma_start3A_64] : memref<2048xi32, #tpu.memory_space<vmem>> -> memref<128xi32, #tpu.memory_space<vmem>>
    %dma_start3A_66 = arith.constant 0 : i32
    %dma_start3A_67 = arith.constant 0 : i32
    %dma_start3A_68 = tpu.memref_slice %arg2[%dma_start3A_66, %dma_start3A_67] : memref<1024x128xf32, #tpu.memory_space<hbm>> -> memref<1024x128xf32, #tpu.memory_space<hbm>>
    tpu.enqueue_indirect_dma source(%dma_start3A_68 : memref<1024x128xf32, #tpu.memory_space<hbm>>) target(%dma_start3A_63 : memref<128x128xf32, #tpu.memory_space<vmem>>) offsets(%dma_start3A_65 : memref<128xi32, #tpu.memory_space<vmem>>) semaphore(%arg7 : memref<!tpu.dma_semaphore, #tpu.memory_space<semaphore_mem>>)
    %dma_wait3A_69 = arith.constant 1 : i32
    %dma_wait3A_70 = arith.constant 0 : i32
    %dma_wait3A_71 = arith.constant 0 : i32
    %dma_wait3A_72 = tpu.memref_slice %arg6[%dma_wait3A_69, %dma_wait3A_70, %dma_wait3A_71] : memref<2x128x128xf32, #tpu.memory_space<vmem>> -> memref<1x128x128xf32, #tpu.memory_space<vmem>>
    %dma_wait3A_73 = tpu.memref_squeeze %dma_wait3A_72 : memref<1x128x128xf32, #tpu.memory_space<vmem>> -> memref<128x128xf32, #tpu.memory_space<vmem>>
    %dma_wait3A_74 = arith.constant 128 : i32
    %dma_wait3A_75 = tpu.memref_slice %arg5[%dma_wait3A_74] : memref<2048xi32, #tpu.memory_space<vmem>> -> memref<128xi32, #tpu.memory_space<vmem>>
    %dma_wait3A_76 = arith.constant 0 : i32
    %dma_wait3A_77 = arith.constant 0 : i32
    %dma_wait3A_78 = tpu.memref_slice %arg2[%dma_wait3A_76, %dma_wait3A_77] : memref<1024x128xf32, #tpu.memory_space<hbm>> -> memref<1024x128xf32, #tpu.memory_space<hbm>>
    tpu.wait_indirect_dma semaphore(%arg8 : memref<!tpu.dma_semaphore, #tpu.memory_space<semaphore_mem>>) src(%dma_wait3A_78 : memref<1024x128xf32, #tpu.memory_space<hbm>>) dst(%dma_wait3A_73 : memref<128x128xf32, #tpu.memory_space<vmem>>)
    %add3A_79 = arith.constant 128 : i32
    %add3A_80 = arith.addi %mul3A_2, %add3A_79 : i32
    %dma_start3A_81 = arith.constant 1 : i32
    %dma_start3A_82 = arith.constant 0 : i32
    %dma_start3A_83 = arith.constant 0 : i32
    %dma_start3A_84 = tpu.memref_slice %arg6[%dma_start3A_81, %dma_start3A_82, %dma_start3A_83] : memref<2x128x128xf32, #tpu.memory_space<vmem>> -> memref<1x128x128xf32, #tpu.memory_space<vmem>>
    %dma_start3A_85 = tpu.memref_squeeze %dma_start3A_84 : memref<1x128x128xf32, #tpu.memory_space<vmem>> -> memref<128x128xf32, #tpu.memory_space<vmem>>
    %dma_start3A_86 = arith.constant 0 : i32
    %dma_start3A_87 = tpu.memref_slice %arg4[%add3A_80, %dma_start3A_86] : memref<65536x128xf32, #tpu.memory_space<hbm>> -> memref<128x128xf32, #tpu.memory_space<hbm>>
    %dma_start3A_88 = arith.constant 0 : i32
    %dma_start3A_89 = tpu.memref_slice %arg4[%add3A_80, %dma_start3A_88] : memref<65536x128xf32, #tpu.memory_space<hbm>> -> memref<128x128xf32, #tpu.memory_space<hbm>>
    %dma_start3A_90 = arith.constant 0 : i32
    %dma_start3A_91 = arith.constant 0 : i32
    %dma_start3A_92 = tpu.memref_slice %arg6[%dma_start3A_81, %dma_start3A_90, %dma_start3A_91] : memref<2x128x128xf32, #tpu.memory_space<vmem>> -> memref<1x128x128xf32, #tpu.memory_space<vmem>>
    %dma_start3A_93 = tpu.memref_squeeze %dma_start3A_92 : memref<1x128x128xf32, #tpu.memory_space<vmem>> -> memref<128x128xf32, #tpu.memory_space<vmem>>
    tpu.enqueue_dma source(%dma_start3A_93 : memref<128x128xf32, #tpu.memory_space<vmem>>) target(%dma_start3A_89 : memref<128x128xf32, #tpu.memory_space<hbm>>) target_semaphore(%arg10 : memref<!tpu.dma_semaphore, #tpu.memory_space<semaphore_mem>>)
    %dma_wait3A_94 = arith.constant 1 : i32
    %dma_wait3A_95 = arith.constant 0 : i32
    %dma_wait3A_96 = arith.constant 0 : i32
    %dma_wait3A_97 = tpu.memref_slice %arg6[%dma_wait3A_94, %dma_wait3A_95, %dma_wait3A_96] : memref<2x128x128xf32, #tpu.memory_space<vmem>> -> memref<1x128x128xf32, #tpu.memory_space<vmem>>
    %dma_wait3A_98 = tpu.memref_squeeze %dma_wait3A_97 : memref<1x128x128xf32, #tpu.memory_space<vmem>> -> memref<128x128xf32, #tpu.memory_space<vmem>>
    %dma_wait3A_99 = arith.constant 0 : i32
    %dma_wait3A_100 = tpu.memref_slice %arg4[%add3A_80, %dma_wait3A_99] : memref<65536x128xf32, #tpu.memory_space<hbm>> -> memref<128x128xf32, #tpu.memory_space<hbm>>
    %dma_wait3A_101 = arith.constant 0 : i32
    %dma_wait3A_102 = tpu.memref_slice %arg4[%add3A_80, %dma_wait3A_101] : memref<65536x128xf32, #tpu.memory_space<hbm>> -> memref<128x128xf32, #tpu.memory_space<hbm>>
    %dma_wait3A_103 = arith.constant 0 : i32
    %dma_wait3A_104 = arith.constant 0 : i32
    %dma_wait3A_105 = tpu.memref_slice %arg6[%dma_wait3A_94, %dma_wait3A_103, %dma_wait3A_104] : memref<2x128x128xf32, #tpu.memory_space<vmem>> -> memref<1x128x128xf32, #tpu.memory_space<vmem>>
    %dma_wait3A_106 = tpu.memref_squeeze %dma_wait3A_105 : memref<1x128x128xf32, #tpu.memory_space<vmem>> -> memref<128x128xf32, #tpu.memory_space<vmem>>
    tpu.wait_dma2 semaphore(%arg10 : memref<!tpu.dma_semaphore, #tpu.memory_space<semaphore_mem>>) src(%dma_wait3A_106 : memref<128x128xf32, #tpu.memory_space<vmem>>) dst(%dma_wait3A_102 : memref<128x128xf32, #tpu.memory_space<hbm>>)
    %dma_start3A_107 = arith.constant 1 : i32
    %dma_start3A_108 = arith.constant 0 : i32
    %dma_start3A_109 = arith.constant 0 : i32
    %dma_start3A_110 = tpu.memref_slice %arg6[%dma_start3A_107, %dma_start3A_108, %dma_start3A_109] : memref<2x128x128xf32, #tpu.memory_space<vmem>> -> memref<1x128x128xf32, #tpu.memory_space<vmem>>
    %dma_start3A_111 = tpu.memref_squeeze %dma_start3A_110 : memref<1x128x128xf32, #tpu.memory_space<vmem>> -> memref<128x128xf32, #tpu.memory_space<vmem>>
    %dma_start3A_112 = arith.constant 384 : i32
    %dma_start3A_113 = tpu.memref_slice %arg5[%dma_start3A_112] : memref<2048xi32, #tpu.memory_space<vmem>> -> memref<128xi32, #tpu.memory_space<vmem>>
    %dma_start3A_114 = arith.constant 0 : i32
    %dma_start3A_115 = arith.constant 0 : i32
    %dma_start3A_116 = tpu.memref_slice %arg2[%dma_start3A_114, %dma_start3A_115] : memref<1024x128xf32, #tpu.memory_space<hbm>> -> memref<1024x128xf32, #tpu.memory_space<hbm>>
    tpu.enqueue_indirect_dma source(%dma_start3A_116 : memref<1024x128xf32, #tpu.memory_space<hbm>>) target(%dma_start3A_111 : memref<128x128xf32, #tpu.memory_space<vmem>>) offsets(%dma_start3A_113 : memref<128xi32, #tpu.memory_space<vmem>>) semaphore(%arg8 : memref<!tpu.dma_semaphore, #tpu.memory_space<semaphore_mem>>)
    %dma_wait3A_117 = arith.constant 0 : i32
    %dma_wait3A_118 = arith.constant 0 : i32
    %dma_wait3A_119 = arith.constant 0 : i32
    %dma_wait3A_120 = tpu.memref_slice %arg6[%dma_wait3A_117, %dma_wait3A_118, %dma_wait3A_119] : memref<2x128x128xf32, #tpu.memory_space<vmem>> -> memref<1x128x128xf32, #tpu.memory_space<vmem>>
    %dma_wait3A_121 = tpu.memref_squeeze %dma_wait3A_120 : memref<1x128x128xf32, #tpu.memory_space<vmem>> -> memref<128x128xf32, #tpu.memory_space<vmem>>
    %dma_wait3A_122 = arith.constant 256 : i32
    %dma_wait3A_123 = tpu.memref_slice %arg5[%dma_wait3A_122] : memref<2048xi32, #tpu.memory_space<vmem>> -> memref<128xi32, #tpu.memory_space<vmem>>
    %dma_wait3A_124 = arith.constant 0 : i32
    %dma_wait3A_125 = arith.constant 0 : i32
    %dma_wait3A_126 = tpu.memref_slice %arg2[%dma_wait3A_124, %dma_wait3A_125] : memref<1024x128xf32, #tpu.memory_space<hbm>> -> memref<1024x128xf32, #tpu.memory_space<hbm>>
    tpu.wait_indirect_dma semaphore(%arg7 : memref<!tpu.dma_semaphore, #tpu.memory_space<semaphore_mem>>) src(%dma_wait3A_126 : memref<1024x128xf32, #tpu.memory_space<hbm>>) dst(%dma_wait3A_121 : memref<128x128xf32, #tpu.memory_space<vmem>>)
    %add3A_127 = arith.constant 256 : i32
    %add3A_128 = arith.addi %mul3A_2, %add3A_127 : i32
    %dma_start3A_129 = arith.constant 0 : i32
    %dma_start3A_130 = arith.constant 0 : i32
    %dma_start3A_131 = arith.constant 0 : i32
    %dma_start3A_132 = tpu.memref_slice %arg6[%dma_start3A_129, %dma_start3A_130, %dma_start3A_131] : memref<2x128x128xf32, #tpu.memory_space<vmem>> -> memref<1x128x128xf32, #tpu.memory_space<vmem>>
    %dma_start3A_133 = tpu.memref_squeeze %dma_start3A_132 : memref<1x128x128xf32, #tpu.memory_space<vmem>> -> memref<128x128xf32, #tpu.memory_space<vmem>>
    %dma_start3A_134 = arith.constant 0 : i32
    %dma_start3A_135 = tpu.memref_slice %arg4[%add3A_128, %dma_start3A_134] : memref<65536x128xf32, #tpu.memory_space<hbm>> -> memref<128x128xf32, #tpu.memory_space<hbm>>
    %dma_start3A_136 = arith.constant 0 : i32
    %dma_start3A_137 = tpu.memref_slice %arg4[%add3A_128, %dma_start3A_136] : memref<65536x128xf32, #tpu.memory_space<hbm>> -> memref<128x128xf32, #tpu.memory_space<hbm>>
    %dma_start3A_138 = arith.constant 0 : i32
    %dma_start3A_139 = arith.constant 0 : i32
    %dma_start3A_140 = tpu.memref_slice %arg6[%dma_start3A_129, %dma_start3A_138, %dma_start3A_139] : memref<2x128x128xf32, #tpu.memory_space<vmem>> -> memref<1x128x128xf32, #tpu.memory_space<vmem>>
    %dma_start3A_141 = tpu.memref_squeeze %dma_start3A_140 : memref<1x128x128xf32, #tpu.memory_space<vmem>> -> memref<128x128xf32, #tpu.memory_space<vmem>>
    tpu.enqueue_dma source(%dma_start3A_141 : memref<128x128xf32, #tpu.memory_space<vmem>>) target(%dma_start3A_137 : memref<128x128xf32, #tpu.memory_space<hbm>>) target_semaphore(%arg9 : memref<!tpu.dma_semaphore, #tpu.memory_space<semaphore_mem>>)
    %dma_wait3A_142 = arith.constant 0 : i32
    %dma_wait3A_143 = arith.constant 0 : i32
    %dma_wait3A_144 = arith.constant 0 : i32
    %dma_wait3A_145 = tpu.memref_slice %arg6[%dma_wait3A_142, %dma_wait3A_143, %dma_wait3A_144] : memref<2x128x128xf32, #tpu.memory_space<vmem>> -> memref<1x128x128xf32, #tpu.memory_space<vmem>>
    %dma_wait3A_146 = tpu.memref_squeeze %dma_wait3A_145 : memref<1x128x128xf32, #tpu.memory_space<vmem>> -> memref<128x128xf32, #tpu.memory_space<vmem>>
    %dma_wait3A_147 = arith.constant 0 : i32
    %dma_wait3A_148 = tpu.memref_slice %arg4[%add3A_128, %dma_wait3A_147] : memref<65536x128xf32, #tpu.memory_space<hbm>> -> memref<128x128xf32, #tpu.memory_space<hbm>>
    %dma_wait3A_149 = arith.constant 0 : i32
    %dma_wait3A_150 = tpu.memref_slice %arg4[%add3A_128, %dma_wait3A_149] : memref<65536x128xf32, #tpu.memory_space<hbm>> -> memref<128x128xf32, #tpu.memory_space<hbm>>
    %dma_wait3A_151 = arith.constant 0 : i32
    %dma_wait3A_152 = arith.constant 0 : i32
    %dma_wait3A_153 = tpu.memref_slice %arg6[%dma_wait3A_142, %dma_wait3A_151, %dma_wait3A_152] : memref<2x128x128xf32, #tpu.memory_space<vmem>> -> memref<1x128x128xf32, #tpu.memory_space<vmem>>
    %dma_wait3A_154 = tpu.memref_squeeze %dma_wait3A_153 : memref<1x128x128xf32, #tpu.memory_space<vmem>> -> memref<128x128xf32, #tpu.memory_space<vmem>>
    tpu.wait_dma2 semaphore(%arg9 : memref<!tpu.dma_semaphore, #tpu.memory_space<semaphore_mem>>) src(%dma_wait3A_154 : memref<128x128xf32, #tpu.memory_space<vmem>>) dst(%dma_wait3A_150 : memref<128x128xf32, #tpu.memory_space<hbm>>)
    %dma_start3A_155 = arith.constant 0 : i32
    %dma_start3A_156 = arith.constant 0 : i32
    %dma_start3A_157 = arith.constant 0 : i32
    %dma_start3A_158 = tpu.memref_slice %arg6[%dma_start3A_155, %dma_start3A_156, %dma_start3A_157] : memref<2x128x128xf32, #tpu.memory_space<vmem>> -> memref<1x128x128xf32, #tpu.memory_space<vmem>>
    %dma_start3A_159 = tpu.memref_squeeze %dma_start3A_158 : memref<1x128x128xf32, #tpu.memory_space<vmem>> -> memref<128x128xf32, #tpu.memory_space<vmem>>
    %dma_start3A_160 = arith.constant 512 : i32
    %dma_start3A_161 = tpu.memref_slice %arg5[%dma_start3A_160] : memref<2048xi32, #tpu.memory_space<vmem>> -> memref<128xi32, #tpu.memory_space<vmem>>
    %dma_start3A_162 = arith.constant 0 : i32
    %dma_start3A_163 = arith.constant 0 : i32
    %dma_start3A_164 = tpu.memref_slice %arg2[%dma_start3A_162, %dma_start3A_163] : memref<1024x128xf32, #tpu.memory_space<hbm>> -> memref<1024x128xf32, #tpu.memory_space<hbm>>
    tpu.enqueue_indirect_dma source(%dma_start3A_164 : memref<1024x128xf32, #tpu.memory_space<hbm>>) target(%dma_start3A_159 : memref<128x128xf32, #tpu.memory_space<vmem>>) offsets(%dma_start3A_161 : memref<128xi32, #tpu.memory_space<vmem>>) semaphore(%arg7 : memref<!tpu.dma_semaphore, #tpu.memory_space<semaphore_mem>>)
    %dma_wait3A_165 = arith.constant 1 : i32
    %dma_wait3A_166 = arith.constant 0 : i32
    %dma_wait3A_167 = arith.constant 0 : i32
    %dma_wait3A_168 = tpu.memref_slice %arg6[%dma_wait3A_165, %dma_wait3A_166, %dma_wait3A_167] : memref<2x128x128xf32, #tpu.memory_space<vmem>> -> memref<1x128x128xf32, #tpu.memory_space<vmem>>
    %dma_wait3A_169 = tpu.memref_squeeze %dma_wait3A_168 : memref<1x128x128xf32, #tpu.memory_space<vmem>> -> memref<128x128xf32, #tpu.memory_space<vmem>>
    %dma_wait3A_170 = arith.constant 384 : i32
    %dma_wait3A_171 = tpu.memref_slice %arg5[%dma_wait3A_170] : memref<2048xi32, #tpu.memory_space<vmem>> -> memref<128xi32, #tpu.memory_space<vmem>>
    %dma_wait3A_172 = arith.constant 0 : i32
    %dma_wait3A_173 = arith.constant 0 : i32
    %dma_wait3A_174 = tpu.memref_slice %arg2[%dma_wait3A_172, %dma_wait3A_173] : memref<1024x128xf32, #tpu.memory_space<hbm>> -> memref<1024x128xf32, #tpu.memory_space<hbm>>
    tpu.wait_indirect_dma semaphore(%arg8 : memref<!tpu.dma_semaphore, #tpu.memory_space<semaphore_mem>>) src(%dma_wait3A_174 : memref<1024x128xf32, #tpu.memory_space<hbm>>) dst(%dma_wait3A_169 : memref<128x128xf32, #tpu.memory_space<vmem>>)
    %add3A_175 = arith.constant 384 : i32
    %add3A_176 = arith.addi %mul3A_2, %add3A_175 : i32
    %dma_start3A_177 = arith.constant 1 : i32
    %dma_start3A_178 = arith.constant 0 : i32
    %dma_start3A_179 = arith.constant 0 : i32
    %dma_start3A_180 = tpu.memref_slice %arg6[%dma_start3A_177, %dma_start3A_178, %dma_start3A_179] : memref<2x128x128xf32, #tpu.memory_space<vmem>> -> memref<1x128x128xf32, #tpu.memory_space<vmem>>
    %dma_start3A_181 = tpu.memref_squeeze %dma_start3A_180 : memref<1x128x128xf32, #tpu.memory_space<vmem>> -> memref<128x128xf32, #tpu.memory_space<vmem>>
    %dma_start3A_182 = arith.constant 0 : i32
    %dma_start3A_183 = tpu.memref_slice %arg4[%add3A_176, %dma_start3A_182] : memref<65536x128xf32, #tpu.memory_space<hbm>> -> memref<128x128xf32, #tpu.memory_space<hbm>>
    %dma_start3A_184 = arith.constant 0 : i32
    %dma_start3A_185 = tpu.memref_slice %arg4[%add3A_176, %dma_start3A_184] : memref<65536x128xf32, #tpu.memory_space<hbm>> -> memref<128x128xf32, #tpu.memory_space<hbm>>
    %dma_start3A_186 = arith.constant 0 : i32
    %dma_start3A_187 = arith.constant 0 : i32
    %dma_start3A_188 = tpu.memref_slice %arg6[%dma_start3A_177, %dma_start3A_186, %dma_start3A_187] : memref<2x128x128xf32, #tpu.memory_space<vmem>> -> memref<1x128x128xf32, #tpu.memory_space<vmem>>
    %dma_start3A_189 = tpu.memref_squeeze %dma_start3A_188 : memref<1x128x128xf32, #tpu.memory_space<vmem>> -> memref<128x128xf32, #tpu.memory_space<vmem>>
    tpu.enqueue_dma source(%dma_start3A_189 : memref<128x128xf32, #tpu.memory_space<vmem>>) target(%dma_start3A_185 : memref<128x128xf32, #tpu.memory_space<hbm>>) target_semaphore(%arg10 : memref<!tpu.dma_semaphore, #tpu.memory_space<semaphore_mem>>)
    %dma_wait3A_190 = arith.constant 1 : i32
    %dma_wait3A_191 = arith.constant 0 : i32
    %dma_wait3A_192 = arith.constant 0 : i32
    %dma_wait3A_193 = tpu.memref_slice %arg6[%dma_wait3A_190, %dma_wait3A_191, %dma_wait3A_192] : memref<2x128x128xf32, #tpu.memory_space<vmem>> -> memref<1x128x128xf32, #tpu.memory_space<vmem>>
    %dma_wait3A_194 = tpu.memref_squeeze %dma_wait3A_193 : memref<1x128x128xf32, #tpu.memory_space<vmem>> -> memref<128x128xf32, #tpu.memory_space<vmem>>
    %dma_wait3A_195 = arith.constant 0 : i32
    %dma_wait3A_196 = tpu.memref_slice %arg4[%add3A_176, %dma_wait3A_195] : memref<65536x128xf32, #tpu.memory_space<hbm>> -> memref<128x128xf32, #tpu.memory_space<hbm>>
    %dma_wait3A_197 = arith.constant 0 : i32
    %dma_wait3A_198 = tpu.memref_slice %arg4[%add3A_176, %dma_wait3A_197] : memref<65536x128xf32, #tpu.memory_space<hbm>> -> memref<128x128xf32, #tpu.memory_space<hbm>>
    %dma_wait3A_199 = arith.constant 0 : i32
    %dma_wait3A_200 = arith.constant 0 : i32
    %dma_wait3A_201 = tpu.memref_slice %arg6[%dma_wait3A_190, %dma_wait3A_199, %dma_wait3A_200] : memref<2x128x128xf32, #tpu.memory_space<vmem>> -> memref<1x128x128xf32, #tpu.memory_space<vmem>>
    %dma_wait3A_202 = tpu.memref_squeeze %dma_wait3A_201 : memref<1x128x128xf32, #tpu.memory_space<vmem>> -> memref<128x128xf32, #tpu.memory_space<vmem>>
    tpu.wait_dma2 semaphore(%arg10 : memref<!tpu.dma_semaphore, #tpu.memory_space<semaphore_mem>>) src(%dma_wait3A_202 : memref<128x128xf32, #tpu.memory_space<vmem>>) dst(%dma_wait3A_198 : memref<128x128xf32, #tpu.memory_space<hbm>>)
    %dma_start3A_203 = arith.constant 1 : i32
    %dma_start3A_204 = arith.constant 0 : i32
    %dma_start3A_205 = arith.constant 0 : i32
    %dma_start3A_206 = tpu.memref_slice %arg6[%dma_start3A_203, %dma_start3A_204, %dma_start3A_205] : memref<2x128x128xf32, #tpu.memory_space<vmem>> -> memref<1x128x128xf32, #tpu.memory_space<vmem>>
    %dma_start3A_207 = tpu.memref_squeeze %dma_start3A_206 : memref<1x128x128xf32, #tpu.memory_space<vmem>> -> memref<128x128xf32, #tpu.memory_space<vmem>>
    %dma_start3A_208 = arith.constant 640 : i32
    %dma_start3A_209 = tpu.memref_slice %arg5[%dma_start3A_208] : memref<2048xi32, #tpu.memory_space<vmem>> -> memref<128xi32, #tpu.memory_space<vmem>>
    %dma_start3A_210 = arith.constant 0 : i32
    %dma_start3A_211 = arith.constant 0 : i32
    %dma_start3A_212 = tpu.memref_slice %arg2[%dma_start3A_210, %dma_start3A_211] : memref<1024x128xf32, #tpu.memory_space<hbm>> -> memref<1024x128xf32, #tpu.memory_space<hbm>>
    tpu.enqueue_indirect_dma source(%dma_start3A_212 : memref<1024x128xf32, #tpu.memory_space<hbm>>) target(%dma_start3A_207 : memref<128x128xf32, #tpu.memory_space<vmem>>) offsets(%dma_start3A_209 : memref<128xi32, #tpu.memory_space<vmem>>) semaphore(%arg8 : memref<!tpu.dma_semaphore, #tpu.memory_space<semaphore_mem>>)
    %dma_wait3A_213 = arith.constant 0 : i32
    %dma_wait3A_214 = arith.constant 0 : i32
    %dma_wait3A_215 = arith.constant 0 : i32
    %dma_wait3A_216 = tpu.memref_slice %arg6[%dma_wait3A_213, %dma_wait3A_214, %dma_wait3A_215] : memref<2x128x128xf32, #tpu.memory_space<vmem>> -> memref<1x128x128xf32, #tpu.memory_space<vmem>>
    %dma_wait3A_217 = tpu.memref_squeeze %dma_wait3A_216 : memref<1x128x128xf32, #tpu.memory_space<vmem>> -> memref<128x128xf32, #tpu.memory_space<vmem>>
    %dma_wait3A_218 = arith.constant 512 : i32
    %dma_wait3A_219 = tpu.memref_slice %arg5[%dma_wait3A_218] : memref<2048xi32, #tpu.memory_space<vmem>> -> memref<128xi32, #tpu.memory_space<vmem>>
    %dma_wait3A_220 = arith.constant 0 : i32
    %dma_wait3A_221 = arith.constant 0 : i32
    %dma_wait3A_222 = tpu.memref_slice %arg2[%dma_wait3A_220, %dma_wait3A_221] : memref<1024x128xf32, #tpu.memory_space<hbm>> -> memref<1024x128xf32, #tpu.memory_space<hbm>>
    tpu.wait_indirect_dma semaphore(%arg7 : memref<!tpu.dma_semaphore, #tpu.memory_space<semaphore_mem>>) src(%dma_wait3A_222 : memref<1024x128xf32, #tpu.memory_space<hbm>>) dst(%dma_wait3A_217 : memref<128x128xf32, #tpu.memory_space<vmem>>)
    %add3A_223 = arith.constant 512 : i32
    %add3A_224 = arith.addi %mul3A_2, %add3A_223 : i32
    %dma_start3A_225 = arith.constant 0 : i32
    %dma_start3A_226 = arith.constant 0 : i32
    %dma_start3A_227 = arith.constant 0 : i32
    %dma_start3A_228 = tpu.memref_slice %arg6[%dma_start3A_225, %dma_start3A_226, %dma_start3A_227] : memref<2x128x128xf32, #tpu.memory_space<vmem>> -> memref<1x128x128xf32, #tpu.memory_space<vmem>>
    %dma_start3A_229 = tpu.memref_squeeze %dma_start3A_228 : memref<1x128x128xf32, #tpu.memory_space<vmem>> -> memref<128x128xf32, #tpu.memory_space<vmem>>
    %dma_start3A_230 = arith.constant 0 : i32
    %dma_start3A_231 = tpu.memref_slice %arg4[%add3A_224, %dma_start3A_230] : memref<65536x128xf32, #tpu.memory_space<hbm>> -> memref<128x128xf32, #tpu.memory_space<hbm>>
    %dma_start3A_232 = arith.constant 0 : i32
    %dma_start3A_233 = tpu.memref_slice %arg4[%add3A_224, %dma_start3A_232] : memref<65536x128xf32, #tpu.memory_space<hbm>> -> memref<128x128xf32, #tpu.memory_space<hbm>>
    %dma_start3A_234 = arith.constant 0 : i32
    %dma_start3A_235 = arith.constant 0 : i32
    %dma_start3A_236 = tpu.memref_slice %arg6[%dma_start3A_225, %dma_start3A_234, %dma_start3A_235] : memref<2x128x128xf32, #tpu.memory_space<vmem>> -> memref<1x128x128xf32, #tpu.memory_space<vmem>>
    %dma_start3A_237 = tpu.memref_squeeze %dma_start3A_236 : memref<1x128x128xf32, #tpu.memory_space<vmem>> -> memref<128x128xf32, #tpu.memory_space<vmem>>
    tpu.enqueue_dma source(%dma_start3A_237 : memref<128x128xf32, #tpu.memory_space<vmem>>) target(%dma_start3A_233 : memref<128x128xf32, #tpu.memory_space<hbm>>) target_semaphore(%arg9 : memref<!tpu.dma_semaphore, #tpu.memory_space<semaphore_mem>>)
    %dma_wait3A_238 = arith.constant 0 : i32
    %dma_wait3A_239 = arith.constant 0 : i32
    %dma_wait3A_240 = arith.constant 0 : i32
    %dma_wait3A_241 = tpu.memref_slice %arg6[%dma_wait3A_238, %dma_wait3A_239, %dma_wait3A_240] : memref<2x128x128xf32, #tpu.memory_space<vmem>> -> memref<1x128x128xf32, #tpu.memory_space<vmem>>
    %dma_wait3A_242 = tpu.memref_squeeze %dma_wait3A_241 : memref<1x128x128xf32, #tpu.memory_space<vmem>> -> memref<128x128xf32, #tpu.memory_space<vmem>>
    %dma_wait3A_243 = arith.constant 0 : i32
    %dma_wait3A_244 = tpu.memref_slice %arg4[%add3A_224, %dma_wait3A_243] : memref<65536x128xf32, #tpu.memory_space<hbm>> -> memref<128x128xf32, #tpu.memory_space<hbm>>
    %dma_wait3A_245 = arith.constant 0 : i32
    %dma_wait3A_246 = tpu.memref_slice %arg4[%add3A_224, %dma_wait3A_245] : memref<65536x128xf32, #tpu.memory_space<hbm>> -> memref<128x128xf32, #tpu.memory_space<hbm>>
    %dma_wait3A_247 = arith.constant 0 : i32
    %dma_wait3A_248 = arith.constant 0 : i32
    %dma_wait3A_249 = tpu.memref_slice %arg6[%dma_wait3A_238, %dma_wait3A_247, %dma_wait3A_248] : memref<2x128x128xf32, #tpu.memory_space<vmem>> -> memref<1x128x128xf32, #tpu.memory_space<vmem>>
    %dma_wait3A_250 = tpu.memref_squeeze %dma_wait3A_249 : memref<1x128x128xf32, #tpu.memory_space<vmem>> -> memref<128x128xf32, #tpu.memory_space<vmem>>
    tpu.wait_dma2 semaphore(%arg9 : memref<!tpu.dma_semaphore, #tpu.memory_space<semaphore_mem>>) src(%dma_wait3A_250 : memref<128x128xf32, #tpu.memory_space<vmem>>) dst(%dma_wait3A_246 : memref<128x128xf32, #tpu.memory_space<hbm>>)
    %dma_start3A_251 = arith.constant 0 : i32
    %dma_start3A_252 = arith.constant 0 : i32
    %dma_start3A_253 = arith.constant 0 : i32
    %dma_start3A_254 = tpu.memref_slice %arg6[%dma_start3A_251, %dma_start3A_252, %dma_start3A_253] : memref<2x128x128xf32, #tpu.memory_space<vmem>> -> memref<1x128x128xf32, #tpu.memory_space<vmem>>
    %dma_start3A_255 = tpu.memref_squeeze %dma_start3A_254 : memref<1x128x128xf32, #tpu.memory_space<vmem>> -> memref<128x128xf32, #tpu.memory_space<vmem>>
    %dma_start3A_256 = arith.constant 768 : i32
    %dma_start3A_257 = tpu.memref_slice %arg5[%dma_start3A_256] : memref<2048xi32, #tpu.memory_space<vmem>> -> memref<128xi32, #tpu.memory_space<vmem>>
    %dma_start3A_258 = arith.constant 0 : i32
    %dma_start3A_259 = arith.constant 0 : i32
    %dma_start3A_260 = tpu.memref_slice %arg2[%dma_start3A_258, %dma_start3A_259] : memref<1024x128xf32, #tpu.memory_space<hbm>> -> memref<1024x128xf32, #tpu.memory_space<hbm>>
    tpu.enqueue_indirect_dma source(%dma_start3A_260 : memref<1024x128xf32, #tpu.memory_space<hbm>>) target(%dma_start3A_255 : memref<128x128xf32, #tpu.memory_space<vmem>>) offsets(%dma_start3A_257 : memref<128xi32, #tpu.memory_space<vmem>>) semaphore(%arg7 : memref<!tpu.dma_semaphore, #tpu.memory_space<semaphore_mem>>)
    %dma_wait3A_261 = arith.constant 1 : i32
    %dma_wait3A_262 = arith.constant 0 : i32
    %dma_wait3A_263 = arith.constant 0 : i32
    %dma_wait3A_264 = tpu.memref_slice %arg6[%dma_wait3A_261, %dma_wait3A_262, %dma_wait3A_263] : memref<2x128x128xf32, #tpu.memory_space<vmem>> -> memref<1x128x128xf32, #tpu.memory_space<vmem>>
    %dma_wait3A_265 = tpu.memref_squeeze %dma_wait3A_264 : memref<1x128x128xf32, #tpu.memory_space<vmem>> -> memref<128x128xf32, #tpu.memory_space<vmem>>
    %dma_wait3A_266 = arith.constant 640 : i32
    %dma_wait3A_267 = tpu.memref_slice %arg5[%dma_wait3A_266] : memref<2048xi32, #tpu.memory_space<vmem>> -> memref<128xi32, #tpu.memory_space<vmem>>
    %dma_wait3A_268 = arith.constant 0 : i32
    %dma_wait3A_269 = arith.constant 0 : i32
    %dma_wait3A_270 = tpu.memref_slice %arg2[%dma_wait3A_268, %dma_wait3A_269] : memref<1024x128xf32, #tpu.memory_space<hbm>> -> memref<1024x128xf32, #tpu.memory_space<hbm>>
    tpu.wait_indirect_dma semaphore(%arg8 : memref<!tpu.dma_semaphore, #tpu.memory_space<semaphore_mem>>) src(%dma_wait3A_270 : memref<1024x128xf32, #tpu.memory_space<hbm>>) dst(%dma_wait3A_265 : memref<128x128xf32, #tpu.memory_space<vmem>>)
    %add3A_271 = arith.constant 640 : i32
    %add3A_272 = arith.addi %mul3A_2, %add3A_271 : i32
    %dma_start3A_273 = arith.constant 1 : i32
    %dma_start3A_274 = arith.constant 0 : i32
    %dma_start3A_275 = arith.constant 0 : i32
    %dma_start3A_276 = tpu.memref_slice %arg6[%dma_start3A_273, %dma_start3A_274, %dma_start3A_275] : memref<2x128x128xf32, #tpu.memory_space<vmem>> -> memref<1x128x128xf32, #tpu.memory_space<vmem>>
    %dma_start3A_277 = tpu.memref_squeeze %dma_start3A_276 : memref<1x128x128xf32, #tpu.memory_space<vmem>> -> memref<128x128xf32, #tpu.memory_space<vmem>>
    %dma_start3A_278 = arith.constant 0 : i32
    %dma_start3A_279 = tpu.memref_slice %arg4[%add3A_272, %dma_start3A_278] : memref<65536x128xf32, #tpu.memory_space<hbm>> -> memref<128x128xf32, #tpu.memory_space<hbm>>
    %dma_start3A_280 = arith.constant 0 : i32
    %dma_start3A_281 = tpu.memref_slice %arg4[%add3A_272, %dma_start3A_280] : memref<65536x128xf32, #tpu.memory_space<hbm>> -> memref<128x128xf32, #tpu.memory_space<hbm>>
    %dma_start3A_282 = arith.constant 0 : i32
    %dma_start3A_283 = arith.constant 0 : i32
    %dma_start3A_284 = tpu.memref_slice %arg6[%dma_start3A_273, %dma_start3A_282, %dma_start3A_283] : memref<2x128x128xf32, #tpu.memory_space<vmem>> -> memref<1x128x128xf32, #tpu.memory_space<vmem>>
    %dma_start3A_285 = tpu.memref_squeeze %dma_start3A_284 : memref<1x128x128xf32, #tpu.memory_space<vmem>> -> memref<128x128xf32, #tpu.memory_space<vmem>>
    tpu.enqueue_dma source(%dma_start3A_285 : memref<128x128xf32, #tpu.memory_space<vmem>>) target(%dma_start3A_281 : memref<128x128xf32, #tpu.memory_space<hbm>>) target_semaphore(%arg10 : memref<!tpu.dma_semaphore, #tpu.memory_space<semaphore_mem>>)
    %dma_wait3A_286 = arith.constant 1 : i32
    %dma_wait3A_287 = arith.constant 0 : i32
    %dma_wait3A_288 = arith.constant 0 : i32
    %dma_wait3A_289 = tpu.memref_slice %arg6[%dma_wait3A_286, %dma_wait3A_287, %dma_wait3A_288] : memref<2x128x128xf32, #tpu.memory_space<vmem>> -> memref<1x128x128xf32, #tpu.memory_space<vmem>>
    %dma_wait3A_290 = tpu.memref_squeeze %dma_wait3A_289 : memref<1x128x128xf32, #tpu.memory_space<vmem>> -> memref<128x128xf32, #tpu.memory_space<vmem>>
    %dma_wait3A_291 = arith.constant 0 : i32
    %dma_wait3A_292 = tpu.memref_slice %arg4[%add3A_272, %dma_wait3A_291] : memref<65536x128xf32, #tpu.memory_space<hbm>> -> memref<128x128xf32, #tpu.memory_space<hbm>>
    %dma_wait3A_293 = arith.constant 0 : i32
    %dma_wait3A_294 = tpu.memref_slice %arg4[%add3A_272, %dma_wait3A_293] : memref<65536x128xf32, #tpu.memory_space<hbm>> -> memref<128x128xf32, #tpu.memory_space<hbm>>
    %dma_wait3A_295 = arith.constant 0 : i32
    %dma_wait3A_296 = arith.constant 0 : i32
    %dma_wait3A_297 = tpu.memref_slice %arg6[%dma_wait3A_286, %dma_wait3A_295, %dma_wait3A_296] : memref<2x128x128xf32, #tpu.memory_space<vmem>> -> memref<1x128x128xf32, #tpu.memory_space<vmem>>
    %dma_wait3A_298 = tpu.memref_squeeze %dma_wait3A_297 : memref<1x128x128xf32, #tpu.memory_space<vmem>> -> memref<128x128xf32, #tpu.memory_space<vmem>>
    tpu.wait_dma2 semaphore(%arg10 : memref<!tpu.dma_semaphore, #tpu.memory_space<semaphore_mem>>) src(%dma_wait3A_298 : memref<128x128xf32, #tpu.memory_space<vmem>>) dst(%dma_wait3A_294 : memref<128x128xf32, #tpu.memory_space<hbm>>)
    %dma_start3A_299 = arith.constant 1 : i32
    %dma_start3A_300 = arith.constant 0 : i32
    %dma_start3A_301 = arith.constant 0 : i32
    %dma_start3A_302 = tpu.memref_slice %arg6[%dma_start3A_299, %dma_start3A_300, %dma_start3A_301] : memref<2x128x128xf32, #tpu.memory_space<vmem>> -> memref<1x128x128xf32, #tpu.memory_space<vmem>>
    %dma_start3A_303 = tpu.memref_squeeze %dma_start3A_302 : memref<1x128x128xf32, #tpu.memory_space<vmem>> -> memref<128x128xf32, #tpu.memory_space<vmem>>
    %dma_start3A_304 = arith.constant 896 : i32
    %dma_start3A_305 = tpu.memref_slice %arg5[%dma_start3A_304] : memref<2048xi32, #tpu.memory_space<vmem>> -> memref<128xi32, #tpu.memory_space<vmem>>
    %dma_start3A_306 = arith.constant 0 : i32
    %dma_start3A_307 = arith.constant 0 : i32
    %dma_start3A_308 = tpu.memref_slice %arg2[%dma_start3A_306, %dma_start3A_307] : memref<1024x128xf32, #tpu.memory_space<hbm>> -> memref<1024x128xf32, #tpu.memory_space<hbm>>
    tpu.enqueue_indirect_dma source(%dma_start3A_308 : memref<1024x128xf32, #tpu.memory_space<hbm>>) target(%dma_start3A_303 : memref<128x128xf32, #tpu.memory_space<vmem>>) offsets(%dma_start3A_305 : memref<128xi32, #tpu.memory_space<vmem>>) semaphore(%arg8 : memref<!tpu.dma_semaphore, #tpu.memory_space<semaphore_mem>>)
    %dma_wait3A_309 = arith.constant 0 : i32
    %dma_wait3A_310 = arith.constant 0 : i32
    %dma_wait3A_311 = arith.constant 0 : i32
    %dma_wait3A_312 = tpu.memref_slice %arg6[%dma_wait3A_309, %dma_wait3A_310, %dma_wait3A_311] : memref<2x128x128xf32, #tpu.memory_space<vmem>> -> memref<1x128x128xf32, #tpu.memory_space<vmem>>
    %dma_wait3A_313 = tpu.memref_squeeze %dma_wait3A_312 : memref<1x128x128xf32, #tpu.memory_space<vmem>> -> memref<128x128xf32, #tpu.memory_space<vmem>>
    %dma_wait3A_314 = arith.constant 768 : i32
    %dma_wait3A_315 = tpu.memref_slice %arg5[%dma_wait3A_314] : memref<2048xi32, #tpu.memory_space<vmem>> -> memref<128xi32, #tpu.memory_space<vmem>>
    %dma_wait3A_316 = arith.constant 0 : i32
    %dma_wait3A_317 = arith.constant 0 : i32
    %dma_wait3A_318 = tpu.memref_slice %arg2[%dma_wait3A_316, %dma_wait3A_317] : memref<1024x128xf32, #tpu.memory_space<hbm>> -> memref<1024x128xf32, #tpu.memory_space<hbm>>
    tpu.wait_indirect_dma semaphore(%arg7 : memref<!tpu.dma_semaphore, #tpu.memory_space<semaphore_mem>>) src(%dma_wait3A_318 : memref<1024x128xf32, #tpu.memory_space<hbm>>) dst(%dma_wait3A_313 : memref<128x128xf32, #tpu.memory_space<vmem>>)
    %add3A_319 = arith.constant 768 : i32
    %add3A_320 = arith.addi %mul3A_2, %add3A_319 : i32
    %dma_start3A_321 = arith.constant 0 : i32
    %dma_start3A_322 = arith.constant 0 : i32
    %dma_start3A_323 = arith.constant 0 : i32
    %dma_start3A_324 = tpu.memref_slice %arg6[%dma_start3A_321, %dma_start3A_322, %dma_start3A_323] : memref<2x128x128xf32, #tpu.memory_space<vmem>> -> memref<1x128x128xf32, #tpu.memory_space<vmem>>
    %dma_start3A_325 = tpu.memref_squeeze %dma_start3A_324 : memref<1x128x128xf32, #tpu.memory_space<vmem>> -> memref<128x128xf32, #tpu.memory_space<vmem>>
    %dma_start3A_326 = arith.constant 0 : i32
    %dma_start3A_327 = tpu.memref_slice %arg4[%add3A_320, %dma_start3A_326] : memref<65536x128xf32, #tpu.memory_space<hbm>> -> memref<128x128xf32, #tpu.memory_space<hbm>>
    %dma_start3A_328 = arith.constant 0 : i32
    %dma_start3A_329 = tpu.memref_slice %arg4[%add3A_320, %dma_start3A_328] : memref<65536x128xf32, #tpu.memory_space<hbm>> -> memref<128x128xf32, #tpu.memory_space<hbm>>
    %dma_start3A_330 = arith.constant 0 : i32
    %dma_start3A_331 = arith.constant 0 : i32
    %dma_start3A_332 = tpu.memref_slice %arg6[%dma_start3A_321, %dma_start3A_330, %dma_start3A_331] : memref<2x128x128xf32, #tpu.memory_space<vmem>> -> memref<1x128x128xf32, #tpu.memory_space<vmem>>
    %dma_start3A_333 = tpu.memref_squeeze %dma_start3A_332 : memref<1x128x128xf32, #tpu.memory_space<vmem>> -> memref<128x128xf32, #tpu.memory_space<vmem>>
    tpu.enqueue_dma source(%dma_start3A_333 : memref<128x128xf32, #tpu.memory_space<vmem>>) target(%dma_start3A_329 : memref<128x128xf32, #tpu.memory_space<hbm>>) target_semaphore(%arg9 : memref<!tpu.dma_semaphore, #tpu.memory_space<semaphore_mem>>)
    %dma_wait3A_334 = arith.constant 0 : i32
    %dma_wait3A_335 = arith.constant 0 : i32
    %dma_wait3A_336 = arith.constant 0 : i32
    %dma_wait3A_337 = tpu.memref_slice %arg6[%dma_wait3A_334, %dma_wait3A_335, %dma_wait3A_336] : memref<2x128x128xf32, #tpu.memory_space<vmem>> -> memref<1x128x128xf32, #tpu.memory_space<vmem>>
    %dma_wait3A_338 = tpu.memref_squeeze %dma_wait3A_337 : memref<1x128x128xf32, #tpu.memory_space<vmem>> -> memref<128x128xf32, #tpu.memory_space<vmem>>
    %dma_wait3A_339 = arith.constant 0 : i32
    %dma_wait3A_340 = tpu.memref_slice %arg4[%add3A_320, %dma_wait3A_339] : memref<65536x128xf32, #tpu.memory_space<hbm>> -> memref<128x128xf32, #tpu.memory_space<hbm>>
    %dma_wait3A_341 = arith.constant 0 : i32
    %dma_wait3A_342 = tpu.memref_slice %arg4[%add3A_320, %dma_wait3A_341] : memref<65536x128xf32, #tpu.memory_space<hbm>> -> memref<128x128xf32, #tpu.memory_space<hbm>>
    %dma_wait3A_343 = arith.constant 0 : i32
    %dma_wait3A_344 = arith.constant 0 : i32
    %dma_wait3A_345 = tpu.memref_slice %arg6[%dma_wait3A_334, %dma_wait3A_343, %dma_wait3A_344] : memref<2x128x128xf32, #tpu.memory_space<vmem>> -> memref<1x128x128xf32, #tpu.memory_space<vmem>>
    %dma_wait3A_346 = tpu.memref_squeeze %dma_wait3A_345 : memref<1x128x128xf32, #tpu.memory_space<vmem>> -> memref<128x128xf32, #tpu.memory_space<vmem>>
    tpu.wait_dma2 semaphore(%arg9 : memref<!tpu.dma_semaphore, #tpu.memory_space<semaphore_mem>>) src(%dma_wait3A_346 : memref<128x128xf32, #tpu.memory_space<vmem>>) dst(%dma_wait3A_342 : memref<128x128xf32, #tpu.memory_space<hbm>>)
    %dma_start3A_347 = arith.constant 0 : i32
    %dma_start3A_348 = arith.constant 0 : i32
    %dma_start3A_349 = arith.constant 0 : i32
    %dma_start3A_350 = tpu.memref_slice %arg6[%dma_start3A_347, %dma_start3A_348, %dma_start3A_349] : memref<2x128x128xf32, #tpu.memory_space<vmem>> -> memref<1x128x128xf32, #tpu.memory_space<vmem>>
    %dma_start3A_351 = tpu.memref_squeeze %dma_start3A_350 : memref<1x128x128xf32, #tpu.memory_space<vmem>> -> memref<128x128xf32, #tpu.memory_space<vmem>>
    %dma_start3A_352 = arith.constant 1024 : i32
    %dma_start3A_353 = tpu.memref_slice %arg5[%dma_start3A_352] : memref<2048xi32, #tpu.memory_space<vmem>> -> memref<128xi32, #tpu.memory_space<vmem>>
    %dma_start3A_354 = arith.constant 0 : i32
    %dma_start3A_355 = arith.constant 0 : i32
    %dma_start3A_356 = tpu.memref_slice %arg2[%dma_start3A_354, %dma_start3A_355] : memref<1024x128xf32, #tpu.memory_space<hbm>> -> memref<1024x128xf32, #tpu.memory_space<hbm>>
    tpu.enqueue_indirect_dma source(%dma_start3A_356 : memref<1024x128xf32, #tpu.memory_space<hbm>>) target(%dma_start3A_351 : memref<128x128xf32, #tpu.memory_space<vmem>>) offsets(%dma_start3A_353 : memref<128xi32, #tpu.memory_space<vmem>>) semaphore(%arg7 : memref<!tpu.dma_semaphore, #tpu.memory_space<semaphore_mem>>)
    %dma_wait3A_357 = arith.constant 1 : i32
    %dma_wait3A_358 = arith.constant 0 : i32
    %dma_wait3A_359 = arith.constant 0 : i32
    %dma_wait3A_360 = tpu.memref_slice %arg6[%dma_wait3A_357, %dma_wait3A_358, %dma_wait3A_359] : memref<2x128x128xf32, #tpu.memory_space<vmem>> -> memref<1x128x128xf32, #tpu.memory_space<vmem>>
    %dma_wait3A_361 = tpu.memref_squeeze %dma_wait3A_360 : memref<1x128x128xf32, #tpu.memory_space<vmem>> -> memref<128x128xf32, #tpu.memory_space<vmem>>
    %dma_wait3A_362 = arith.constant 896 : i32
    %dma_wait3A_363 = tpu.memref_slice %arg5[%dma_wait3A_362] : memref<2048xi32, #tpu.memory_space<vmem>> -> memref<128xi32, #tpu.memory_space<vmem>>
    %dma_wait3A_364 = arith.constant 0 : i32
    %dma_wait3A_365 = arith.constant 0 : i32
    %dma_wait3A_366 = tpu.memref_slice %arg2[%dma_wait3A_364, %dma_wait3A_365] : memref<1024x128xf32, #tpu.memory_space<hbm>> -> memref<1024x128xf32, #tpu.memory_space<hbm>>
    tpu.wait_indirect_dma semaphore(%arg8 : memref<!tpu.dma_semaphore, #tpu.memory_space<semaphore_mem>>) src(%dma_wait3A_366 : memref<1024x128xf32, #tpu.memory_space<hbm>>) dst(%dma_wait3A_361 : memref<128x128xf32, #tpu.memory_space<vmem>>)
    %add3A_367 = arith.constant 896 : i32
    %add3A_368 = arith.addi %mul3A_2, %add3A_367 : i32
    %dma_start3A_369 = arith.constant 1 : i32
    %dma_start3A_370 = arith.constant 0 : i32
    %dma_start3A_371 = arith.constant 0 : i32
    %dma_start3A_372 = tpu.memref_slice %arg6[%dma_start3A_369, %dma_start3A_370, %dma_start3A_371] : memref<2x128x128xf32, #tpu.memory_space<vmem>> -> memref<1x128x128xf32, #tpu.memory_space<vmem>>
    %dma_start3A_373 = tpu.memref_squeeze %dma_start3A_372 : memref<1x128x128xf32, #tpu.memory_space<vmem>> -> memref<128x128xf32, #tpu.memory_space<vmem>>
    %dma_start3A_374 = arith.constant 0 : i32
    %dma_start3A_375 = tpu.memref_slice %arg4[%add3A_368, %dma_start3A_374] : memref<65536x128xf32, #tpu.memory_space<hbm>> -> memref<128x128xf32, #tpu.memory_space<hbm>>
    %dma_start3A_376 = arith.constant 0 : i32
    %dma_start3A_377 = tpu.memref_slice %arg4[%add3A_368, %dma_start3A_376] : memref<65536x128xf32, #tpu.memory_space<hbm>> -> memref<128x128xf32, #tpu.memory_space<hbm>>
    %dma_start3A_378 = arith.constant 0 : i32
    %dma_start3A_379 = arith.constant 0 : i32
    %dma_start3A_380 = tpu.memref_slice %arg6[%dma_start3A_369, %dma_start3A_378, %dma_start3A_379] : memref<2x128x128xf32, #tpu.memory_space<vmem>> -> memref<1x128x128xf32, #tpu.memory_space<vmem>>
    %dma_start3A_381 = tpu.memref_squeeze %dma_start3A_380 : memref<1x128x128xf32, #tpu.memory_space<vmem>> -> memref<128x128xf32, #tpu.memory_space<vmem>>
    tpu.enqueue_dma source(%dma_start3A_381 : memref<128x128xf32, #tpu.memory_space<vmem>>) target(%dma_start3A_377 : memref<128x128xf32, #tpu.memory_space<hbm>>) target_semaphore(%arg10 : memref<!tpu.dma_semaphore, #tpu.memory_space<semaphore_mem>>)
    %dma_wait3A_382 = arith.constant 1 : i32
    %dma_wait3A_383 = arith.constant 0 : i32
    %dma_wait3A_384 = arith.constant 0 : i32
    %dma_wait3A_385 = tpu.memref_slice %arg6[%dma_wait3A_382, %dma_wait3A_383, %dma_wait3A_384] : memref<2x128x128xf32, #tpu.memory_space<vmem>> -> memref<1x128x128xf32, #tpu.memory_space<vmem>>
    %dma_wait3A_386 = tpu.memref_squeeze %dma_wait3A_385 : memref<1x128x128xf32, #tpu.memory_space<vmem>> -> memref<128x128xf32, #tpu.memory_space<vmem>>
    %dma_wait3A_387 = arith.constant 0 : i32
    %dma_wait3A_388 = tpu.memref_slice %arg4[%add3A_368, %dma_wait3A_387] : memref<65536x128xf32, #tpu.memory_space<hbm>> -> memref<128x128xf32, #tpu.memory_space<hbm>>
    %dma_wait3A_389 = arith.constant 0 : i32
    %dma_wait3A_390 = tpu.memref_slice %arg4[%add3A_368, %dma_wait3A_389] : memref<65536x128xf32, #tpu.memory_space<hbm>> -> memref<128x128xf32, #tpu.memory_space<hbm>>
    %dma_wait3A_391 = arith.constant 0 : i32
    %dma_wait3A_392 = arith.constant 0 : i32
    %dma_wait3A_393 = tpu.memref_slice %arg6[%dma_wait3A_382, %dma_wait3A_391, %dma_wait3A_392] : memref<2x128x128xf32, #tpu.memory_space<vmem>> -> memref<1x128x128xf32, #tpu.memory_space<vmem>>
    %dma_wait3A_394 = tpu.memref_squeeze %dma_wait3A_393 : memref<1x128x128xf32, #tpu.memory_space<vmem>> -> memref<128x128xf32, #tpu.memory_space<vmem>>
    tpu.wait_dma2 semaphore(%arg10 : memref<!tpu.dma_semaphore, #tpu.memory_space<semaphore_mem>>) src(%dma_wait3A_394 : memref<128x128xf32, #tpu.memory_space<vmem>>) dst(%dma_wait3A_390 : memref<128x128xf32, #tpu.memory_space<hbm>>)
    %dma_start3A_395 = arith.constant 1 : i32
    %dma_start3A_396 = arith.constant 0 : i32
    %dma_start3A_397 = arith.constant 0 : i32
    %dma_start3A_398 = tpu.memref_slice %arg6[%dma_start3A_395, %dma_start3A_396, %dma_start3A_397] : memref<2x128x128xf32, #tpu.memory_space<vmem>> -> memref<1x128x128xf32, #tpu.memory_space<vmem>>
    %dma_start3A_399 = tpu.memref_squeeze %dma_start3A_398 : memref<1x128x128xf32, #tpu.memory_space<vmem>> -> memref<128x128xf32, #tpu.memory_space<vmem>>
    %dma_start3A_400 = arith.constant 1152 : i32
    %dma_start3A_401 = tpu.memref_slice %arg5[%dma_start3A_400] : memref<2048xi32, #tpu.memory_space<vmem>> -> memref<128xi32, #tpu.memory_space<vmem>>
    %dma_start3A_402 = arith.constant 0 : i32
    %dma_start3A_403 = arith.constant 0 : i32
    %dma_start3A_404 = tpu.memref_slice %arg2[%dma_start3A_402, %dma_start3A_403] : memref<1024x128xf32, #tpu.memory_space<hbm>> -> memref<1024x128xf32, #tpu.memory_space<hbm>>
    tpu.enqueue_indirect_dma source(%dma_start3A_404 : memref<1024x128xf32, #tpu.memory_space<hbm>>) target(%dma_start3A_399 : memref<128x128xf32, #tpu.memory_space<vmem>>) offsets(%dma_start3A_401 : memref<128xi32, #tpu.memory_space<vmem>>) semaphore(%arg8 : memref<!tpu.dma_semaphore, #tpu.memory_space<semaphore_mem>>)
    %dma_wait3A_405 = arith.constant 0 : i32
    %dma_wait3A_406 = arith.constant 0 : i32
    %dma_wait3A_407 = arith.constant 0 : i32
    %dma_wait3A_408 = tpu.memref_slice %arg6[%dma_wait3A_405, %dma_wait3A_406, %dma_wait3A_407] : memref<2x128x128xf32, #tpu.memory_space<vmem>> -> memref<1x128x128xf32, #tpu.memory_space<vmem>>
    %dma_wait3A_409 = tpu.memref_squeeze %dma_wait3A_408 : memref<1x128x128xf32, #tpu.memory_space<vmem>> -> memref<128x128xf32, #tpu.memory_space<vmem>>
    %dma_wait3A_410 = arith.constant 1024 : i32
    %dma_wait3A_411 = tpu.memref_slice %arg5[%dma_wait3A_410] : memref<2048xi32, #tpu.memory_space<vmem>> -> memref<128xi32, #tpu.memory_space<vmem>>
    %dma_wait3A_412 = arith.constant 0 : i32
    %dma_wait3A_413 = arith.constant 0 : i32
    %dma_wait3A_414 = tpu.memref_slice %arg2[%dma_wait3A_412, %dma_wait3A_413] : memref<1024x128xf32, #tpu.memory_space<hbm>> -> memref<1024x128xf32, #tpu.memory_space<hbm>>
    tpu.wait_indirect_dma semaphore(%arg7 : memref<!tpu.dma_semaphore, #tpu.memory_space<semaphore_mem>>) src(%dma_wait3A_414 : memref<1024x128xf32, #tpu.memory_space<hbm>>) dst(%dma_wait3A_409 : memref<128x128xf32, #tpu.memory_space<vmem>>)
    %add3A_415 = arith.constant 1024 : i32
    %add3A_416 = arith.addi %mul3A_2, %add3A_415 : i32
    %dma_start3A_417 = arith.constant 0 : i32
    %dma_start3A_418 = arith.constant 0 : i32
    %dma_start3A_419 = arith.constant 0 : i32
    %dma_start3A_420 = tpu.memref_slice %arg6[%dma_start3A_417, %dma_start3A_418, %dma_start3A_419] : memref<2x128x128xf32, #tpu.memory_space<vmem>> -> memref<1x128x128xf32, #tpu.memory_space<vmem>>
    %dma_start3A_421 = tpu.memref_squeeze %dma_start3A_420 : memref<1x128x128xf32, #tpu.memory_space<vmem>> -> memref<128x128xf32, #tpu.memory_space<vmem>>
    %dma_start3A_422 = arith.constant 0 : i32
    %dma_start3A_423 = tpu.memref_slice %arg4[%add3A_416, %dma_start3A_422] : memref<65536x128xf32, #tpu.memory_space<hbm>> -> memref<128x128xf32, #tpu.memory_space<hbm>>
    %dma_start3A_424 = arith.constant 0 : i32
    %dma_start3A_425 = tpu.memref_slice %arg4[%add3A_416, %dma_start3A_424] : memref<65536x128xf32, #tpu.memory_space<hbm>> -> memref<128x128xf32, #tpu.memory_space<hbm>>
    %dma_start3A_426 = arith.constant 0 : i32
    %dma_start3A_427 = arith.constant 0 : i32
    %dma_start3A_428 = tpu.memref_slice %arg6[%dma_start3A_417, %dma_start3A_426, %dma_start3A_427] : memref<2x128x128xf32, #tpu.memory_space<vmem>> -> memref<1x128x128xf32, #tpu.memory_space<vmem>>
    %dma_start3A_429 = tpu.memref_squeeze %dma_start3A_428 : memref<1x128x128xf32, #tpu.memory_space<vmem>> -> memref<128x128xf32, #tpu.memory_space<vmem>>
    tpu.enqueue_dma source(%dma_start3A_429 : memref<128x128xf32, #tpu.memory_space<vmem>>) target(%dma_start3A_425 : memref<128x128xf32, #tpu.memory_space<hbm>>) target_semaphore(%arg9 : memref<!tpu.dma_semaphore, #tpu.memory_space<semaphore_mem>>)
    %dma_wait3A_430 = arith.constant 0 : i32
    %dma_wait3A_431 = arith.constant 0 : i32
    %dma_wait3A_432 = arith.constant 0 : i32
    %dma_wait3A_433 = tpu.memref_slice %arg6[%dma_wait3A_430, %dma_wait3A_431, %dma_wait3A_432] : memref<2x128x128xf32, #tpu.memory_space<vmem>> -> memref<1x128x128xf32, #tpu.memory_space<vmem>>
    %dma_wait3A_434 = tpu.memref_squeeze %dma_wait3A_433 : memref<1x128x128xf32, #tpu.memory_space<vmem>> -> memref<128x128xf32, #tpu.memory_space<vmem>>
    %dma_wait3A_435 = arith.constant 0 : i32
    %dma_wait3A_436 = tpu.memref_slice %arg4[%add3A_416, %dma_wait3A_435] : memref<65536x128xf32, #tpu.memory_space<hbm>> -> memref<128x128xf32, #tpu.memory_space<hbm>>
    %dma_wait3A_437 = arith.constant 0 : i32
    %dma_wait3A_438 = tpu.memref_slice %arg4[%add3A_416, %dma_wait3A_437] : memref<65536x128xf32, #tpu.memory_space<hbm>> -> memref<128x128xf32, #tpu.memory_space<hbm>>
    %dma_wait3A_439 = arith.constant 0 : i32
    %dma_wait3A_440 = arith.constant 0 : i32
    %dma_wait3A_441 = tpu.memref_slice %arg6[%dma_wait3A_430, %dma_wait3A_439, %dma_wait3A_440] : memref<2x128x128xf32, #tpu.memory_space<vmem>> -> memref<1x128x128xf32, #tpu.memory_space<vmem>>
    %dma_wait3A_442 = tpu.memref_squeeze %dma_wait3A_441 : memref<1x128x128xf32, #tpu.memory_space<vmem>> -> memref<128x128xf32, #tpu.memory_space<vmem>>
    tpu.wait_dma2 semaphore(%arg9 : memref<!tpu.dma_semaphore, #tpu.memory_space<semaphore_mem>>) src(%dma_wait3A_442 : memref<128x128xf32, #tpu.memory_space<vmem>>) dst(%dma_wait3A_438 : memref<128x128xf32, #tpu.memory_space<hbm>>)
    %dma_start3A_443 = arith.constant 0 : i32
    %dma_start3A_444 = arith.constant 0 : i32
    %dma_start3A_445 = arith.constant 0 : i32
    %dma_start3A_446 = tpu.memref_slice %arg6[%dma_start3A_443, %dma_start3A_444, %dma_start3A_445] : memref<2x128x128xf32, #tpu.memory_space<vmem>> -> memref<1x128x128xf32, #tpu.memory_space<vmem>>
    %dma_start3A_447 = tpu.memref_squeeze %dma_start3A_446 : memref<1x128x128xf32, #tpu.memory_space<vmem>> -> memref<128x128xf32, #tpu.memory_space<vmem>>
    %dma_start3A_448 = arith.constant 1280 : i32
    %dma_start3A_449 = tpu.memref_slice %arg5[%dma_start3A_448] : memref<2048xi32, #tpu.memory_space<vmem>> -> memref<128xi32, #tpu.memory_space<vmem>>
    %dma_start3A_450 = arith.constant 0 : i32
    %dma_start3A_451 = arith.constant 0 : i32
    %dma_start3A_452 = tpu.memref_slice %arg2[%dma_start3A_450, %dma_start3A_451] : memref<1024x128xf32, #tpu.memory_space<hbm>> -> memref<1024x128xf32, #tpu.memory_space<hbm>>
    tpu.enqueue_indirect_dma source(%dma_start3A_452 : memref<1024x128xf32, #tpu.memory_space<hbm>>) target(%dma_start3A_447 : memref<128x128xf32, #tpu.memory_space<vmem>>) offsets(%dma_start3A_449 : memref<128xi32, #tpu.memory_space<vmem>>) semaphore(%arg7 : memref<!tpu.dma_semaphore, #tpu.memory_space<semaphore_mem>>)
    %dma_wait3A_453 = arith.constant 1 : i32
    %dma_wait3A_454 = arith.constant 0 : i32
    %dma_wait3A_455 = arith.constant 0 : i32
    %dma_wait3A_456 = tpu.memref_slice %arg6[%dma_wait3A_453, %dma_wait3A_454, %dma_wait3A_455] : memref<2x128x128xf32, #tpu.memory_space<vmem>> -> memref<1x128x128xf32, #tpu.memory_space<vmem>>
    %dma_wait3A_457 = tpu.memref_squeeze %dma_wait3A_456 : memref<1x128x128xf32, #tpu.memory_space<vmem>> -> memref<128x128xf32, #tpu.memory_space<vmem>>
    %dma_wait3A_458 = arith.constant 1152 : i32
    %dma_wait3A_459 = tpu.memref_slice %arg5[%dma_wait3A_458] : memref<2048xi32, #tpu.memory_space<vmem>> -> memref<128xi32, #tpu.memory_space<vmem>>
    %dma_wait3A_460 = arith.constant 0 : i32
    %dma_wait3A_461 = arith.constant 0 : i32
    %dma_wait3A_462 = tpu.memref_slice %arg2[%dma_wait3A_460, %dma_wait3A_461] : memref<1024x128xf32, #tpu.memory_space<hbm>> -> memref<1024x128xf32, #tpu.memory_space<hbm>>
    tpu.wait_indirect_dma semaphore(%arg8 : memref<!tpu.dma_semaphore, #tpu.memory_space<semaphore_mem>>) src(%dma_wait3A_462 : memref<1024x128xf32, #tpu.memory_space<hbm>>) dst(%dma_wait3A_457 : memref<128x128xf32, #tpu.memory_space<vmem>>)
    %add3A_463 = arith.constant 1152 : i32
    %add3A_464 = arith.addi %mul3A_2, %add3A_463 : i32
    %dma_start3A_465 = arith.constant 1 : i32
    %dma_start3A_466 = arith.constant 0 : i32
    %dma_start3A_467 = arith.constant 0 : i32
    %dma_start3A_468 = tpu.memref_slice %arg6[%dma_start3A_465, %dma_start3A_466, %dma_start3A_467] : memref<2x128x128xf32, #tpu.memory_space<vmem>> -> memref<1x128x128xf32, #tpu.memory_space<vmem>>
    %dma_start3A_469 = tpu.memref_squeeze %dma_start3A_468 : memref<1x128x128xf32, #tpu.memory_space<vmem>> -> memref<128x128xf32, #tpu.memory_space<vmem>>
    %dma_start3A_470 = arith.constant 0 : i32
    %dma_start3A_471 = tpu.memref_slice %arg4[%add3A_464, %dma_start3A_470] : memref<65536x128xf32, #tpu.memory_space<hbm>> -> memref<128x128xf32, #tpu.memory_space<hbm>>
    %dma_start3A_472 = arith.constant 0 : i32
    %dma_start3A_473 = tpu.memref_slice %arg4[%add3A_464, %dma_start3A_472] : memref<65536x128xf32, #tpu.memory_space<hbm>> -> memref<128x128xf32, #tpu.memory_space<hbm>>
    %dma_start3A_474 = arith.constant 0 : i32
    %dma_start3A_475 = arith.constant 0 : i32
    %dma_start3A_476 = tpu.memref_slice %arg6[%dma_start3A_465, %dma_start3A_474, %dma_start3A_475] : memref<2x128x128xf32, #tpu.memory_space<vmem>> -> memref<1x128x128xf32, #tpu.memory_space<vmem>>
    %dma_start3A_477 = tpu.memref_squeeze %dma_start3A_476 : memref<1x128x128xf32, #tpu.memory_space<vmem>> -> memref<128x128xf32, #tpu.memory_space<vmem>>
    tpu.enqueue_dma source(%dma_start3A_477 : memref<128x128xf32, #tpu.memory_space<vmem>>) target(%dma_start3A_473 : memref<128x128xf32, #tpu.memory_space<hbm>>) target_semaphore(%arg10 : memref<!tpu.dma_semaphore, #tpu.memory_space<semaphore_mem>>)
    %dma_wait3A_478 = arith.constant 1 : i32
    %dma_wait3A_479 = arith.constant 0 : i32
    %dma_wait3A_480 = arith.constant 0 : i32
    %dma_wait3A_481 = tpu.memref_slice %arg6[%dma_wait3A_478, %dma_wait3A_479, %dma_wait3A_480] : memref<2x128x128xf32, #tpu.memory_space<vmem>> -> memref<1x128x128xf32, #tpu.memory_space<vmem>>
    %dma_wait3A_482 = tpu.memref_squeeze %dma_wait3A_481 : memref<1x128x128xf32, #tpu.memory_space<vmem>> -> memref<128x128xf32, #tpu.memory_space<vmem>>
    %dma_wait3A_483 = arith.constant 0 : i32
    %dma_wait3A_484 = tpu.memref_slice %arg4[%add3A_464, %dma_wait3A_483] : memref<65536x128xf32, #tpu.memory_space<hbm>> -> memref<128x128xf32, #tpu.memory_space<hbm>>
    %dma_wait3A_485 = arith.constant 0 : i32
    %dma_wait3A_486 = tpu.memref_slice %arg4[%add3A_464, %dma_wait3A_485] : memref<65536x128xf32, #tpu.memory_space<hbm>> -> memref<128x128xf32, #tpu.memory_space<hbm>>
    %dma_wait3A_487 = arith.constant 0 : i32
    %dma_wait3A_488 = arith.constant 0 : i32
    %dma_wait3A_489 = tpu.memref_slice %arg6[%dma_wait3A_478, %dma_wait3A_487, %dma_wait3A_488] : memref<2x128x128xf32, #tpu.memory_space<vmem>> -> memref<1x128x128xf32, #tpu.memory_space<vmem>>
    %dma_wait3A_490 = tpu.memref_squeeze %dma_wait3A_489 : memref<1x128x128xf32, #tpu.memory_space<vmem>> -> memref<128x128xf32, #tpu.memory_space<vmem>>
    tpu.wait_dma2 semaphore(%arg10 : memref<!tpu.dma_semaphore, #tpu.memory_space<semaphore_mem>>) src(%dma_wait3A_490 : memref<128x128xf32, #tpu.memory_space<vmem>>) dst(%dma_wait3A_486 : memref<128x128xf32, #tpu.memory_space<hbm>>)
    %dma_start3A_491 = arith.constant 1 : i32
    %dma_start3A_492 = arith.constant 0 : i32
    %dma_start3A_493 = arith.constant 0 : i32
    %dma_start3A_494 = tpu.memref_slice %arg6[%dma_start3A_491, %dma_start3A_492, %dma_start3A_493] : memref<2x128x128xf32, #tpu.memory_space<vmem>> -> memref<1x128x128xf32, #tpu.memory_space<vmem>>
    %dma_start3A_495 = tpu.memref_squeeze %dma_start3A_494 : memref<1x128x128xf32, #tpu.memory_space<vmem>> -> memref<128x128xf32, #tpu.memory_space<vmem>>
    %dma_start3A_496 = arith.constant 1408 : i32
    %dma_start3A_497 = tpu.memref_slice %arg5[%dma_start3A_496] : memref<2048xi32, #tpu.memory_space<vmem>> -> memref<128xi32, #tpu.memory_space<vmem>>
    %dma_start3A_498 = arith.constant 0 : i32
    %dma_start3A_499 = arith.constant 0 : i32
    %dma_start3A_500 = tpu.memref_slice %arg2[%dma_start3A_498, %dma_start3A_499] : memref<1024x128xf32, #tpu.memory_space<hbm>> -> memref<1024x128xf32, #tpu.memory_space<hbm>>
    tpu.enqueue_indirect_dma source(%dma_start3A_500 : memref<1024x128xf32, #tpu.memory_space<hbm>>) target(%dma_start3A_495 : memref<128x128xf32, #tpu.memory_space<vmem>>) offsets(%dma_start3A_497 : memref<128xi32, #tpu.memory_space<vmem>>) semaphore(%arg8 : memref<!tpu.dma_semaphore, #tpu.memory_space<semaphore_mem>>)
    %dma_wait3A_501 = arith.constant 0 : i32
    %dma_wait3A_502 = arith.constant 0 : i32
    %dma_wait3A_503 = arith.constant 0 : i32
    %dma_wait3A_504 = tpu.memref_slice %arg6[%dma_wait3A_501, %dma_wait3A_502, %dma_wait3A_503] : memref<2x128x128xf32, #tpu.memory_space<vmem>> -> memref<1x128x128xf32, #tpu.memory_space<vmem>>
    %dma_wait3A_505 = tpu.memref_squeeze %dma_wait3A_504 : memref<1x128x128xf32, #tpu.memory_space<vmem>> -> memref<128x128xf32, #tpu.memory_space<vmem>>
    %dma_wait3A_506 = arith.constant 1280 : i32
    %dma_wait3A_507 = tpu.memref_slice %arg5[%dma_wait3A_506] : memref<2048xi32, #tpu.memory_space<vmem>> -> memref<128xi32, #tpu.memory_space<vmem>>
    %dma_wait3A_508 = arith.constant 0 : i32
    %dma_wait3A_509 = arith.constant 0 : i32
    %dma_wait3A_510 = tpu.memref_slice %arg2[%dma_wait3A_508, %dma_wait3A_509] : memref<1024x128xf32, #tpu.memory_space<hbm>> -> memref<1024x128xf32, #tpu.memory_space<hbm>>
    tpu.wait_indirect_dma semaphore(%arg7 : memref<!tpu.dma_semaphore, #tpu.memory_space<semaphore_mem>>) src(%dma_wait3A_510 : memref<1024x128xf32, #tpu.memory_space<hbm>>) dst(%dma_wait3A_505 : memref<128x128xf32, #tpu.memory_space<vmem>>)
    %add3A_511 = arith.constant 1280 : i32
    %add3A_512 = arith.addi %mul3A_2, %add3A_511 : i32
    %dma_start3A_513 = arith.constant 0 : i32
    %dma_start3A_514 = arith.constant 0 : i32
    %dma_start3A_515 = arith.constant 0 : i32
    %dma_start3A_516 = tpu.memref_slice %arg6[%dma_start3A_513, %dma_start3A_514, %dma_start3A_515] : memref<2x128x128xf32, #tpu.memory_space<vmem>> -> memref<1x128x128xf32, #tpu.memory_space<vmem>>
    %dma_start3A_517 = tpu.memref_squeeze %dma_start3A_516 : memref<1x128x128xf32, #tpu.memory_space<vmem>> -> memref<128x128xf32, #tpu.memory_space<vmem>>
    %dma_start3A_518 = arith.constant 0 : i32
    %dma_start3A_519 = tpu.memref_slice %arg4[%add3A_512, %dma_start3A_518] : memref<65536x128xf32, #tpu.memory_space<hbm>> -> memref<128x128xf32, #tpu.memory_space<hbm>>
    %dma_start3A_520 = arith.constant 0 : i32
    %dma_start3A_521 = tpu.memref_slice %arg4[%add3A_512, %dma_start3A_520] : memref<65536x128xf32, #tpu.memory_space<hbm>> -> memref<128x128xf32, #tpu.memory_space<hbm>>
    %dma_start3A_522 = arith.constant 0 : i32
    %dma_start3A_523 = arith.constant 0 : i32
    %dma_start3A_524 = tpu.memref_slice %arg6[%dma_start3A_513, %dma_start3A_522, %dma_start3A_523] : memref<2x128x128xf32, #tpu.memory_space<vmem>> -> memref<1x128x128xf32, #tpu.memory_space<vmem>>
    %dma_start3A_525 = tpu.memref_squeeze %dma_start3A_524 : memref<1x128x128xf32, #tpu.memory_space<vmem>> -> memref<128x128xf32, #tpu.memory_space<vmem>>
    tpu.enqueue_dma source(%dma_start3A_525 : memref<128x128xf32, #tpu.memory_space<vmem>>) target(%dma_start3A_521 : memref<128x128xf32, #tpu.memory_space<hbm>>) target_semaphore(%arg9 : memref<!tpu.dma_semaphore, #tpu.memory_space<semaphore_mem>>)
    %dma_wait3A_526 = arith.constant 0 : i32
    %dma_wait3A_527 = arith.constant 0 : i32
    %dma_wait3A_528 = arith.constant 0 : i32
    %dma_wait3A_529 = tpu.memref_slice %arg6[%dma_wait3A_526, %dma_wait3A_527, %dma_wait3A_528] : memref<2x128x128xf32, #tpu.memory_space<vmem>> -> memref<1x128x128xf32, #tpu.memory_space<vmem>>
    %dma_wait3A_530 = tpu.memref_squeeze %dma_wait3A_529 : memref<1x128x128xf32, #tpu.memory_space<vmem>> -> memref<128x128xf32, #tpu.memory_space<vmem>>
    %dma_wait3A_531 = arith.constant 0 : i32
    %dma_wait3A_532 = tpu.memref_slice %arg4[%add3A_512, %dma_wait3A_531] : memref<65536x128xf32, #tpu.memory_space<hbm>> -> memref<128x128xf32, #tpu.memory_space<hbm>>
    %dma_wait3A_533 = arith.constant 0 : i32
    %dma_wait3A_534 = tpu.memref_slice %arg4[%add3A_512, %dma_wait3A_533] : memref<65536x128xf32, #tpu.memory_space<hbm>> -> memref<128x128xf32, #tpu.memory_space<hbm>>
    %dma_wait3A_535 = arith.constant 0 : i32
    %dma_wait3A_536 = arith.constant 0 : i32
    %dma_wait3A_537 = tpu.memref_slice %arg6[%dma_wait3A_526, %dma_wait3A_535, %dma_wait3A_536] : memref<2x128x128xf32, #tpu.memory_space<vmem>> -> memref<1x128x128xf32, #tpu.memory_space<vmem>>
    %dma_wait3A_538 = tpu.memref_squeeze %dma_wait3A_537 : memref<1x128x128xf32, #tpu.memory_space<vmem>> -> memref<128x128xf32, #tpu.memory_space<vmem>>
    tpu.wait_dma2 semaphore(%arg9 : memref<!tpu.dma_semaphore, #tpu.memory_space<semaphore_mem>>) src(%dma_wait3A_538 : memref<128x128xf32, #tpu.memory_space<vmem>>) dst(%dma_wait3A_534 : memref<128x128xf32, #tpu.memory_space<hbm>>)
    %dma_start3A_539 = arith.constant 0 : i32
    %dma_start3A_540 = arith.constant 0 : i32
    %dma_start3A_541 = arith.constant 0 : i32
    %dma_start3A_542 = tpu.memref_slice %arg6[%dma_start3A_539, %dma_start3A_540, %dma_start3A_541] : memref<2x128x128xf32, #tpu.memory_space<vmem>> -> memref<1x128x128xf32, #tpu.memory_space<vmem>>
    %dma_start3A_543 = tpu.memref_squeeze %dma_start3A_542 : memref<1x128x128xf32, #tpu.memory_space<vmem>> -> memref<128x128xf32, #tpu.memory_space<vmem>>
    %dma_start3A_544 = arith.constant 1536 : i32
    %dma_start3A_545 = tpu.memref_slice %arg5[%dma_start3A_544] : memref<2048xi32, #tpu.memory_space<vmem>> -> memref<128xi32, #tpu.memory_space<vmem>>
    %dma_start3A_546 = arith.constant 0 : i32
    %dma_start3A_547 = arith.constant 0 : i32
    %dma_start3A_548 = tpu.memref_slice %arg2[%dma_start3A_546, %dma_start3A_547] : memref<1024x128xf32, #tpu.memory_space<hbm>> -> memref<1024x128xf32, #tpu.memory_space<hbm>>
    tpu.enqueue_indirect_dma source(%dma_start3A_548 : memref<1024x128xf32, #tpu.memory_space<hbm>>) target(%dma_start3A_543 : memref<128x128xf32, #tpu.memory_space<vmem>>) offsets(%dma_start3A_545 : memref<128xi32, #tpu.memory_space<vmem>>) semaphore(%arg7 : memref<!tpu.dma_semaphore, #tpu.memory_space<semaphore_mem>>)
    %dma_wait3A_549 = arith.constant 1 : i32
    %dma_wait3A_550 = arith.constant 0 : i32
    %dma_wait3A_551 = arith.constant 0 : i32
    %dma_wait3A_552 = tpu.memref_slice %arg6[%dma_wait3A_549, %dma_wait3A_550, %dma_wait3A_551] : memref<2x128x128xf32, #tpu.memory_space<vmem>> -> memref<1x128x128xf32, #tpu.memory_space<vmem>>
    %dma_wait3A_553 = tpu.memref_squeeze %dma_wait3A_552 : memref<1x128x128xf32, #tpu.memory_space<vmem>> -> memref<128x128xf32, #tpu.memory_space<vmem>>
    %dma_wait3A_554 = arith.constant 1408 : i32
    %dma_wait3A_555 = tpu.memref_slice %arg5[%dma_wait3A_554] : memref<2048xi32, #tpu.memory_space<vmem>> -> memref<128xi32, #tpu.memory_space<vmem>>
    %dma_wait3A_556 = arith.constant 0 : i32
    %dma_wait3A_557 = arith.constant 0 : i32
    %dma_wait3A_558 = tpu.memref_slice %arg2[%dma_wait3A_556, %dma_wait3A_557] : memref<1024x128xf32, #tpu.memory_space<hbm>> -> memref<1024x128xf32, #tpu.memory_space<hbm>>
    tpu.wait_indirect_dma semaphore(%arg8 : memref<!tpu.dma_semaphore, #tpu.memory_space<semaphore_mem>>) src(%dma_wait3A_558 : memref<1024x128xf32, #tpu.memory_space<hbm>>) dst(%dma_wait3A_553 : memref<128x128xf32, #tpu.memory_space<vmem>>)
    %add3A_559 = arith.constant 1408 : i32
    %add3A_560 = arith.addi %mul3A_2, %add3A_559 : i32
    %dma_start3A_561 = arith.constant 1 : i32
    %dma_start3A_562 = arith.constant 0 : i32
    %dma_start3A_563 = arith.constant 0 : i32
    %dma_start3A_564 = tpu.memref_slice %arg6[%dma_start3A_561, %dma_start3A_562, %dma_start3A_563] : memref<2x128x128xf32, #tpu.memory_space<vmem>> -> memref<1x128x128xf32, #tpu.memory_space<vmem>>
    %dma_start3A_565 = tpu.memref_squeeze %dma_start3A_564 : memref<1x128x128xf32, #tpu.memory_space<vmem>> -> memref<128x128xf32, #tpu.memory_space<vmem>>
    %dma_start3A_566 = arith.constant 0 : i32
    %dma_start3A_567 = tpu.memref_slice %arg4[%add3A_560, %dma_start3A_566] : memref<65536x128xf32, #tpu.memory_space<hbm>> -> memref<128x128xf32, #tpu.memory_space<hbm>>
    %dma_start3A_568 = arith.constant 0 : i32
    %dma_start3A_569 = tpu.memref_slice %arg4[%add3A_560, %dma_start3A_568] : memref<65536x128xf32, #tpu.memory_space<hbm>> -> memref<128x128xf32, #tpu.memory_space<hbm>>
    %dma_start3A_570 = arith.constant 0 : i32
    %dma_start3A_571 = arith.constant 0 : i32
    %dma_start3A_572 = tpu.memref_slice %arg6[%dma_start3A_561, %dma_start3A_570, %dma_start3A_571] : memref<2x128x128xf32, #tpu.memory_space<vmem>> -> memref<1x128x128xf32, #tpu.memory_space<vmem>>
    %dma_start3A_573 = tpu.memref_squeeze %dma_start3A_572 : memref<1x128x128xf32, #tpu.memory_space<vmem>> -> memref<128x128xf32, #tpu.memory_space<vmem>>
    tpu.enqueue_dma source(%dma_start3A_573 : memref<128x128xf32, #tpu.memory_space<vmem>>) target(%dma_start3A_569 : memref<128x128xf32, #tpu.memory_space<hbm>>) target_semaphore(%arg10 : memref<!tpu.dma_semaphore, #tpu.memory_space<semaphore_mem>>)
    %dma_wait3A_574 = arith.constant 1 : i32
    %dma_wait3A_575 = arith.constant 0 : i32
    %dma_wait3A_576 = arith.constant 0 : i32
    %dma_wait3A_577 = tpu.memref_slice %arg6[%dma_wait3A_574, %dma_wait3A_575, %dma_wait3A_576] : memref<2x128x128xf32, #tpu.memory_space<vmem>> -> memref<1x128x128xf32, #tpu.memory_space<vmem>>
    %dma_wait3A_578 = tpu.memref_squeeze %dma_wait3A_577 : memref<1x128x128xf32, #tpu.memory_space<vmem>> -> memref<128x128xf32, #tpu.memory_space<vmem>>
    %dma_wait3A_579 = arith.constant 0 : i32
    %dma_wait3A_580 = tpu.memref_slice %arg4[%add3A_560, %dma_wait3A_579] : memref<65536x128xf32, #tpu.memory_space<hbm>> -> memref<128x128xf32, #tpu.memory_space<hbm>>
    %dma_wait3A_581 = arith.constant 0 : i32
    %dma_wait3A_582 = tpu.memref_slice %arg4[%add3A_560, %dma_wait3A_581] : memref<65536x128xf32, #tpu.memory_space<hbm>> -> memref<128x128xf32, #tpu.memory_space<hbm>>
    %dma_wait3A_583 = arith.constant 0 : i32
    %dma_wait3A_584 = arith.constant 0 : i32
    %dma_wait3A_585 = tpu.memref_slice %arg6[%dma_wait3A_574, %dma_wait3A_583, %dma_wait3A_584] : memref<2x128x128xf32, #tpu.memory_space<vmem>> -> memref<1x128x128xf32, #tpu.memory_space<vmem>>
    %dma_wait3A_586 = tpu.memref_squeeze %dma_wait3A_585 : memref<1x128x128xf32, #tpu.memory_space<vmem>> -> memref<128x128xf32, #tpu.memory_space<vmem>>
    tpu.wait_dma2 semaphore(%arg10 : memref<!tpu.dma_semaphore, #tpu.memory_space<semaphore_mem>>) src(%dma_wait3A_586 : memref<128x128xf32, #tpu.memory_space<vmem>>) dst(%dma_wait3A_582 : memref<128x128xf32, #tpu.memory_space<hbm>>)
    %dma_start3A_587 = arith.constant 1 : i32
    %dma_start3A_588 = arith.constant 0 : i32
    %dma_start3A_589 = arith.constant 0 : i32
    %dma_start3A_590 = tpu.memref_slice %arg6[%dma_start3A_587, %dma_start3A_588, %dma_start3A_589] : memref<2x128x128xf32, #tpu.memory_space<vmem>> -> memref<1x128x128xf32, #tpu.memory_space<vmem>>
    %dma_start3A_591 = tpu.memref_squeeze %dma_start3A_590 : memref<1x128x128xf32, #tpu.memory_space<vmem>> -> memref<128x128xf32, #tpu.memory_space<vmem>>
    %dma_start3A_592 = arith.constant 1664 : i32
    %dma_start3A_593 = tpu.memref_slice %arg5[%dma_start3A_592] : memref<2048xi32, #tpu.memory_space<vmem>> -> memref<128xi32, #tpu.memory_space<vmem>>
    %dma_start3A_594 = arith.constant 0 : i32
    %dma_start3A_595 = arith.constant 0 : i32
    %dma_start3A_596 = tpu.memref_slice %arg2[%dma_start3A_594, %dma_start3A_595] : memref<1024x128xf32, #tpu.memory_space<hbm>> -> memref<1024x128xf32, #tpu.memory_space<hbm>>
    tpu.enqueue_indirect_dma source(%dma_start3A_596 : memref<1024x128xf32, #tpu.memory_space<hbm>>) target(%dma_start3A_591 : memref<128x128xf32, #tpu.memory_space<vmem>>) offsets(%dma_start3A_593 : memref<128xi32, #tpu.memory_space<vmem>>) semaphore(%arg8 : memref<!tpu.dma_semaphore, #tpu.memory_space<semaphore_mem>>)
    %dma_wait3A_597 = arith.constant 0 : i32
    %dma_wait3A_598 = arith.constant 0 : i32
    %dma_wait3A_599 = arith.constant 0 : i32
    %dma_wait3A_600 = tpu.memref_slice %arg6[%dma_wait3A_597, %dma_wait3A_598, %dma_wait3A_599] : memref<2x128x128xf32, #tpu.memory_space<vmem>> -> memref<1x128x128xf32, #tpu.memory_space<vmem>>
    %dma_wait3A_601 = tpu.memref_squeeze %dma_wait3A_600 : memref<1x128x128xf32, #tpu.memory_space<vmem>> -> memref<128x128xf32, #tpu.memory_space<vmem>>
    %dma_wait3A_602 = arith.constant 1536 : i32
    %dma_wait3A_603 = tpu.memref_slice %arg5[%dma_wait3A_602] : memref<2048xi32, #tpu.memory_space<vmem>> -> memref<128xi32, #tpu.memory_space<vmem>>
    %dma_wait3A_604 = arith.constant 0 : i32
    %dma_wait3A_605 = arith.constant 0 : i32
    %dma_wait3A_606 = tpu.memref_slice %arg2[%dma_wait3A_604, %dma_wait3A_605] : memref<1024x128xf32, #tpu.memory_space<hbm>> -> memref<1024x128xf32, #tpu.memory_space<hbm>>
    tpu.wait_indirect_dma semaphore(%arg7 : memref<!tpu.dma_semaphore, #tpu.memory_space<semaphore_mem>>) src(%dma_wait3A_606 : memref<1024x128xf32, #tpu.memory_space<hbm>>) dst(%dma_wait3A_601 : memref<128x128xf32, #tpu.memory_space<vmem>>)
    %add3A_607 = arith.constant 1536 : i32
    %add3A_608 = arith.addi %mul3A_2, %add3A_607 : i32
    %dma_start3A_609 = arith.constant 0 : i32
    %dma_start3A_610 = arith.constant 0 : i32
    %dma_start3A_611 = arith.constant 0 : i32
    %dma_start3A_612 = tpu.memref_slice %arg6[%dma_start3A_609, %dma_start3A_610, %dma_start3A_611] : memref<2x128x128xf32, #tpu.memory_space<vmem>> -> memref<1x128x128xf32, #tpu.memory_space<vmem>>
    %dma_start3A_613 = tpu.memref_squeeze %dma_start3A_612 : memref<1x128x128xf32, #tpu.memory_space<vmem>> -> memref<128x128xf32, #tpu.memory_space<vmem>>
    %dma_start3A_614 = arith.constant 0 : i32
    %dma_start3A_615 = tpu.memref_slice %arg4[%add3A_608, %dma_start3A_614] : memref<65536x128xf32, #tpu.memory_space<hbm>> -> memref<128x128xf32, #tpu.memory_space<hbm>>
    %dma_start3A_616 = arith.constant 0 : i32
    %dma_start3A_617 = tpu.memref_slice %arg4[%add3A_608, %dma_start3A_616] : memref<65536x128xf32, #tpu.memory_space<hbm>> -> memref<128x128xf32, #tpu.memory_space<hbm>>
    %dma_start3A_618 = arith.constant 0 : i32
    %dma_start3A_619 = arith.constant 0 : i32
    %dma_start3A_620 = tpu.memref_slice %arg6[%dma_start3A_609, %dma_start3A_618, %dma_start3A_619] : memref<2x128x128xf32, #tpu.memory_space<vmem>> -> memref<1x128x128xf32, #tpu.memory_space<vmem>>
    %dma_start3A_621 = tpu.memref_squeeze %dma_start3A_620 : memref<1x128x128xf32, #tpu.memory_space<vmem>> -> memref<128x128xf32, #tpu.memory_space<vmem>>
    tpu.enqueue_dma source(%dma_start3A_621 : memref<128x128xf32, #tpu.memory_space<vmem>>) target(%dma_start3A_617 : memref<128x128xf32, #tpu.memory_space<hbm>>) target_semaphore(%arg9 : memref<!tpu.dma_semaphore, #tpu.memory_space<semaphore_mem>>)
    %dma_wait3A_622 = arith.constant 0 : i32
    %dma_wait3A_623 = arith.constant 0 : i32
    %dma_wait3A_624 = arith.constant 0 : i32
    %dma_wait3A_625 = tpu.memref_slice %arg6[%dma_wait3A_622, %dma_wait3A_623, %dma_wait3A_624] : memref<2x128x128xf32, #tpu.memory_space<vmem>> -> memref<1x128x128xf32, #tpu.memory_space<vmem>>
    %dma_wait3A_626 = tpu.memref_squeeze %dma_wait3A_625 : memref<1x128x128xf32, #tpu.memory_space<vmem>> -> memref<128x128xf32, #tpu.memory_space<vmem>>
    %dma_wait3A_627 = arith.constant 0 : i32
    %dma_wait3A_628 = tpu.memref_slice %arg4[%add3A_608, %dma_wait3A_627] : memref<65536x128xf32, #tpu.memory_space<hbm>> -> memref<128x128xf32, #tpu.memory_space<hbm>>
    %dma_wait3A_629 = arith.constant 0 : i32
    %dma_wait3A_630 = tpu.memref_slice %arg4[%add3A_608, %dma_wait3A_629] : memref<65536x128xf32, #tpu.memory_space<hbm>> -> memref<128x128xf32, #tpu.memory_space<hbm>>
    %dma_wait3A_631 = arith.constant 0 : i32
    %dma_wait3A_632 = arith.constant 0 : i32
    %dma_wait3A_633 = tpu.memref_slice %arg6[%dma_wait3A_622, %dma_wait3A_631, %dma_wait3A_632] : memref<2x128x128xf32, #tpu.memory_space<vmem>> -> memref<1x128x128xf32, #tpu.memory_space<vmem>>
    %dma_wait3A_634 = tpu.memref_squeeze %dma_wait3A_633 : memref<1x128x128xf32, #tpu.memory_space<vmem>> -> memref<128x128xf32, #tpu.memory_space<vmem>>
    tpu.wait_dma2 semaphore(%arg9 : memref<!tpu.dma_semaphore, #tpu.memory_space<semaphore_mem>>) src(%dma_wait3A_634 : memref<128x128xf32, #tpu.memory_space<vmem>>) dst(%dma_wait3A_630 : memref<128x128xf32, #tpu.memory_space<hbm>>)
    %dma_start3A_635 = arith.constant 0 : i32
    %dma_start3A_636 = arith.constant 0 : i32
    %dma_start3A_637 = arith.constant 0 : i32
    %dma_start3A_638 = tpu.memref_slice %arg6[%dma_start3A_635, %dma_start3A_636, %dma_start3A_637] : memref<2x128x128xf32, #tpu.memory_space<vmem>> -> memref<1x128x128xf32, #tpu.memory_space<vmem>>
    %dma_start3A_639 = tpu.memref_squeeze %dma_start3A_638 : memref<1x128x128xf32, #tpu.memory_space<vmem>> -> memref<128x128xf32, #tpu.memory_space<vmem>>
    %dma_start3A_640 = arith.constant 1792 : i32
    %dma_start3A_641 = tpu.memref_slice %arg5[%dma_start3A_640] : memref<2048xi32, #tpu.memory_space<vmem>> -> memref<128xi32, #tpu.memory_space<vmem>>
    %dma_start3A_642 = arith.constant 0 : i32
    %dma_start3A_643 = arith.constant 0 : i32
    %dma_start3A_644 = tpu.memref_slice %arg2[%dma_start3A_642, %dma_start3A_643] : memref<1024x128xf32, #tpu.memory_space<hbm>> -> memref<1024x128xf32, #tpu.memory_space<hbm>>
    tpu.enqueue_indirect_dma source(%dma_start3A_644 : memref<1024x128xf32, #tpu.memory_space<hbm>>) target(%dma_start3A_639 : memref<128x128xf32, #tpu.memory_space<vmem>>) offsets(%dma_start3A_641 : memref<128xi32, #tpu.memory_space<vmem>>) semaphore(%arg7 : memref<!tpu.dma_semaphore, #tpu.memory_space<semaphore_mem>>)
    %dma_wait3A_645 = arith.constant 1 : i32
    %dma_wait3A_646 = arith.constant 0 : i32
    %dma_wait3A_647 = arith.constant 0 : i32
    %dma_wait3A_648 = tpu.memref_slice %arg6[%dma_wait3A_645, %dma_wait3A_646, %dma_wait3A_647] : memref<2x128x128xf32, #tpu.memory_space<vmem>> -> memref<1x128x128xf32, #tpu.memory_space<vmem>>
    %dma_wait3A_649 = tpu.memref_squeeze %dma_wait3A_648 : memref<1x128x128xf32, #tpu.memory_space<vmem>> -> memref<128x128xf32, #tpu.memory_space<vmem>>
    %dma_wait3A_650 = arith.constant 1664 : i32
    %dma_wait3A_651 = tpu.memref_slice %arg5[%dma_wait3A_650] : memref<2048xi32, #tpu.memory_space<vmem>> -> memref<128xi32, #tpu.memory_space<vmem>>
    %dma_wait3A_652 = arith.constant 0 : i32
    %dma_wait3A_653 = arith.constant 0 : i32
    %dma_wait3A_654 = tpu.memref_slice %arg2[%dma_wait3A_652, %dma_wait3A_653] : memref<1024x128xf32, #tpu.memory_space<hbm>> -> memref<1024x128xf32, #tpu.memory_space<hbm>>
    tpu.wait_indirect_dma semaphore(%arg8 : memref<!tpu.dma_semaphore, #tpu.memory_space<semaphore_mem>>) src(%dma_wait3A_654 : memref<1024x128xf32, #tpu.memory_space<hbm>>) dst(%dma_wait3A_649 : memref<128x128xf32, #tpu.memory_space<vmem>>)
    %add3A_655 = arith.constant 1664 : i32
    %add3A_656 = arith.addi %mul3A_2, %add3A_655 : i32
    %dma_start3A_657 = arith.constant 1 : i32
    %dma_start3A_658 = arith.constant 0 : i32
    %dma_start3A_659 = arith.constant 0 : i32
    %dma_start3A_660 = tpu.memref_slice %arg6[%dma_start3A_657, %dma_start3A_658, %dma_start3A_659] : memref<2x128x128xf32, #tpu.memory_space<vmem>> -> memref<1x128x128xf32, #tpu.memory_space<vmem>>
    %dma_start3A_661 = tpu.memref_squeeze %dma_start3A_660 : memref<1x128x128xf32, #tpu.memory_space<vmem>> -> memref<128x128xf32, #tpu.memory_space<vmem>>
    %dma_start3A_662 = arith.constant 0 : i32
    %dma_start3A_663 = tpu.memref_slice %arg4[%add3A_656, %dma_start3A_662] : memref<65536x128xf32, #tpu.memory_space<hbm>> -> memref<128x128xf32, #tpu.memory_space<hbm>>
    %dma_start3A_664 = arith.constant 0 : i32
    %dma_start3A_665 = tpu.memref_slice %arg4[%add3A_656, %dma_start3A_664] : memref<65536x128xf32, #tpu.memory_space<hbm>> -> memref<128x128xf32, #tpu.memory_space<hbm>>
    %dma_start3A_666 = arith.constant 0 : i32
    %dma_start3A_667 = arith.constant 0 : i32
    %dma_start3A_668 = tpu.memref_slice %arg6[%dma_start3A_657, %dma_start3A_666, %dma_start3A_667] : memref<2x128x128xf32, #tpu.memory_space<vmem>> -> memref<1x128x128xf32, #tpu.memory_space<vmem>>
    %dma_start3A_669 = tpu.memref_squeeze %dma_start3A_668 : memref<1x128x128xf32, #tpu.memory_space<vmem>> -> memref<128x128xf32, #tpu.memory_space<vmem>>
    tpu.enqueue_dma source(%dma_start3A_669 : memref<128x128xf32, #tpu.memory_space<vmem>>) target(%dma_start3A_665 : memref<128x128xf32, #tpu.memory_space<hbm>>) target_semaphore(%arg10 : memref<!tpu.dma_semaphore, #tpu.memory_space<semaphore_mem>>)
    %dma_wait3A_670 = arith.constant 1 : i32
    %dma_wait3A_671 = arith.constant 0 : i32
    %dma_wait3A_672 = arith.constant 0 : i32
    %dma_wait3A_673 = tpu.memref_slice %arg6[%dma_wait3A_670, %dma_wait3A_671, %dma_wait3A_672] : memref<2x128x128xf32, #tpu.memory_space<vmem>> -> memref<1x128x128xf32, #tpu.memory_space<vmem>>
    %dma_wait3A_674 = tpu.memref_squeeze %dma_wait3A_673 : memref<1x128x128xf32, #tpu.memory_space<vmem>> -> memref<128x128xf32, #tpu.memory_space<vmem>>
    %dma_wait3A_675 = arith.constant 0 : i32
    %dma_wait3A_676 = tpu.memref_slice %arg4[%add3A_656, %dma_wait3A_675] : memref<65536x128xf32, #tpu.memory_space<hbm>> -> memref<128x128xf32, #tpu.memory_space<hbm>>
    %dma_wait3A_677 = arith.constant 0 : i32
    %dma_wait3A_678 = tpu.memref_slice %arg4[%add3A_656, %dma_wait3A_677] : memref<65536x128xf32, #tpu.memory_space<hbm>> -> memref<128x128xf32, #tpu.memory_space<hbm>>
    %dma_wait3A_679 = arith.constant 0 : i32
    %dma_wait3A_680 = arith.constant 0 : i32
    %dma_wait3A_681 = tpu.memref_slice %arg6[%dma_wait3A_670, %dma_wait3A_679, %dma_wait3A_680] : memref<2x128x128xf32, #tpu.memory_space<vmem>> -> memref<1x128x128xf32, #tpu.memory_space<vmem>>
    %dma_wait3A_682 = tpu.memref_squeeze %dma_wait3A_681 : memref<1x128x128xf32, #tpu.memory_space<vmem>> -> memref<128x128xf32, #tpu.memory_space<vmem>>
    tpu.wait_dma2 semaphore(%arg10 : memref<!tpu.dma_semaphore, #tpu.memory_space<semaphore_mem>>) src(%dma_wait3A_682 : memref<128x128xf32, #tpu.memory_space<vmem>>) dst(%dma_wait3A_678 : memref<128x128xf32, #tpu.memory_space<hbm>>)
    %dma_start3A_683 = arith.constant 1 : i32
    %dma_start3A_684 = arith.constant 0 : i32
    %dma_start3A_685 = arith.constant 0 : i32
    %dma_start3A_686 = tpu.memref_slice %arg6[%dma_start3A_683, %dma_start3A_684, %dma_start3A_685] : memref<2x128x128xf32, #tpu.memory_space<vmem>> -> memref<1x128x128xf32, #tpu.memory_space<vmem>>
    %dma_start3A_687 = tpu.memref_squeeze %dma_start3A_686 : memref<1x128x128xf32, #tpu.memory_space<vmem>> -> memref<128x128xf32, #tpu.memory_space<vmem>>
    %dma_start3A_688 = arith.constant 1920 : i32
    %dma_start3A_689 = tpu.memref_slice %arg5[%dma_start3A_688] : memref<2048xi32, #tpu.memory_space<vmem>> -> memref<128xi32, #tpu.memory_space<vmem>>
    %dma_start3A_690 = arith.constant 0 : i32
    %dma_start3A_691 = arith.constant 0 : i32
    %dma_start3A_692 = tpu.memref_slice %arg2[%dma_start3A_690, %dma_start3A_691] : memref<1024x128xf32, #tpu.memory_space<hbm>> -> memref<1024x128xf32, #tpu.memory_space<hbm>>
    tpu.enqueue_indirect_dma source(%dma_start3A_692 : memref<1024x128xf32, #tpu.memory_space<hbm>>) target(%dma_start3A_687 : memref<128x128xf32, #tpu.memory_space<vmem>>) offsets(%dma_start3A_689 : memref<128xi32, #tpu.memory_space<vmem>>) semaphore(%arg8 : memref<!tpu.dma_semaphore, #tpu.memory_space<semaphore_mem>>)
    %dma_wait3A_693 = arith.constant 0 : i32
    %dma_wait3A_694 = arith.constant 0 : i32
    %dma_wait3A_695 = arith.constant 0 : i32
    %dma_wait3A_696 = tpu.memref_slice %arg6[%dma_wait3A_693, %dma_wait3A_694, %dma_wait3A_695] : memref<2x128x128xf32, #tpu.memory_space<vmem>> -> memref<1x128x128xf32, #tpu.memory_space<vmem>>
    %dma_wait3A_697 = tpu.memref_squeeze %dma_wait3A_696 : memref<1x128x128xf32, #tpu.memory_space<vmem>> -> memref<128x128xf32, #tpu.memory_space<vmem>>
    %dma_wait3A_698 = arith.constant 1792 : i32
    %dma_wait3A_699 = tpu.memref_slice %arg5[%dma_wait3A_698] : memref<2048xi32, #tpu.memory_space<vmem>> -> memref<128xi32, #tpu.memory_space<vmem>>
    %dma_wait3A_700 = arith.constant 0 : i32
    %dma_wait3A_701 = arith.constant 0 : i32
    %dma_wait3A_702 = tpu.memref_slice %arg2[%dma_wait3A_700, %dma_wait3A_701] : memref<1024x128xf32, #tpu.memory_space<hbm>> -> memref<1024x128xf32, #tpu.memory_space<hbm>>
    tpu.wait_indirect_dma semaphore(%arg7 : memref<!tpu.dma_semaphore, #tpu.memory_space<semaphore_mem>>) src(%dma_wait3A_702 : memref<1024x128xf32, #tpu.memory_space<hbm>>) dst(%dma_wait3A_697 : memref<128x128xf32, #tpu.memory_space<vmem>>)
    %add3A_703 = arith.constant 1792 : i32
    %add3A_704 = arith.addi %mul3A_2, %add3A_703 : i32
    %dma_start3A_705 = arith.constant 0 : i32
    %dma_start3A_706 = arith.constant 0 : i32
    %dma_start3A_707 = arith.constant 0 : i32
    %dma_start3A_708 = tpu.memref_slice %arg6[%dma_start3A_705, %dma_start3A_706, %dma_start3A_707] : memref<2x128x128xf32, #tpu.memory_space<vmem>> -> memref<1x128x128xf32, #tpu.memory_space<vmem>>
    %dma_start3A_709 = tpu.memref_squeeze %dma_start3A_708 : memref<1x128x128xf32, #tpu.memory_space<vmem>> -> memref<128x128xf32, #tpu.memory_space<vmem>>
    %dma_start3A_710 = arith.constant 0 : i32
    %dma_start3A_711 = tpu.memref_slice %arg4[%add3A_704, %dma_start3A_710] : memref<65536x128xf32, #tpu.memory_space<hbm>> -> memref<128x128xf32, #tpu.memory_space<hbm>>
    %dma_start3A_712 = arith.constant 0 : i32
    %dma_start3A_713 = tpu.memref_slice %arg4[%add3A_704, %dma_start3A_712] : memref<65536x128xf32, #tpu.memory_space<hbm>> -> memref<128x128xf32, #tpu.memory_space<hbm>>
    %dma_start3A_714 = arith.constant 0 : i32
    %dma_start3A_715 = arith.constant 0 : i32
    %dma_start3A_716 = tpu.memref_slice %arg6[%dma_start3A_705, %dma_start3A_714, %dma_start3A_715] : memref<2x128x128xf32, #tpu.memory_space<vmem>> -> memref<1x128x128xf32, #tpu.memory_space<vmem>>
    %dma_start3A_717 = tpu.memref_squeeze %dma_start3A_716 : memref<1x128x128xf32, #tpu.memory_space<vmem>> -> memref<128x128xf32, #tpu.memory_space<vmem>>
    tpu.enqueue_dma source(%dma_start3A_717 : memref<128x128xf32, #tpu.memory_space<vmem>>) target(%dma_start3A_713 : memref<128x128xf32, #tpu.memory_space<hbm>>) target_semaphore(%arg9 : memref<!tpu.dma_semaphore, #tpu.memory_space<semaphore_mem>>)
    %dma_wait3A_718 = arith.constant 1 : i32
    %dma_wait3A_719 = arith.constant 0 : i32
    %dma_wait3A_720 = arith.constant 0 : i32
    %dma_wait3A_721 = tpu.memref_slice %arg6[%dma_wait3A_718, %dma_wait3A_719, %dma_wait3A_720] : memref<2x128x128xf32, #tpu.memory_space<vmem>> -> memref<1x128x128xf32, #tpu.memory_space<vmem>>
    %dma_wait3A_722 = tpu.memref_squeeze %dma_wait3A_721 : memref<1x128x128xf32, #tpu.memory_space<vmem>> -> memref<128x128xf32, #tpu.memory_space<vmem>>
    %dma_wait3A_723 = arith.constant 1920 : i32
    %dma_wait3A_724 = tpu.memref_slice %arg5[%dma_wait3A_723] : memref<2048xi32, #tpu.memory_space<vmem>> -> memref<128xi32, #tpu.memory_space<vmem>>
    %dma_wait3A_725 = arith.constant 0 : i32
    %dma_wait3A_726 = arith.constant 0 : i32
    %dma_wait3A_727 = tpu.memref_slice %arg2[%dma_wait3A_725, %dma_wait3A_726] : memref<1024x128xf32, #tpu.memory_space<hbm>> -> memref<1024x128xf32, #tpu.memory_space<hbm>>
    tpu.wait_indirect_dma semaphore(%arg8 : memref<!tpu.dma_semaphore, #tpu.memory_space<semaphore_mem>>) src(%dma_wait3A_727 : memref<1024x128xf32, #tpu.memory_space<hbm>>) dst(%dma_wait3A_722 : memref<128x128xf32, #tpu.memory_space<vmem>>)
    %add3A_728 = arith.constant 1920 : i32
    %add3A_729 = arith.addi %mul3A_2, %add3A_728 : i32
    %dma_start3A_730 = arith.constant 1 : i32
    %dma_start3A_731 = arith.constant 0 : i32
    %dma_start3A_732 = arith.constant 0 : i32
    %dma_start3A_733 = tpu.memref_slice %arg6[%dma_start3A_730, %dma_start3A_731, %dma_start3A_732] : memref<2x128x128xf32, #tpu.memory_space<vmem>> -> memref<1x128x128xf32, #tpu.memory_space<vmem>>
    %dma_start3A_734 = tpu.memref_squeeze %dma_start3A_733 : memref<1x128x128xf32, #tpu.memory_space<vmem>> -> memref<128x128xf32, #tpu.memory_space<vmem>>
    %dma_start3A_735 = arith.constant 0 : i32
    %dma_start3A_736 = tpu.memref_slice %arg4[%add3A_729, %dma_start3A_735] : memref<65536x128xf32, #tpu.memory_space<hbm>> -> memref<128x128xf32, #tpu.memory_space<hbm>>
    %dma_start3A_737 = arith.constant 0 : i32
    %dma_start3A_738 = tpu.memref_slice %arg4[%add3A_729, %dma_start3A_737] : memref<65536x128xf32, #tpu.memory_space<hbm>> -> memref<128x128xf32, #tpu.memory_space<hbm>>
    %dma_start3A_739 = arith.constant 0 : i32
    %dma_start3A_740 = arith.constant 0 : i32
    %dma_start3A_741 = tpu.memref_slice %arg6[%dma_start3A_730, %dma_start3A_739, %dma_start3A_740] : memref<2x128x128xf32, #tpu.memory_space<vmem>> -> memref<1x128x128xf32, #tpu.memory_space<vmem>>
    %dma_start3A_742 = tpu.memref_squeeze %dma_start3A_741 : memref<1x128x128xf32, #tpu.memory_space<vmem>> -> memref<128x128xf32, #tpu.memory_space<vmem>>
    tpu.enqueue_dma source(%dma_start3A_742 : memref<128x128xf32, #tpu.memory_space<vmem>>) target(%dma_start3A_738 : memref<128x128xf32, #tpu.memory_space<hbm>>) target_semaphore(%arg10 : memref<!tpu.dma_semaphore, #tpu.memory_space<semaphore_mem>>)
    %dma_wait3A_743 = arith.constant 0 : i32
    %dma_wait3A_744 = arith.constant 0 : i32
    %dma_wait3A_745 = arith.constant 0 : i32
    %dma_wait3A_746 = tpu.memref_slice %arg6[%dma_wait3A_743, %dma_wait3A_744, %dma_wait3A_745] : memref<2x128x128xf32, #tpu.memory_space<vmem>> -> memref<1x128x128xf32, #tpu.memory_space<vmem>>
    %dma_wait3A_747 = tpu.memref_squeeze %dma_wait3A_746 : memref<1x128x128xf32, #tpu.memory_space<vmem>> -> memref<128x128xf32, #tpu.memory_space<vmem>>
    %dma_wait3A_748 = arith.constant 0 : i32
    %dma_wait3A_749 = tpu.memref_slice %arg4[%add3A_704, %dma_wait3A_748] : memref<65536x128xf32, #tpu.memory_space<hbm>> -> memref<128x128xf32, #tpu.memory_space<hbm>>
    %dma_wait3A_750 = arith.constant 0 : i32
    %dma_wait3A_751 = tpu.memref_slice %arg4[%add3A_704, %dma_wait3A_750] : memref<65536x128xf32, #tpu.memory_space<hbm>> -> memref<128x128xf32, #tpu.memory_space<hbm>>
    %dma_wait3A_752 = arith.constant 0 : i32
    %dma_wait3A_753 = arith.constant 0 : i32
    %dma_wait3A_754 = tpu.memref_slice %arg6[%dma_wait3A_743, %dma_wait3A_752, %dma_wait3A_753] : memref<2x128x128xf32, #tpu.memory_space<vmem>> -> memref<1x128x128xf32, #tpu.memory_space<vmem>>
    %dma_wait3A_755 = tpu.memref_squeeze %dma_wait3A_754 : memref<1x128x128xf32, #tpu.memory_space<vmem>> -> memref<128x128xf32, #tpu.memory_space<vmem>>
    tpu.wait_dma2 semaphore(%arg9 : memref<!tpu.dma_semaphore, #tpu.memory_space<semaphore_mem>>) src(%dma_wait3A_755 : memref<128x128xf32, #tpu.memory_space<vmem>>) dst(%dma_wait3A_751 : memref<128x128xf32, #tpu.memory_space<hbm>>)
    %dma_wait3A_756 = arith.constant 1 : i32
    %dma_wait3A_757 = arith.constant 0 : i32
    %dma_wait3A_758 = arith.constant 0 : i32
    %dma_wait3A_759 = tpu.memref_slice %arg6[%dma_wait3A_756, %dma_wait3A_757, %dma_wait3A_758] : memref<2x128x128xf32, #tpu.memory_space<vmem>> -> memref<1x128x128xf32, #tpu.memory_space<vmem>>
    %dma_wait3A_760 = tpu.memref_squeeze %dma_wait3A_759 : memref<1x128x128xf32, #tpu.memory_space<vmem>> -> memref<128x128xf32, #tpu.memory_space<vmem>>
    %dma_wait3A_761 = arith.constant 0 : i32
    %dma_wait3A_762 = tpu.memref_slice %arg4[%add3A_729, %dma_wait3A_761] : memref<65536x128xf32, #tpu.memory_space<hbm>> -> memref<128x128xf32, #tpu.memory_space<hbm>>
    %dma_wait3A_763 = arith.constant 0 : i32
    %dma_wait3A_764 = tpu.memref_slice %arg4[%add3A_729, %dma_wait3A_763] : memref<65536x128xf32, #tpu.memory_space<hbm>> -> memref<128x128xf32, #tpu.memory_space<hbm>>
    %dma_wait3A_765 = arith.constant 0 : i32
    %dma_wait3A_766 = arith.constant 0 : i32
    %dma_wait3A_767 = tpu.memref_slice %arg6[%dma_wait3A_756, %dma_wait3A_765, %dma_wait3A_766] : memref<2x128x128xf32, #tpu.memory_space<vmem>> -> memref<1x128x128xf32, #tpu.memory_space<vmem>>
    %dma_wait3A_768 = tpu.memref_squeeze %dma_wait3A_767 : memref<1x128x128xf32, #tpu.memory_space<vmem>> -> memref<128x128xf32, #tpu.memory_space<vmem>>
    tpu.wait_dma2 semaphore(%arg10 : memref<!tpu.dma_semaphore, #tpu.memory_space<semaphore_mem>>) src(%dma_wait3A_768 : memref<128x128xf32, #tpu.memory_space<vmem>>) dst(%dma_wait3A_764 : memref<128x128xf32, #tpu.memory_space<hbm>>)
    return
  }
}

module attributes {stable_mosaic.version = 14 : i64} {
  func.func @_prep_body(%arg0: i32, %arg1: memref<1x1024x64xf32, #tpu.memory_space<vmem>>, %arg2: memref<1x64x1024xf32, #tpu.memory_space<vmem>>, %arg3: memref<1024x2048xf32, #tpu.memory_space<vmem>>, %arg4: memref<1024x1xf32, #tpu.memory_space<vmem>>, %arg5: memref<1x1024xf32, #tpu.memory_space<vmem>>, %arg6: memref<1x1024x64xf32, #tpu.memory_space<vmem>>, %arg7: memref<1x64x1024xf32, #tpu.memory_space<vmem>>) attributes {dimension_semantics = [#tpu.dimension_semantics<arbitrary>], iteration_bounds = array<i64: 2>, scalar_prefetch = 0 : i64, scratch_operands = 0 : i64, tpu.core_type = #tpu.core_type<tc>, window_params = [{transform_indices = @transform_0, window_bounds = array<i64: 1, 1024, 64>}, {transform_indices = @transform_1, window_bounds = array<i64: 1, 64, 1024>}, {pipeline_mode = #tpu.pipeline_mode<synchronous>, transform_indices = @transform_2, window_bounds = array<i64: 1024, 2048>}, {pipeline_mode = #tpu.pipeline_mode<synchronous>, transform_indices = @transform_3, window_bounds = array<i64: 1024, 1>}, {pipeline_mode = #tpu.pipeline_mode<synchronous>, transform_indices = @transform_4, window_bounds = array<i64: 1, 1024>}, {transform_indices = @transform_5, window_bounds = array<i64: 1, 1024, 64>}, {transform_indices = @transform_6, window_bounds = array<i64: 1, 64, 1024>}]} {
    %get3A = arith.constant 0 : index
    %get3A_0 = arith.constant 0 : index
    %get3A_1 = vector.load %arg3[%get3A, %get3A_0] : memref<1024x2048xf32, #tpu.memory_space<vmem>>, vector<1024x128xf32>
    %get3A_2 = arith.constant 0 : index
    %get3A_3 = arith.constant 0 : index
    %get3A_4 = arith.constant 0 : index
    %get3A_5 = vector.load %arg1[%get3A_2, %get3A_3, %get3A_4] : memref<1x1024x64xf32, #tpu.memory_space<vmem>>, vector<1x1024x64xf32>
    %get3A_6 = vector.shape_cast %get3A_5 : vector<1x1024x64xf32> to vector<1024x64xf32>
    %dot_general3A = arith.constant dense<0.000000e+00> : vector<128x64xf32>
    %dot_general3A_7 = tpu.matmul %get3A_1, %get3A_6, %dot_general3A {dimension_numbers = #tpu.dot_dimension_numbers<[0], [0], [1], [1], [0, 1, 1, 1], [], []>, transpose_lhs_hint = false} : vector<1024x128xf32>, vector<1024x64xf32>, vector<128x64xf32> -> vector<128x64xf32>
    %get3A_8 = arith.constant 0 : index
    %get3A_9 = arith.constant 0 : index
    %get3A_10 = vector.load %arg4[%get3A_8, %get3A_9] : memref<1024x1xf32, #tpu.memory_space<vmem>>, vector<128x1xf32>
    %add3A = vector.broadcast %get3A_10 : vector<128x1xf32> to vector<128x64xf32>
    %add3A_11 = arith.addf %dot_general3A_7, %add3A : vector<128x64xf32>
    %mul3A = arith.mulf %add3A_11, %add3A_11 : vector<128x64xf32>
    %reduce_sum3A = arith.constant dense<0.000000e+00> : vector<64xf32>
    %reduce_sum3A_12 = vector.multi_reduction <add>, %mul3A, %reduce_sum3A [0] : vector<128x64xf32> to vector<64xf32>
    %broadcast_in_dim3A = vector.shape_cast %reduce_sum3A_12 : vector<64xf32> to vector<1x64xf32>
    %sqrt3A = math.sqrt %broadcast_in_dim3A : vector<1x64xf32>
    %max3A = arith.constant 9.99999996E-13 : f32
    %max3A_13 = vector.broadcast %max3A : f32 to vector<1x64xf32>
    %max3A_14 = arith.maximumf %sqrt3A, %max3A_13 : vector<1x64xf32>
    %div3A = vector.broadcast %max3A_14 : vector<1x64xf32> to vector<128x64xf32>
    %div3A_15 = arith.divf %add3A_11, %div3A : vector<128x64xf32>
    %get3A_16 = arith.constant 0 : index
    %get3A_17 = arith.constant 128 : index
    %get3A_18 = vector.load %arg3[%get3A_16, %get3A_17] : memref<1024x2048xf32, #tpu.memory_space<vmem>>, vector<1024x128xf32>
    %get3A_19 = arith.constant 0 : index
    %get3A_20 = arith.constant 0 : index
    %get3A_21 = arith.constant 0 : index
    %get3A_22 = vector.load %arg2[%get3A_19, %get3A_20, %get3A_21] : memref<1x64x1024xf32, #tpu.memory_space<vmem>>, vector<1x64x1024xf32>
    %get3A_23 = vector.shape_cast %get3A_22 : vector<1x64x1024xf32> to vector<64x1024xf32>
    %dot_general3A_24 = arith.constant dense<0.000000e+00> : vector<64x128xf32>
    %dot_general3A_25 = tpu.matmul %get3A_23, %get3A_18, %dot_general3A_24 {dimension_numbers = #tpu.dot_dimension_numbers<[1], [0], [0], [1], [0, 0, 1, 1], [], []>, transpose_lhs_hint = false} : vector<64x1024xf32>, vector<1024x128xf32>, vector<64x128xf32> -> vector<64x128xf32>
    %get3A_26 = arith.constant 0 : index
    %get3A_27 = arith.constant 256 : index
    %get3A_28 = vector.load %arg3[%get3A_26, %get3A_27] : memref<1024x2048xf32, #tpu.memory_space<vmem>>, vector<1024x128xf32>
    %get3A_29 = arith.constant 0 : index
    %get3A_30 = arith.constant 0 : index
    %get3A_31 = arith.constant 0 : index
    %get3A_32 = vector.load %arg1[%get3A_29, %get3A_30, %get3A_31] : memref<1x1024x64xf32, #tpu.memory_space<vmem>>, vector<1x1024x64xf32>
    %get3A_33 = vector.shape_cast %get3A_32 : vector<1x1024x64xf32> to vector<1024x64xf32>
    %dot_general3A_34 = arith.constant dense<0.000000e+00> : vector<128x64xf32>
    %dot_general3A_35 = tpu.matmul %get3A_28, %get3A_33, %dot_general3A_34 {dimension_numbers = #tpu.dot_dimension_numbers<[0], [0], [1], [1], [0, 1, 1, 1], [], []>, transpose_lhs_hint = false} : vector<1024x128xf32>, vector<1024x64xf32>, vector<128x64xf32> -> vector<128x64xf32>
    %get3A_36 = arith.constant 128 : index
    %get3A_37 = arith.constant 0 : index
    %get3A_38 = vector.load %arg4[%get3A_36, %get3A_37] : memref<1024x1xf32, #tpu.memory_space<vmem>>, vector<128x1xf32>
    %add3A_39 = vector.broadcast %get3A_38 : vector<128x1xf32> to vector<128x64xf32>
    %add3A_40 = arith.addf %dot_general3A_35, %add3A_39 : vector<128x64xf32>
    %mul3A_41 = arith.mulf %add3A_40, %add3A_40 : vector<128x64xf32>
    %reduce_sum3A_42 = arith.constant dense<0.000000e+00> : vector<64xf32>
    %reduce_sum3A_43 = vector.multi_reduction <add>, %mul3A_41, %reduce_sum3A_42 [0] : vector<128x64xf32> to vector<64xf32>
    %broadcast_in_dim3A_44 = vector.shape_cast %reduce_sum3A_43 : vector<64xf32> to vector<1x64xf32>
    %sqrt3A_45 = math.sqrt %broadcast_in_dim3A_44 : vector<1x64xf32>
    %max3A_46 = arith.constant 9.99999996E-13 : f32
    %max3A_47 = vector.broadcast %max3A_46 : f32 to vector<1x64xf32>
    %max3A_48 = arith.maximumf %sqrt3A_45, %max3A_47 : vector<1x64xf32>
    %div3A_49 = vector.broadcast %max3A_48 : vector<1x64xf32> to vector<128x64xf32>
    %div3A_50 = arith.divf %add3A_40, %div3A_49 : vector<128x64xf32>
    %get3A_51 = arith.constant 0 : index
    %get3A_52 = arith.constant 384 : index
    %get3A_53 = vector.load %arg3[%get3A_51, %get3A_52] : memref<1024x2048xf32, #tpu.memory_space<vmem>>, vector<1024x128xf32>
    %get3A_54 = arith.constant 0 : index
    %get3A_55 = arith.constant 0 : index
    %get3A_56 = arith.constant 0 : index
    %get3A_57 = vector.load %arg2[%get3A_54, %get3A_55, %get3A_56] : memref<1x64x1024xf32, #tpu.memory_space<vmem>>, vector<1x64x1024xf32>
    %get3A_58 = vector.shape_cast %get3A_57 : vector<1x64x1024xf32> to vector<64x1024xf32>
    %dot_general3A_59 = arith.constant dense<0.000000e+00> : vector<64x128xf32>
    %dot_general3A_60 = tpu.matmul %get3A_58, %get3A_53, %dot_general3A_59 {dimension_numbers = #tpu.dot_dimension_numbers<[1], [0], [0], [1], [0, 0, 1, 1], [], []>, transpose_lhs_hint = false} : vector<64x1024xf32>, vector<1024x128xf32>, vector<64x128xf32> -> vector<64x128xf32>
    %get3A_61 = arith.constant 0 : index
    %get3A_62 = arith.constant 512 : index
    %get3A_63 = vector.load %arg3[%get3A_61, %get3A_62] : memref<1024x2048xf32, #tpu.memory_space<vmem>>, vector<1024x128xf32>
    %get3A_64 = arith.constant 0 : index
    %get3A_65 = arith.constant 0 : index
    %get3A_66 = arith.constant 0 : index
    %get3A_67 = vector.load %arg1[%get3A_64, %get3A_65, %get3A_66] : memref<1x1024x64xf32, #tpu.memory_space<vmem>>, vector<1x1024x64xf32>
    %get3A_68 = vector.shape_cast %get3A_67 : vector<1x1024x64xf32> to vector<1024x64xf32>
    %dot_general3A_69 = arith.constant dense<0.000000e+00> : vector<128x64xf32>
    %dot_general3A_70 = tpu.matmul %get3A_63, %get3A_68, %dot_general3A_69 {dimension_numbers = #tpu.dot_dimension_numbers<[0], [0], [1], [1], [0, 1, 1, 1], [], []>, transpose_lhs_hint = false} : vector<1024x128xf32>, vector<1024x64xf32>, vector<128x64xf32> -> vector<128x64xf32>
    %get3A_71 = arith.constant 256 : index
    %get3A_72 = arith.constant 0 : index
    %get3A_73 = vector.load %arg4[%get3A_71, %get3A_72] : memref<1024x1xf32, #tpu.memory_space<vmem>>, vector<128x1xf32>
    %add3A_74 = vector.broadcast %get3A_73 : vector<128x1xf32> to vector<128x64xf32>
    %add3A_75 = arith.addf %dot_general3A_70, %add3A_74 : vector<128x64xf32>
    %mul3A_76 = arith.mulf %add3A_75, %add3A_75 : vector<128x64xf32>
    %reduce_sum3A_77 = arith.constant dense<0.000000e+00> : vector<64xf32>
    %reduce_sum3A_78 = vector.multi_reduction <add>, %mul3A_76, %reduce_sum3A_77 [0] : vector<128x64xf32> to vector<64xf32>
    %broadcast_in_dim3A_79 = vector.shape_cast %reduce_sum3A_78 : vector<64xf32> to vector<1x64xf32>
    %sqrt3A_80 = math.sqrt %broadcast_in_dim3A_79 : vector<1x64xf32>
    %max3A_81 = arith.constant 9.99999996E-13 : f32
    %max3A_82 = vector.broadcast %max3A_81 : f32 to vector<1x64xf32>
    %max3A_83 = arith.maximumf %sqrt3A_80, %max3A_82 : vector<1x64xf32>
    %div3A_84 = vector.broadcast %max3A_83 : vector<1x64xf32> to vector<128x64xf32>
    %div3A_85 = arith.divf %add3A_75, %div3A_84 : vector<128x64xf32>
    %get3A_86 = arith.constant 0 : index
    %get3A_87 = arith.constant 640 : index
    %get3A_88 = vector.load %arg3[%get3A_86, %get3A_87] : memref<1024x2048xf32, #tpu.memory_space<vmem>>, vector<1024x128xf32>
    %get3A_89 = arith.constant 0 : index
    %get3A_90 = arith.constant 0 : index
    %get3A_91 = arith.constant 0 : index
    %get3A_92 = vector.load %arg2[%get3A_89, %get3A_90, %get3A_91] : memref<1x64x1024xf32, #tpu.memory_space<vmem>>, vector<1x64x1024xf32>
    %get3A_93 = vector.shape_cast %get3A_92 : vector<1x64x1024xf32> to vector<64x1024xf32>
    %dot_general3A_94 = arith.constant dense<0.000000e+00> : vector<64x128xf32>
    %dot_general3A_95 = tpu.matmul %get3A_93, %get3A_88, %dot_general3A_94 {dimension_numbers = #tpu.dot_dimension_numbers<[1], [0], [0], [1], [0, 0, 1, 1], [], []>, transpose_lhs_hint = false} : vector<64x1024xf32>, vector<1024x128xf32>, vector<64x128xf32> -> vector<64x128xf32>
    %get3A_96 = arith.constant 0 : index
    %get3A_97 = arith.constant 768 : index
    %get3A_98 = vector.load %arg3[%get3A_96, %get3A_97] : memref<1024x2048xf32, #tpu.memory_space<vmem>>, vector<1024x128xf32>
    %get3A_99 = arith.constant 0 : index
    %get3A_100 = arith.constant 0 : index
    %get3A_101 = arith.constant 0 : index
    %get3A_102 = vector.load %arg1[%get3A_99, %get3A_100, %get3A_101] : memref<1x1024x64xf32, #tpu.memory_space<vmem>>, vector<1x1024x64xf32>
    %get3A_103 = vector.shape_cast %get3A_102 : vector<1x1024x64xf32> to vector<1024x64xf32>
    %dot_general3A_104 = arith.constant dense<0.000000e+00> : vector<128x64xf32>
    %dot_general3A_105 = tpu.matmul %get3A_98, %get3A_103, %dot_general3A_104 {dimension_numbers = #tpu.dot_dimension_numbers<[0], [0], [1], [1], [0, 1, 1, 1], [], []>, transpose_lhs_hint = false} : vector<1024x128xf32>, vector<1024x64xf32>, vector<128x64xf32> -> vector<128x64xf32>
    %get3A_106 = arith.constant 384 : index
    %get3A_107 = arith.constant 0 : index
    %get3A_108 = vector.load %arg4[%get3A_106, %get3A_107] : memref<1024x1xf32, #tpu.memory_space<vmem>>, vector<128x1xf32>
    %add3A_109 = vector.broadcast %get3A_108 : vector<128x1xf32> to vector<128x64xf32>
    %add3A_110 = arith.addf %dot_general3A_105, %add3A_109 : vector<128x64xf32>
    %mul3A_111 = arith.mulf %add3A_110, %add3A_110 : vector<128x64xf32>
    %reduce_sum3A_112 = arith.constant dense<0.000000e+00> : vector<64xf32>
    %reduce_sum3A_113 = vector.multi_reduction <add>, %mul3A_111, %reduce_sum3A_112 [0] : vector<128x64xf32> to vector<64xf32>
    %broadcast_in_dim3A_114 = vector.shape_cast %reduce_sum3A_113 : vector<64xf32> to vector<1x64xf32>
    %sqrt3A_115 = math.sqrt %broadcast_in_dim3A_114 : vector<1x64xf32>
    %max3A_116 = arith.constant 9.99999996E-13 : f32
    %max3A_117 = vector.broadcast %max3A_116 : f32 to vector<1x64xf32>
    %max3A_118 = arith.maximumf %sqrt3A_115, %max3A_117 : vector<1x64xf32>
    %div3A_119 = vector.broadcast %max3A_118 : vector<1x64xf32> to vector<128x64xf32>
    %div3A_120 = arith.divf %add3A_110, %div3A_119 : vector<128x64xf32>
    %get3A_121 = arith.constant 0 : index
    %get3A_122 = arith.constant 896 : index
    %get3A_123 = vector.load %arg3[%get3A_121, %get3A_122] : memref<1024x2048xf32, #tpu.memory_space<vmem>>, vector<1024x128xf32>
    %get3A_124 = arith.constant 0 : index
    %get3A_125 = arith.constant 0 : index
    %get3A_126 = arith.constant 0 : index
    %get3A_127 = vector.load %arg2[%get3A_124, %get3A_125, %get3A_126] : memref<1x64x1024xf32, #tpu.memory_space<vmem>>, vector<1x64x1024xf32>
    %get3A_128 = vector.shape_cast %get3A_127 : vector<1x64x1024xf32> to vector<64x1024xf32>
    %dot_general3A_129 = arith.constant dense<0.000000e+00> : vector<64x128xf32>
    %dot_general3A_130 = tpu.matmul %get3A_128, %get3A_123, %dot_general3A_129 {dimension_numbers = #tpu.dot_dimension_numbers<[1], [0], [0], [1], [0, 0, 1, 1], [], []>, transpose_lhs_hint = false} : vector<64x1024xf32>, vector<1024x128xf32>, vector<64x128xf32> -> vector<64x128xf32>
    %get3A_131 = arith.constant 0 : index
    %get3A_132 = arith.constant 1024 : index
    %get3A_133 = vector.load %arg3[%get3A_131, %get3A_132] : memref<1024x2048xf32, #tpu.memory_space<vmem>>, vector<1024x128xf32>
    %get3A_134 = arith.constant 0 : index
    %get3A_135 = arith.constant 0 : index
    %get3A_136 = arith.constant 0 : index
    %get3A_137 = vector.load %arg1[%get3A_134, %get3A_135, %get3A_136] : memref<1x1024x64xf32, #tpu.memory_space<vmem>>, vector<1x1024x64xf32>
    %get3A_138 = vector.shape_cast %get3A_137 : vector<1x1024x64xf32> to vector<1024x64xf32>
    %dot_general3A_139 = arith.constant dense<0.000000e+00> : vector<128x64xf32>
    %dot_general3A_140 = tpu.matmul %get3A_133, %get3A_138, %dot_general3A_139 {dimension_numbers = #tpu.dot_dimension_numbers<[0], [0], [1], [1], [0, 1, 1, 1], [], []>, transpose_lhs_hint = false} : vector<1024x128xf32>, vector<1024x64xf32>, vector<128x64xf32> -> vector<128x64xf32>
    %get3A_141 = arith.constant 512 : index
    %get3A_142 = arith.constant 0 : index
    %get3A_143 = vector.load %arg4[%get3A_141, %get3A_142] : memref<1024x1xf32, #tpu.memory_space<vmem>>, vector<128x1xf32>
    %add3A_144 = vector.broadcast %get3A_143 : vector<128x1xf32> to vector<128x64xf32>
    %add3A_145 = arith.addf %dot_general3A_140, %add3A_144 : vector<128x64xf32>
    %mul3A_146 = arith.mulf %add3A_145, %add3A_145 : vector<128x64xf32>
    %reduce_sum3A_147 = arith.constant dense<0.000000e+00> : vector<64xf32>
    %reduce_sum3A_148 = vector.multi_reduction <add>, %mul3A_146, %reduce_sum3A_147 [0] : vector<128x64xf32> to vector<64xf32>
    %broadcast_in_dim3A_149 = vector.shape_cast %reduce_sum3A_148 : vector<64xf32> to vector<1x64xf32>
    %sqrt3A_150 = math.sqrt %broadcast_in_dim3A_149 : vector<1x64xf32>
    %max3A_151 = arith.constant 9.99999996E-13 : f32
    %max3A_152 = vector.broadcast %max3A_151 : f32 to vector<1x64xf32>
    %max3A_153 = arith.maximumf %sqrt3A_150, %max3A_152 : vector<1x64xf32>
    %div3A_154 = vector.broadcast %max3A_153 : vector<1x64xf32> to vector<128x64xf32>
    %div3A_155 = arith.divf %add3A_145, %div3A_154 : vector<128x64xf32>
    %get3A_156 = arith.constant 0 : index
    %get3A_157 = arith.constant 1152 : index
    %get3A_158 = vector.load %arg3[%get3A_156, %get3A_157] : memref<1024x2048xf32, #tpu.memory_space<vmem>>, vector<1024x128xf32>
    %get3A_159 = arith.constant 0 : index
    %get3A_160 = arith.constant 0 : index
    %get3A_161 = arith.constant 0 : index
    %get3A_162 = vector.load %arg2[%get3A_159, %get3A_160, %get3A_161] : memref<1x64x1024xf32, #tpu.memory_space<vmem>>, vector<1x64x1024xf32>
    %get3A_163 = vector.shape_cast %get3A_162 : vector<1x64x1024xf32> to vector<64x1024xf32>
    %dot_general3A_164 = arith.constant dense<0.000000e+00> : vector<64x128xf32>
    %dot_general3A_165 = tpu.matmul %get3A_163, %get3A_158, %dot_general3A_164 {dimension_numbers = #tpu.dot_dimension_numbers<[1], [0], [0], [1], [0, 0, 1, 1], [], []>, transpose_lhs_hint = false} : vector<64x1024xf32>, vector<1024x128xf32>, vector<64x128xf32> -> vector<64x128xf32>
    %get3A_166 = arith.constant 0 : index
    %get3A_167 = arith.constant 1280 : index
    %get3A_168 = vector.load %arg3[%get3A_166, %get3A_167] : memref<1024x2048xf32, #tpu.memory_space<vmem>>, vector<1024x128xf32>
    %get3A_169 = arith.constant 0 : index
    %get3A_170 = arith.constant 0 : index
    %get3A_171 = arith.constant 0 : index
    %get3A_172 = vector.load %arg1[%get3A_169, %get3A_170, %get3A_171] : memref<1x1024x64xf32, #tpu.memory_space<vmem>>, vector<1x1024x64xf32>
    %get3A_173 = vector.shape_cast %get3A_172 : vector<1x1024x64xf32> to vector<1024x64xf32>
    %dot_general3A_174 = arith.constant dense<0.000000e+00> : vector<128x64xf32>
    %dot_general3A_175 = tpu.matmul %get3A_168, %get3A_173, %dot_general3A_174 {dimension_numbers = #tpu.dot_dimension_numbers<[0], [0], [1], [1], [0, 1, 1, 1], [], []>, transpose_lhs_hint = false} : vector<1024x128xf32>, vector<1024x64xf32>, vector<128x64xf32> -> vector<128x64xf32>
    %get3A_176 = arith.constant 640 : index
    %get3A_177 = arith.constant 0 : index
    %get3A_178 = vector.load %arg4[%get3A_176, %get3A_177] : memref<1024x1xf32, #tpu.memory_space<vmem>>, vector<128x1xf32>
    %add3A_179 = vector.broadcast %get3A_178 : vector<128x1xf32> to vector<128x64xf32>
    %add3A_180 = arith.addf %dot_general3A_175, %add3A_179 : vector<128x64xf32>
    %mul3A_181 = arith.mulf %add3A_180, %add3A_180 : vector<128x64xf32>
    %reduce_sum3A_182 = arith.constant dense<0.000000e+00> : vector<64xf32>
    %reduce_sum3A_183 = vector.multi_reduction <add>, %mul3A_181, %reduce_sum3A_182 [0] : vector<128x64xf32> to vector<64xf32>
    %broadcast_in_dim3A_184 = vector.shape_cast %reduce_sum3A_183 : vector<64xf32> to vector<1x64xf32>
    %sqrt3A_185 = math.sqrt %broadcast_in_dim3A_184 : vector<1x64xf32>
    %max3A_186 = arith.constant 9.99999996E-13 : f32
    %max3A_187 = vector.broadcast %max3A_186 : f32 to vector<1x64xf32>
    %max3A_188 = arith.maximumf %sqrt3A_185, %max3A_187 : vector<1x64xf32>
    %div3A_189 = vector.broadcast %max3A_188 : vector<1x64xf32> to vector<128x64xf32>
    %div3A_190 = arith.divf %add3A_180, %div3A_189 : vector<128x64xf32>
    %get3A_191 = arith.constant 0 : index
    %get3A_192 = arith.constant 1408 : index
    %get3A_193 = vector.load %arg3[%get3A_191, %get3A_192] : memref<1024x2048xf32, #tpu.memory_space<vmem>>, vector<1024x128xf32>
    %get3A_194 = arith.constant 0 : index
    %get3A_195 = arith.constant 0 : index
    %get3A_196 = arith.constant 0 : index
    %get3A_197 = vector.load %arg2[%get3A_194, %get3A_195, %get3A_196] : memref<1x64x1024xf32, #tpu.memory_space<vmem>>, vector<1x64x1024xf32>
    %get3A_198 = vector.shape_cast %get3A_197 : vector<1x64x1024xf32> to vector<64x1024xf32>
    %dot_general3A_199 = arith.constant dense<0.000000e+00> : vector<64x128xf32>
    %dot_general3A_200 = tpu.matmul %get3A_198, %get3A_193, %dot_general3A_199 {dimension_numbers = #tpu.dot_dimension_numbers<[1], [0], [0], [1], [0, 0, 1, 1], [], []>, transpose_lhs_hint = false} : vector<64x1024xf32>, vector<1024x128xf32>, vector<64x128xf32> -> vector<64x128xf32>
    %get3A_201 = arith.constant 0 : index
    %get3A_202 = arith.constant 1536 : index
    %get3A_203 = vector.load %arg3[%get3A_201, %get3A_202] : memref<1024x2048xf32, #tpu.memory_space<vmem>>, vector<1024x128xf32>
    %get3A_204 = arith.constant 0 : index
    %get3A_205 = arith.constant 0 : index
    %get3A_206 = arith.constant 0 : index
    %get3A_207 = vector.load %arg1[%get3A_204, %get3A_205, %get3A_206] : memref<1x1024x64xf32, #tpu.memory_space<vmem>>, vector<1x1024x64xf32>
    %get3A_208 = vector.shape_cast %get3A_207 : vector<1x1024x64xf32> to vector<1024x64xf32>
    %dot_general3A_209 = arith.constant dense<0.000000e+00> : vector<128x64xf32>
    %dot_general3A_210 = tpu.matmul %get3A_203, %get3A_208, %dot_general3A_209 {dimension_numbers = #tpu.dot_dimension_numbers<[0], [0], [1], [1], [0, 1, 1, 1], [], []>, transpose_lhs_hint = false} : vector<1024x128xf32>, vector<1024x64xf32>, vector<128x64xf32> -> vector<128x64xf32>
    %get3A_211 = arith.constant 768 : index
    %get3A_212 = arith.constant 0 : index
    %get3A_213 = vector.load %arg4[%get3A_211, %get3A_212] : memref<1024x1xf32, #tpu.memory_space<vmem>>, vector<128x1xf32>
    %add3A_214 = vector.broadcast %get3A_213 : vector<128x1xf32> to vector<128x64xf32>
    %add3A_215 = arith.addf %dot_general3A_210, %add3A_214 : vector<128x64xf32>
    %mul3A_216 = arith.mulf %add3A_215, %add3A_215 : vector<128x64xf32>
    %reduce_sum3A_217 = arith.constant dense<0.000000e+00> : vector<64xf32>
    %reduce_sum3A_218 = vector.multi_reduction <add>, %mul3A_216, %reduce_sum3A_217 [0] : vector<128x64xf32> to vector<64xf32>
    %broadcast_in_dim3A_219 = vector.shape_cast %reduce_sum3A_218 : vector<64xf32> to vector<1x64xf32>
    %sqrt3A_220 = math.sqrt %broadcast_in_dim3A_219 : vector<1x64xf32>
    %max3A_221 = arith.constant 9.99999996E-13 : f32
    %max3A_222 = vector.broadcast %max3A_221 : f32 to vector<1x64xf32>
    %max3A_223 = arith.maximumf %sqrt3A_220, %max3A_222 : vector<1x64xf32>
    %div3A_224 = vector.broadcast %max3A_223 : vector<1x64xf32> to vector<128x64xf32>
    %div3A_225 = arith.divf %add3A_215, %div3A_224 : vector<128x64xf32>
    %get3A_226 = arith.constant 0 : index
    %get3A_227 = arith.constant 1664 : index
    %get3A_228 = vector.load %arg3[%get3A_226, %get3A_227] : memref<1024x2048xf32, #tpu.memory_space<vmem>>, vector<1024x128xf32>
    %get3A_229 = arith.constant 0 : index
    %get3A_230 = arith.constant 0 : index
    %get3A_231 = arith.constant 0 : index
    %get3A_232 = vector.load %arg2[%get3A_229, %get3A_230, %get3A_231] : memref<1x64x1024xf32, #tpu.memory_space<vmem>>, vector<1x64x1024xf32>
    %get3A_233 = vector.shape_cast %get3A_232 : vector<1x64x1024xf32> to vector<64x1024xf32>
    %dot_general3A_234 = arith.constant dense<0.000000e+00> : vector<64x128xf32>
    %dot_general3A_235 = tpu.matmul %get3A_233, %get3A_228, %dot_general3A_234 {dimension_numbers = #tpu.dot_dimension_numbers<[1], [0], [0], [1], [0, 0, 1, 1], [], []>, transpose_lhs_hint = false} : vector<64x1024xf32>, vector<1024x128xf32>, vector<64x128xf32> -> vector<64x128xf32>
    %get3A_236 = arith.constant 0 : index
    %get3A_237 = arith.constant 1792 : index
    %get3A_238 = vector.load %arg3[%get3A_236, %get3A_237] : memref<1024x2048xf32, #tpu.memory_space<vmem>>, vector<1024x128xf32>
    %get3A_239 = arith.constant 0 : index
    %get3A_240 = arith.constant 0 : index
    %get3A_241 = arith.constant 0 : index
    %get3A_242 = vector.load %arg1[%get3A_239, %get3A_240, %get3A_241] : memref<1x1024x64xf32, #tpu.memory_space<vmem>>, vector<1x1024x64xf32>
    %get3A_243 = vector.shape_cast %get3A_242 : vector<1x1024x64xf32> to vector<1024x64xf32>
    %dot_general3A_244 = arith.constant dense<0.000000e+00> : vector<128x64xf32>
    %dot_general3A_245 = tpu.matmul %get3A_238, %get3A_243, %dot_general3A_244 {dimension_numbers = #tpu.dot_dimension_numbers<[0], [0], [1], [1], [0, 1, 1, 1], [], []>, transpose_lhs_hint = false} : vector<1024x128xf32>, vector<1024x64xf32>, vector<128x64xf32> -> vector<128x64xf32>
    %get3A_246 = arith.constant 896 : index
    %get3A_247 = arith.constant 0 : index
    %get3A_248 = vector.load %arg4[%get3A_246, %get3A_247] : memref<1024x1xf32, #tpu.memory_space<vmem>>, vector<128x1xf32>
    %add3A_249 = vector.broadcast %get3A_248 : vector<128x1xf32> to vector<128x64xf32>
    %add3A_250 = arith.addf %dot_general3A_245, %add3A_249 : vector<128x64xf32>
    %mul3A_251 = arith.mulf %add3A_250, %add3A_250 : vector<128x64xf32>
    %reduce_sum3A_252 = arith.constant dense<0.000000e+00> : vector<64xf32>
    %reduce_sum3A_253 = vector.multi_reduction <add>, %mul3A_251, %reduce_sum3A_252 [0] : vector<128x64xf32> to vector<64xf32>
    %broadcast_in_dim3A_254 = vector.shape_cast %reduce_sum3A_253 : vector<64xf32> to vector<1x64xf32>
    %sqrt3A_255 = math.sqrt %broadcast_in_dim3A_254 : vector<1x64xf32>
    %max3A_256 = arith.constant 9.99999996E-13 : f32
    %max3A_257 = vector.broadcast %max3A_256 : f32 to vector<1x64xf32>
    %max3A_258 = arith.maximumf %sqrt3A_255, %max3A_257 : vector<1x64xf32>
    %div3A_259 = vector.broadcast %max3A_258 : vector<1x64xf32> to vector<128x64xf32>
    %div3A_260 = arith.divf %add3A_250, %div3A_259 : vector<128x64xf32>
    %get3A_261 = arith.constant 0 : index
    %get3A_262 = arith.constant 1920 : index
    %get3A_263 = vector.load %arg3[%get3A_261, %get3A_262] : memref<1024x2048xf32, #tpu.memory_space<vmem>>, vector<1024x128xf32>
    %get3A_264 = arith.constant 0 : index
    %get3A_265 = arith.constant 0 : index
    %get3A_266 = arith.constant 0 : index
    %get3A_267 = vector.load %arg2[%get3A_264, %get3A_265, %get3A_266] : memref<1x64x1024xf32, #tpu.memory_space<vmem>>, vector<1x64x1024xf32>
    %get3A_268 = vector.shape_cast %get3A_267 : vector<1x64x1024xf32> to vector<64x1024xf32>
    %dot_general3A_269 = arith.constant dense<0.000000e+00> : vector<64x128xf32>
    %dot_general3A_270 = tpu.matmul %get3A_268, %get3A_263, %dot_general3A_269 {dimension_numbers = #tpu.dot_dimension_numbers<[1], [0], [0], [1], [0, 0, 1, 1], [], []>, transpose_lhs_hint = false} : vector<64x1024xf32>, vector<1024x128xf32>, vector<64x128xf32> -> vector<64x128xf32>
    %concatenate3A = tpu.concatenate %div3A_15, %div3A_50, %div3A_85, %div3A_120, %div3A_155, %div3A_190, %div3A_225, %div3A_260 in 0 : vector<128x64xf32>, vector<128x64xf32>, vector<128x64xf32>, vector<128x64xf32>, vector<128x64xf32>, vector<128x64xf32>, vector<128x64xf32>, vector<128x64xf32> -> vector<1024x64xf32>
    %swap3A = arith.constant 0 : index
    %swap3A_271 = arith.constant 0 : index
    %swap3A_272 = arith.constant 0 : index
    %swap3A_273 = vector.load %arg6[%swap3A, %swap3A_271, %swap3A_272] : memref<1x1024x64xf32, #tpu.memory_space<vmem>>, vector<1x1024x64xf32>
    %swap3A_274 = vector.shape_cast %swap3A_273 : vector<1x1024x64xf32> to vector<1024x64xf32>
    %swap3A_275 = vector.shape_cast %concatenate3A : vector<1024x64xf32> to vector<1x1024x64xf32>
    tpu.vector_store %arg6[%swap3A, %swap3A_271, %swap3A_272], %swap3A_275 {strides = array<i32>} : memref<1x1024x64xf32, #tpu.memory_space<vmem>>, vector<1x1024x64xf32>,
    %concatenate3A_276 = tpu.concatenate %dot_general3A_25, %dot_general3A_60, %dot_general3A_95, %dot_general3A_130, %dot_general3A_165, %dot_general3A_200, %dot_general3A_235, %dot_general3A_270 in 1 : vector<64x128xf32>, vector<64x128xf32>, vector<64x128xf32>, vector<64x128xf32>, vector<64x128xf32>, vector<64x128xf32>, vector<64x128xf32>, vector<64x128xf32> -> vector<64x1024xf32>
    %get3A_277 = arith.constant 0 : index
    %get3A_278 = arith.constant 0 : index
    %get3A_279 = vector.load %arg5[%get3A_277, %get3A_278] : memref<1x1024xf32, #tpu.memory_space<vmem>>, vector<1x1024xf32>
    %add3A_280 = vector.broadcast %get3A_279 : vector<1x1024xf32> to vector<64x1024xf32>
    %add3A_281 = arith.addf %concatenate3A_276, %add3A_280 : vector<64x1024xf32>
    %swap3A_282 = arith.constant 0 : index
    %swap3A_283 = arith.constant 0 : index
    %swap3A_284 = arith.constant 0 : index
    %swap3A_285 = vector.load %arg7[%swap3A_282, %swap3A_283, %swap3A_284] : memref<1x64x1024xf32, #tpu.memory_space<vmem>>, vector<1x64x1024xf32>
    %swap3A_286 = vector.shape_cast %swap3A_285 : vector<1x64x1024xf32> to vector<64x1024xf32>
    %swap3A_287 = vector.shape_cast %add3A_281 : vector<64x1024xf32> to vector<1x64x1024xf32>
    tpu.vector_store %arg7[%swap3A_282, %swap3A_283, %swap3A_284], %swap3A_287 {strides = array<i32>} : memref<1x64x1024xf32, #tpu.memory_space<vmem>>, vector<1x64x1024xf32>,
    return
  }
  func.func @transform_0(%arg0: i32) -> (i32, i32, i32) {
    %c0_i32 = arith.constant 0 : i32
    %c0_i32_0 = arith.constant 0 : i32
    %c0_i32_1 = arith.constant 0 : i32
    return %arg0, %c0_i32, %c0_i32_0 : i32, i32, i32
  }
  func.func @transform_1(%arg0: i32) -> (i32, i32, i32) {
    %c0_i32 = arith.constant 0 : i32
    %c0_i32_0 = arith.constant 0 : i32
    %c0_i32_1 = arith.constant 0 : i32
    return %arg0, %c0_i32, %c0_i32_0 : i32, i32, i32
  }
  func.func @transform_2(%arg0: i32) -> (i32, i32) {
    %c0_i32 = arith.constant 0 : i32
    %c0_i32_0 = arith.constant 0 : i32
    %c0_i32_1 = arith.constant 0 : i32
    return %c0_i32, %c0_i32_0 : i32, i32
  }
  func.func @transform_3(%arg0: i32) -> (i32, i32) {
    %c0_i32 = arith.constant 0 : i32
    %c0_i32_0 = arith.constant 0 : i32
    %c0_i32_1 = arith.constant 0 : i32
    return %c0_i32, %c0_i32_0 : i32, i32
  }
  func.func @transform_4(%arg0: i32) -> (i32, i32) {
    %c0_i32 = arith.constant 0 : i32
    %c0_i32_0 = arith.constant 0 : i32
    %c0_i32_1 = arith.constant 0 : i32
    return %c0_i32, %c0_i32_0 : i32, i32
  }
  func.func @transform_5(%arg0: i32) -> (i32, i32, i32) {
    %c0_i32 = arith.constant 0 : i32
    %c0_i32_0 = arith.constant 0 : i32
    %c0_i32_1 = arith.constant 0 : i32
    return %arg0, %c0_i32, %c0_i32_0 : i32, i32, i32
  }
  func.func @transform_6(%arg0: i32) -> (i32, i32, i32) {
    %c0_i32 = arith.constant 0 : i32
    %c0_i32_0 = arith.constant 0 : i32
    %c0_i32_1 = arith.constant 0 : i32
    return %arg0, %c0_i32, %c0_i32_0 : i32, i32, i32
  }
}

module attributes {stable_mosaic.version = 14 : i64} {
  func.func @_route_body(%arg0: i32, %arg1: i32, %arg2: memref<1x1024x1024xf32, #tpu.memory_space<vmem>>, %arg3: memref<1024x1024xf32, #tpu.memory_space<vmem>>, %arg4: memref<1x1024xf32, #tpu.memory_space<vmem>>, %arg5: memref<1x1024x64xf32, #tpu.memory_space<vmem>>, %arg6: memref<1x2xf32, #tpu.memory_space<smem>>, %arg7: memref<1x1024x8xi32, #tpu.memory_space<vmem>>, %arg8: memref<1x1024x8xf32, #tpu.memory_space<vmem>>) attributes {dimension_semantics = [#tpu.dimension_semantics<arbitrary>, #tpu.dimension_semantics<arbitrary>], iteration_bounds = array<i64: 2, 4>, scalar_prefetch = 0 : i64, scratch_operands = 0 : i64, tpu.core_type = #tpu.core_type<tc>, window_params = [{transform_indices = @transform_0, window_bounds = array<i64: 1, 1024, 1024>}, {pipeline_mode = #tpu.pipeline_mode<synchronous>, transform_indices = @transform_1, window_bounds = array<i64: 1024, 1024>}, {pipeline_mode = #tpu.pipeline_mode<synchronous>, transform_indices = @transform_2, window_bounds = array<i64: 1, 1024>}, {transform_indices = @transform_3, window_bounds = array<i64: 1, 1024, 64>}, {transform_indices = @transform_4, window_bounds = array<i64: 1, 2>}, {transform_indices = @transform_5, window_bounds = array<i64: 1, 1024, 8>}, {transform_indices = @transform_6, window_bounds = array<i64: 1, 1024, 8>}]} {
    %get3A = arith.constant 0 : index
    %get3A_0 = arith.constant 0 : index
    %get3A_1 = arith.constant 0 : index
    %get3A_2 = vector.load %arg2[%get3A, %get3A_0, %get3A_1] : memref<1x1024x1024xf32, #tpu.memory_space<vmem>>, vector<1x1024x1024xf32>
    %get3A_3 = vector.shape_cast %get3A_2 : vector<1x1024x1024xf32> to vector<1024x1024xf32>
    %get3A_4 = arith.constant 0 : index
    %get3A_5 = arith.constant 0 : index
    %get3A_6 = vector.load %arg3[%get3A_4, %get3A_5] : memref<1024x1024xf32, #tpu.memory_space<vmem>>, vector<1024x1024xf32>
    %dot_general3A = arith.constant dense<0.000000e+00> : vector<1024x1024xf32>
    %dot_general3A_7 = tpu.matmul %get3A_3, %get3A_6, %dot_general3A {dimension_numbers = #tpu.dot_dimension_numbers<[1], [0], [0], [1], [0, 0, 1, 1], [], []>, transpose_lhs_hint = false} : vector<1024x1024xf32>, vector<1024x1024xf32>, vector<1024x1024xf32> -> vector<1024x1024xf32>
    %get3A_8 = arith.constant 0 : index
    %get3A_9 = arith.constant 0 : index
    %get3A_10 = vector.load %arg4[%get3A_8, %get3A_9] : memref<1x1024xf32, #tpu.memory_space<vmem>>, vector<1x1024xf32>
    %add3A = vector.broadcast %get3A_10 : vector<1x1024xf32> to vector<1024x1024xf32>
    %add3A_11 = arith.addf %dot_general3A_7, %add3A : vector<1024x1024xf32>
    %get3A_12 = arith.constant 0 : index
    %get3A_13 = arith.constant 0 : index
    %get3A_14 = memref.load %arg6[%get3A_12, %get3A_13] : memref<1x2xf32, #tpu.memory_space<smem>>
    %get3A_15 = arith.constant 0 : index
    %get3A_16 = arith.constant 1 : index
    %get3A_17 = memref.load %arg6[%get3A_15, %get3A_16] : memref<1x2xf32, #tpu.memory_space<smem>>
    %iota3A = tpu.iota {dimensions = array<i32: 1>} : vector<1024x64xi32>
    %convert_element_type3A = arith.sitofp %iota3A : vector<1024x64xi32> to vector<1024x64xf32>
    %slice3A = vector.extract_strided_slice %add3A_11 {offsets = [0, 0], sizes = [1024, 128], strides = [1, 1]} : vector<1024x1024xf32> to vector<1024x128xf32>
    %mul3A = arith.mulf %slice3A, %slice3A : vector<1024x128xf32>
    %reduce_sum3A = arith.constant dense<0.000000e+00> : vector<1024xf32>
    %reduce_sum3A_18 = vector.multi_reduction <add>, %mul3A, %reduce_sum3A [1] : vector<1024x128xf32> to vector<1024xf32>
    %broadcast_in_dim3A = vector.shape_cast %reduce_sum3A_18 : vector<1024xf32> to vector<1024x1xf32>
    %sqrt3A = math.sqrt %broadcast_in_dim3A : vector<1024x1xf32>
    %max3A = arith.constant 9.99999996E-13 : f32
    %max3A_19 = vector.broadcast %max3A : f32 to vector<1024x1xf32>
    %max3A_20 = arith.maximumf %sqrt3A, %max3A_19 : vector<1024x1xf32>
    %div3A = vector.broadcast %max3A_20 : vector<1024x1xf32> to vector<1024x128xf32>
    %div3A_21 = arith.divf %slice3A, %div3A : vector<1024x128xf32>
    %get3A_22 = arith.constant 0 : index
    %get3A_23 = arith.constant 0 : index
    %get3A_24 = arith.constant 0 : index
    %get3A_25 = vector.load %arg5[%get3A_22, %get3A_23, %get3A_24] : memref<1x1024x64xf32, #tpu.memory_space<vmem>>, vector<1x128x64xf32>
    %get3A_26 = vector.shape_cast %get3A_25 : vector<1x128x64xf32> to vector<128x64xf32>
    %dot_general3A_27 = arith.constant dense<0.000000e+00> : vector<1024x64xf32>
    %dot_general3A_28 = tpu.matmul %div3A_21, %get3A_26, %dot_general3A_27 {dimension_numbers = #tpu.dot_dimension_numbers<[1], [0], [0], [1], [0, 0, 1, 1], [], []>, transpose_lhs_hint = false} : vector<1024x128xf32>, vector<128x64xf32>, vector<1024x64xf32> -> vector<1024x64xf32>
    %mul3A_29 = vector.broadcast %get3A_14 : f32 to vector<1024x64xf32>
    %mul3A_30 = arith.mulf %mul3A_29, %dot_general3A_28 : vector<1024x64xf32>
    %add3A_31 = vector.broadcast %get3A_17 : f32 to vector<1024x64xf32>
    %add3A_32 = arith.addf %mul3A_30, %add3A_31 : vector<1024x64xf32>
    %logistic3A = arith.negf %add3A_32 : vector<1024x64xf32>
    %logistic3A_33 = math.exp %logistic3A : vector<1024x64xf32>
    %logistic3A_34 = arith.constant 1.000000e+00 : f32
    %logistic3A_35 = vector.broadcast %logistic3A_34 : f32 to vector<1024x64xf32>
    %logistic3A_36 = arith.addf %logistic3A_35, %logistic3A_33 : vector<1024x64xf32>
    %logistic3A_37 = arith.divf %logistic3A_35, %logistic3A_36 : vector<1024x64xf32>
    %reduce_max3A = arith.constant dense<0xFF800000> : vector<1024xf32>
    %reduce_max3A_38 = vector.multi_reduction <maximumf>, %logistic3A_37, %reduce_max3A [1] : vector<1024x64xf32> to vector<1024xf32>
    %broadcast_in_dim3A_39 = vector.shape_cast %reduce_max3A_38 : vector<1024xf32> to vector<1024x1xf32>
    %eq3A = vector.broadcast %broadcast_in_dim3A_39 : vector<1024x1xf32> to vector<1024x64xf32>
    %eq3A_40 = arith.cmpf oeq, %logistic3A_37, %eq3A : vector<1024x64xf32>
    %jit3A = arith.constant 6.400000e+01 : f32
    %broadcast_in_dim3A_41 = vector.broadcast %jit3A : f32 to vector<1024x64xf32>
    %select_n3A = arith.select %eq3A_40, %convert_element_type3A, %broadcast_in_dim3A_41 : vector<1024x64xi1>, vector<1024x64xf32>
    %reduce_min3A = arith.constant dense<0x7F800000> : vector<1024xf32>
    %reduce_min3A_42 = vector.multi_reduction <minimumf>, %select_n3A, %reduce_min3A [1] : vector<1024x64xf32> to vector<1024xf32>
    %broadcast_in_dim3A_43 = vector.shape_cast %reduce_min3A_42 : vector<1024xf32> to vector<1024x1xf32>
    %min3A = arith.constant 6.300000e+01 : f32
    %min3A_44 = vector.broadcast %min3A : f32 to vector<1024x1xf32>
    %min3A_45 = arith.minimumf %broadcast_in_dim3A_43, %min3A_44 : vector<1024x1xf32>
    %mul3A_46 = arith.constant 8.000000e+00 : f32
    %mul3A_47 = vector.broadcast %mul3A_46 : f32 to vector<1024x1xf32>
    %mul3A_48 = arith.mulf %min3A_45, %mul3A_47 : vector<1024x1xf32>
    %mul3A_49 = arith.constant 512 : i32
    %mul3A_50 = arith.muli %arg0, %mul3A_49 : i32
    %add3A_51 = arith.constant 0 : i32
    %add3A_52 = arith.addi %mul3A_50, %add3A_51 : i32
    %convert_element_type3A_53 = arith.sitofp %add3A_52 : i32 to f32
    %add3A_54 = vector.broadcast %convert_element_type3A_53 : f32 to vector<1024x1xf32>
    %add3A_55 = arith.addf %mul3A_48, %add3A_54 : vector<1024x1xf32>
    %slice3A_56 = vector.extract_strided_slice %add3A_11 {offsets = [0, 128], sizes = [1024, 128], strides = [1, 1]} : vector<1024x1024xf32> to vector<1024x128xf32>
    %mul3A_57 = arith.mulf %slice3A_56, %slice3A_56 : vector<1024x128xf32>
    %reduce_sum3A_58 = arith.constant dense<0.000000e+00> : vector<1024xf32>
    %reduce_sum3A_59 = vector.multi_reduction <add>, %mul3A_57, %reduce_sum3A_58 [1] : vector<1024x128xf32> to vector<1024xf32>
    %broadcast_in_dim3A_60 = vector.shape_cast %reduce_sum3A_59 : vector<1024xf32> to vector<1024x1xf32>
    %sqrt3A_61 = math.sqrt %broadcast_in_dim3A_60 : vector<1024x1xf32>
    %max3A_62 = arith.constant 9.99999996E-13 : f32
    %max3A_63 = vector.broadcast %max3A_62 : f32 to vector<1024x1xf32>
    %max3A_64 = arith.maximumf %sqrt3A_61, %max3A_63 : vector<1024x1xf32>
    %div3A_65 = vector.broadcast %max3A_64 : vector<1024x1xf32> to vector<1024x128xf32>
    %div3A_66 = arith.divf %slice3A_56, %div3A_65 : vector<1024x128xf32>
    %get3A_67 = arith.constant 0 : index
    %get3A_68 = arith.constant 128 : index
    %get3A_69 = arith.constant 0 : index
    %get3A_70 = vector.load %arg5[%get3A_67, %get3A_68, %get3A_69] : memref<1x1024x64xf32, #tpu.memory_space<vmem>>, vector<1x128x64xf32>
    %get3A_71 = vector.shape_cast %get3A_70 : vector<1x128x64xf32> to vector<128x64xf32>
    %dot_general3A_72 = arith.constant dense<0.000000e+00> : vector<1024x64xf32>
    %dot_general3A_73 = tpu.matmul %div3A_66, %get3A_71, %dot_general3A_72 {dimension_numbers = #tpu.dot_dimension_numbers<[1], [0], [0], [1], [0, 0, 1, 1], [], []>, transpose_lhs_hint = false} : vector<1024x128xf32>, vector<128x64xf32>, vector<1024x64xf32> -> vector<1024x64xf32>
    %mul3A_74 = vector.broadcast %get3A_14 : f32 to vector<1024x64xf32>
    %mul3A_75 = arith.mulf %mul3A_74, %dot_general3A_73 : vector<1024x64xf32>
    %add3A_76 = vector.broadcast %get3A_17 : f32 to vector<1024x64xf32>
    %add3A_77 = arith.addf %mul3A_75, %add3A_76 : vector<1024x64xf32>
    %logistic3A_78 = arith.negf %add3A_77 : vector<1024x64xf32>
    %logistic3A_79 = math.exp %logistic3A_78 : vector<1024x64xf32>
    %logistic3A_80 = arith.constant 1.000000e+00 : f32
    %logistic3A_81 = vector.broadcast %logistic3A_80 : f32 to vector<1024x64xf32>
    %logistic3A_82 = arith.addf %logistic3A_81, %logistic3A_79 : vector<1024x64xf32>
    %logistic3A_83 = arith.divf %logistic3A_81, %logistic3A_82 : vector<1024x64xf32>
    %reduce_max3A_84 = arith.constant dense<0xFF800000> : vector<1024xf32>
    %reduce_max3A_85 = vector.multi_reduction <maximumf>, %logistic3A_83, %reduce_max3A_84 [1] : vector<1024x64xf32> to vector<1024xf32>
    %broadcast_in_dim3A_86 = vector.shape_cast %reduce_max3A_85 : vector<1024xf32> to vector<1024x1xf32>
    %eq3A_87 = vector.broadcast %broadcast_in_dim3A_86 : vector<1024x1xf32> to vector<1024x64xf32>
    %eq3A_88 = arith.cmpf oeq, %logistic3A_83, %eq3A_87 : vector<1024x64xf32>
    %jit3A_89 = arith.constant 6.400000e+01 : f32
    %broadcast_in_dim3A_90 = vector.broadcast %jit3A_89 : f32 to vector<1024x64xf32>
    %select_n3A_91 = arith.select %eq3A_88, %convert_element_type3A, %broadcast_in_dim3A_90 : vector<1024x64xi1>, vector<1024x64xf32>
    %reduce_min3A_92 = arith.constant dense<0x7F800000> : vector<1024xf32>
    %reduce_min3A_93 = vector.multi_reduction <minimumf>, %select_n3A_91, %reduce_min3A_92 [1] : vector<1024x64xf32> to vector<1024xf32>
    %broadcast_in_dim3A_94 = vector.shape_cast %reduce_min3A_93 : vector<1024xf32> to vector<1024x1xf32>
    %min3A_95 = arith.constant 6.300000e+01 : f32
    %min3A_96 = vector.broadcast %min3A_95 : f32 to vector<1024x1xf32>
    %min3A_97 = arith.minimumf %broadcast_in_dim3A_94, %min3A_96 : vector<1024x1xf32>
    %mul3A_98 = arith.constant 8.000000e+00 : f32
    %mul3A_99 = vector.broadcast %mul3A_98 : f32 to vector<1024x1xf32>
    %mul3A_100 = arith.mulf %min3A_97, %mul3A_99 : vector<1024x1xf32>
    %mul3A_101 = arith.constant 512 : i32
    %mul3A_102 = arith.muli %arg0, %mul3A_101 : i32
    %add3A_103 = arith.constant 1 : i32
    %add3A_104 = arith.addi %mul3A_102, %add3A_103 : i32
    %convert_element_type3A_105 = arith.sitofp %add3A_104 : i32 to f32
    %add3A_106 = vector.broadcast %convert_element_type3A_105 : f32 to vector<1024x1xf32>
    %add3A_107 = arith.addf %mul3A_100, %add3A_106 : vector<1024x1xf32>
    %slice3A_108 = vector.extract_strided_slice %add3A_11 {offsets = [0, 256], sizes = [1024, 128], strides = [1, 1]} : vector<1024x1024xf32> to vector<1024x128xf32>
    %mul3A_109 = arith.mulf %slice3A_108, %slice3A_108 : vector<1024x128xf32>
    %reduce_sum3A_110 = arith.constant dense<0.000000e+00> : vector<1024xf32>
    %reduce_sum3A_111 = vector.multi_reduction <add>, %mul3A_109, %reduce_sum3A_110 [1] : vector<1024x128xf32> to vector<1024xf32>
    %broadcast_in_dim3A_112 = vector.shape_cast %reduce_sum3A_111 : vector<1024xf32> to vector<1024x1xf32>
    %sqrt3A_113 = math.sqrt %broadcast_in_dim3A_112 : vector<1024x1xf32>
    %max3A_114 = arith.constant 9.99999996E-13 : f32
    %max3A_115 = vector.broadcast %max3A_114 : f32 to vector<1024x1xf32>
    %max3A_116 = arith.maximumf %sqrt3A_113, %max3A_115 : vector<1024x1xf32>
    %div3A_117 = vector.broadcast %max3A_116 : vector<1024x1xf32> to vector<1024x128xf32>
    %div3A_118 = arith.divf %slice3A_108, %div3A_117 : vector<1024x128xf32>
    %get3A_119 = arith.constant 0 : index
    %get3A_120 = arith.constant 256 : index
    %get3A_121 = arith.constant 0 : index
    %get3A_122 = vector.load %arg5[%get3A_119, %get3A_120, %get3A_121] : memref<1x1024x64xf32, #tpu.memory_space<vmem>>, vector<1x128x64xf32>
    %get3A_123 = vector.shape_cast %get3A_122 : vector<1x128x64xf32> to vector<128x64xf32>
    %dot_general3A_124 = arith.constant dense<0.000000e+00> : vector<1024x64xf32>
    %dot_general3A_125 = tpu.matmul %div3A_118, %get3A_123, %dot_general3A_124 {dimension_numbers = #tpu.dot_dimension_numbers<[1], [0], [0], [1], [0, 0, 1, 1], [], []>, transpose_lhs_hint = false} : vector<1024x128xf32>, vector<128x64xf32>, vector<1024x64xf32> -> vector<1024x64xf32>
    %mul3A_126 = vector.broadcast %get3A_14 : f32 to vector<1024x64xf32>
    %mul3A_127 = arith.mulf %mul3A_126, %dot_general3A_125 : vector<1024x64xf32>
    %add3A_128 = vector.broadcast %get3A_17 : f32 to vector<1024x64xf32>
    %add3A_129 = arith.addf %mul3A_127, %add3A_128 : vector<1024x64xf32>
    %logistic3A_130 = arith.negf %add3A_129 : vector<1024x64xf32>
    %logistic3A_131 = math.exp %logistic3A_130 : vector<1024x64xf32>
    %logistic3A_132 = arith.constant 1.000000e+00 : f32
    %logistic3A_133 = vector.broadcast %logistic3A_132 : f32 to vector<1024x64xf32>
    %logistic3A_134 = arith.addf %logistic3A_133, %logistic3A_131 : vector<1024x64xf32>
    %logistic3A_135 = arith.divf %logistic3A_133, %logistic3A_134 : vector<1024x64xf32>
    %reduce_max3A_136 = arith.constant dense<0xFF800000> : vector<1024xf32>
    %reduce_max3A_137 = vector.multi_reduction <maximumf>, %logistic3A_135, %reduce_max3A_136 [1] : vector<1024x64xf32> to vector<1024xf32>
    %broadcast_in_dim3A_138 = vector.shape_cast %reduce_max3A_137 : vector<1024xf32> to vector<1024x1xf32>
    %eq3A_139 = vector.broadcast %broadcast_in_dim3A_138 : vector<1024x1xf32> to vector<1024x64xf32>
    %eq3A_140 = arith.cmpf oeq, %logistic3A_135, %eq3A_139 : vector<1024x64xf32>
    %jit3A_141 = arith.constant 6.400000e+01 : f32
    %broadcast_in_dim3A_142 = vector.broadcast %jit3A_141 : f32 to vector<1024x64xf32>
    %select_n3A_143 = arith.select %eq3A_140, %convert_element_type3A, %broadcast_in_dim3A_142 : vector<1024x64xi1>, vector<1024x64xf32>
    %reduce_min3A_144 = arith.constant dense<0x7F800000> : vector<1024xf32>
    %reduce_min3A_145 = vector.multi_reduction <minimumf>, %select_n3A_143, %reduce_min3A_144 [1] : vector<1024x64xf32> to vector<1024xf32>
    %broadcast_in_dim3A_146 = vector.shape_cast %reduce_min3A_145 : vector<1024xf32> to vector<1024x1xf32>
    %min3A_147 = arith.constant 6.300000e+01 : f32
    %min3A_148 = vector.broadcast %min3A_147 : f32 to vector<1024x1xf32>
    %min3A_149 = arith.minimumf %broadcast_in_dim3A_146, %min3A_148 : vector<1024x1xf32>
    %mul3A_150 = arith.constant 8.000000e+00 : f32
    %mul3A_151 = vector.broadcast %mul3A_150 : f32 to vector<1024x1xf32>
    %mul3A_152 = arith.mulf %min3A_149, %mul3A_151 : vector<1024x1xf32>
    %mul3A_153 = arith.constant 512 : i32
    %mul3A_154 = arith.muli %arg0, %mul3A_153 : i32
    %add3A_155 = arith.constant 2 : i32
    %add3A_156 = arith.addi %mul3A_154, %add3A_155 : i32
    %convert_element_type3A_157 = arith.sitofp %add3A_156 : i32 to f32
    %add3A_158 = vector.broadcast %convert_element_type3A_157 : f32 to vector<1024x1xf32>
    %add3A_159 = arith.addf %mul3A_152, %add3A_158 : vector<1024x1xf32>
    %slice3A_160 = vector.extract_strided_slice %add3A_11 {offsets = [0, 384], sizes = [1024, 128], strides = [1, 1]} : vector<1024x1024xf32> to vector<1024x128xf32>
    %mul3A_161 = arith.mulf %slice3A_160, %slice3A_160 : vector<1024x128xf32>
    %reduce_sum3A_162 = arith.constant dense<0.000000e+00> : vector<1024xf32>
    %reduce_sum3A_163 = vector.multi_reduction <add>, %mul3A_161, %reduce_sum3A_162 [1] : vector<1024x128xf32> to vector<1024xf32>
    %broadcast_in_dim3A_164 = vector.shape_cast %reduce_sum3A_163 : vector<1024xf32> to vector<1024x1xf32>
    %sqrt3A_165 = math.sqrt %broadcast_in_dim3A_164 : vector<1024x1xf32>
    %max3A_166 = arith.constant 9.99999996E-13 : f32
    %max3A_167 = vector.broadcast %max3A_166 : f32 to vector<1024x1xf32>
    %max3A_168 = arith.maximumf %sqrt3A_165, %max3A_167 : vector<1024x1xf32>
    %div3A_169 = vector.broadcast %max3A_168 : vector<1024x1xf32> to vector<1024x128xf32>
    %div3A_170 = arith.divf %slice3A_160, %div3A_169 : vector<1024x128xf32>
    %get3A_171 = arith.constant 0 : index
    %get3A_172 = arith.constant 384 : index
    %get3A_173 = arith.constant 0 : index
    %get3A_174 = vector.load %arg5[%get3A_171, %get3A_172, %get3A_173] : memref<1x1024x64xf32, #tpu.memory_space<vmem>>, vector<1x128x64xf32>
    %get3A_175 = vector.shape_cast %get3A_174 : vector<1x128x64xf32> to vector<128x64xf32>
    %dot_general3A_176 = arith.constant dense<0.000000e+00> : vector<1024x64xf32>
    %dot_general3A_177 = tpu.matmul %div3A_170, %get3A_175, %dot_general3A_176 {dimension_numbers = #tpu.dot_dimension_numbers<[1], [0], [0], [1], [0, 0, 1, 1], [], []>, transpose_lhs_hint = false} : vector<1024x128xf32>, vector<128x64xf32>, vector<1024x64xf32> -> vector<1024x64xf32>
    %mul3A_178 = vector.broadcast %get3A_14 : f32 to vector<1024x64xf32>
    %mul3A_179 = arith.mulf %mul3A_178, %dot_general3A_177 : vector<1024x64xf32>
    %add3A_180 = vector.broadcast %get3A_17 : f32 to vector<1024x64xf32>
    %add3A_181 = arith.addf %mul3A_179, %add3A_180 : vector<1024x64xf32>
    %logistic3A_182 = arith.negf %add3A_181 : vector<1024x64xf32>
    %logistic3A_183 = math.exp %logistic3A_182 : vector<1024x64xf32>
    %logistic3A_184 = arith.constant 1.000000e+00 : f32
    %logistic3A_185 = vector.broadcast %logistic3A_184 : f32 to vector<1024x64xf32>
    %logistic3A_186 = arith.addf %logistic3A_185, %logistic3A_183 : vector<1024x64xf32>
    %logistic3A_187 = arith.divf %logistic3A_185, %logistic3A_186 : vector<1024x64xf32>
    %reduce_max3A_188 = arith.constant dense<0xFF800000> : vector<1024xf32>
    %reduce_max3A_189 = vector.multi_reduction <maximumf>, %logistic3A_187, %reduce_max3A_188 [1] : vector<1024x64xf32> to vector<1024xf32>
    %broadcast_in_dim3A_190 = vector.shape_cast %reduce_max3A_189 : vector<1024xf32> to vector<1024x1xf32>
    %eq3A_191 = vector.broadcast %broadcast_in_dim3A_190 : vector<1024x1xf32> to vector<1024x64xf32>
    %eq3A_192 = arith.cmpf oeq, %logistic3A_187, %eq3A_191 : vector<1024x64xf32>
    %jit3A_193 = arith.constant 6.400000e+01 : f32
    %broadcast_in_dim3A_194 = vector.broadcast %jit3A_193 : f32 to vector<1024x64xf32>
    %select_n3A_195 = arith.select %eq3A_192, %convert_element_type3A, %broadcast_in_dim3A_194 : vector<1024x64xi1>, vector<1024x64xf32>
    %reduce_min3A_196 = arith.constant dense<0x7F800000> : vector<1024xf32>
    %reduce_min3A_197 = vector.multi_reduction <minimumf>, %select_n3A_195, %reduce_min3A_196 [1] : vector<1024x64xf32> to vector<1024xf32>
    %broadcast_in_dim3A_198 = vector.shape_cast %reduce_min3A_197 : vector<1024xf32> to vector<1024x1xf32>
    %min3A_199 = arith.constant 6.300000e+01 : f32
    %min3A_200 = vector.broadcast %min3A_199 : f32 to vector<1024x1xf32>
    %min3A_201 = arith.minimumf %broadcast_in_dim3A_198, %min3A_200 : vector<1024x1xf32>
    %mul3A_202 = arith.constant 8.000000e+00 : f32
    %mul3A_203 = vector.broadcast %mul3A_202 : f32 to vector<1024x1xf32>
    %mul3A_204 = arith.mulf %min3A_201, %mul3A_203 : vector<1024x1xf32>
    %mul3A_205 = arith.constant 512 : i32
    %mul3A_206 = arith.muli %arg0, %mul3A_205 : i32
    %add3A_207 = arith.constant 3 : i32
    %add3A_208 = arith.addi %mul3A_206, %add3A_207 : i32
    %convert_element_type3A_209 = arith.sitofp %add3A_208 : i32 to f32
    %add3A_210 = vector.broadcast %convert_element_type3A_209 : f32 to vector<1024x1xf32>
    %add3A_211 = arith.addf %mul3A_204, %add3A_210 : vector<1024x1xf32>
    %slice3A_212 = vector.extract_strided_slice %add3A_11 {offsets = [0, 512], sizes = [1024, 128], strides = [1, 1]} : vector<1024x1024xf32> to vector<1024x128xf32>
    %mul3A_213 = arith.mulf %slice3A_212, %slice3A_212 : vector<1024x128xf32>
    %reduce_sum3A_214 = arith.constant dense<0.000000e+00> : vector<1024xf32>
    %reduce_sum3A_215 = vector.multi_reduction <add>, %mul3A_213, %reduce_sum3A_214 [1] : vector<1024x128xf32> to vector<1024xf32>
    %broadcast_in_dim3A_216 = vector.shape_cast %reduce_sum3A_215 : vector<1024xf32> to vector<1024x1xf32>
    %sqrt3A_217 = math.sqrt %broadcast_in_dim3A_216 : vector<1024x1xf32>
    %max3A_218 = arith.constant 9.99999996E-13 : f32
    %max3A_219 = vector.broadcast %max3A_218 : f32 to vector<1024x1xf32>
    %max3A_220 = arith.maximumf %sqrt3A_217, %max3A_219 : vector<1024x1xf32>
    %div3A_221 = vector.broadcast %max3A_220 : vector<1024x1xf32> to vector<1024x128xf32>
    %div3A_222 = arith.divf %slice3A_212, %div3A_221 : vector<1024x128xf32>
    %get3A_223 = arith.constant 0 : index
    %get3A_224 = arith.constant 512 : index
    %get3A_225 = arith.constant 0 : index
    %get3A_226 = vector.load %arg5[%get3A_223, %get3A_224, %get3A_225] : memref<1x1024x64xf32, #tpu.memory_space<vmem>>, vector<1x128x64xf32>
    %get3A_227 = vector.shape_cast %get3A_226 : vector<1x128x64xf32> to vector<128x64xf32>
    %dot_general3A_228 = arith.constant dense<0.000000e+00> : vector<1024x64xf32>
    %dot_general3A_229 = tpu.matmul %div3A_222, %get3A_227, %dot_general3A_228 {dimension_numbers = #tpu.dot_dimension_numbers<[1], [0], [0], [1], [0, 0, 1, 1], [], []>, transpose_lhs_hint = false} : vector<1024x128xf32>, vector<128x64xf32>, vector<1024x64xf32> -> vector<1024x64xf32>
    %mul3A_230 = vector.broadcast %get3A_14 : f32 to vector<1024x64xf32>
    %mul3A_231 = arith.mulf %mul3A_230, %dot_general3A_229 : vector<1024x64xf32>
    %add3A_232 = vector.broadcast %get3A_17 : f32 to vector<1024x64xf32>
    %add3A_233 = arith.addf %mul3A_231, %add3A_232 : vector<1024x64xf32>
    %logistic3A_234 = arith.negf %add3A_233 : vector<1024x64xf32>
    %logistic3A_235 = math.exp %logistic3A_234 : vector<1024x64xf32>
    %logistic3A_236 = arith.constant 1.000000e+00 : f32
    %logistic3A_237 = vector.broadcast %logistic3A_236 : f32 to vector<1024x64xf32>
    %logistic3A_238 = arith.addf %logistic3A_237, %logistic3A_235 : vector<1024x64xf32>
    %logistic3A_239 = arith.divf %logistic3A_237, %logistic3A_238 : vector<1024x64xf32>
    %reduce_max3A_240 = arith.constant dense<0xFF800000> : vector<1024xf32>
    %reduce_max3A_241 = vector.multi_reduction <maximumf>, %logistic3A_239, %reduce_max3A_240 [1] : vector<1024x64xf32> to vector<1024xf32>
    %broadcast_in_dim3A_242 = vector.shape_cast %reduce_max3A_241 : vector<1024xf32> to vector<1024x1xf32>
    %eq3A_243 = vector.broadcast %broadcast_in_dim3A_242 : vector<1024x1xf32> to vector<1024x64xf32>
    %eq3A_244 = arith.cmpf oeq, %logistic3A_239, %eq3A_243 : vector<1024x64xf32>
    %jit3A_245 = arith.constant 6.400000e+01 : f32
    %broadcast_in_dim3A_246 = vector.broadcast %jit3A_245 : f32 to vector<1024x64xf32>
    %select_n3A_247 = arith.select %eq3A_244, %convert_element_type3A, %broadcast_in_dim3A_246 : vector<1024x64xi1>, vector<1024x64xf32>
    %reduce_min3A_248 = arith.constant dense<0x7F800000> : vector<1024xf32>
    %reduce_min3A_249 = vector.multi_reduction <minimumf>, %select_n3A_247, %reduce_min3A_248 [1] : vector<1024x64xf32> to vector<1024xf32>
    %broadcast_in_dim3A_250 = vector.shape_cast %reduce_min3A_249 : vector<1024xf32> to vector<1024x1xf32>
    %min3A_251 = arith.constant 6.300000e+01 : f32
    %min3A_252 = vector.broadcast %min3A_251 : f32 to vector<1024x1xf32>
    %min3A_253 = arith.minimumf %broadcast_in_dim3A_250, %min3A_252 : vector<1024x1xf32>
    %mul3A_254 = arith.constant 8.000000e+00 : f32
    %mul3A_255 = vector.broadcast %mul3A_254 : f32 to vector<1024x1xf32>
    %mul3A_256 = arith.mulf %min3A_253, %mul3A_255 : vector<1024x1xf32>
    %mul3A_257 = arith.constant 512 : i32
    %mul3A_258 = arith.muli %arg0, %mul3A_257 : i32
    %add3A_259 = arith.constant 4 : i32
    %add3A_260 = arith.addi %mul3A_258, %add3A_259 : i32
    %convert_element_type3A_261 = arith.sitofp %add3A_260 : i32 to f32
    %add3A_262 = vector.broadcast %convert_element_type3A_261 : f32 to vector<1024x1xf32>
    %add3A_263 = arith.addf %mul3A_256, %add3A_262 : vector<1024x1xf32>
    %slice3A_264 = vector.extract_strided_slice %add3A_11 {offsets = [0, 640], sizes = [1024, 128], strides = [1, 1]} : vector<1024x1024xf32> to vector<1024x128xf32>
    %mul3A_265 = arith.mulf %slice3A_264, %slice3A_264 : vector<1024x128xf32>
    %reduce_sum3A_266 = arith.constant dense<0.000000e+00> : vector<1024xf32>
    %reduce_sum3A_267 = vector.multi_reduction <add>, %mul3A_265, %reduce_sum3A_266 [1] : vector<1024x128xf32> to vector<1024xf32>
    %broadcast_in_dim3A_268 = vector.shape_cast %reduce_sum3A_267 : vector<1024xf32> to vector<1024x1xf32>
    %sqrt3A_269 = math.sqrt %broadcast_in_dim3A_268 : vector<1024x1xf32>
    %max3A_270 = arith.constant 9.99999996E-13 : f32
    %max3A_271 = vector.broadcast %max3A_270 : f32 to vector<1024x1xf32>
    %max3A_272 = arith.maximumf %sqrt3A_269, %max3A_271 : vector<1024x1xf32>
    %div3A_273 = vector.broadcast %max3A_272 : vector<1024x1xf32> to vector<1024x128xf32>
    %div3A_274 = arith.divf %slice3A_264, %div3A_273 : vector<1024x128xf32>
    %get3A_275 = arith.constant 0 : index
    %get3A_276 = arith.constant 640 : index
    %get3A_277 = arith.constant 0 : index
    %get3A_278 = vector.load %arg5[%get3A_275, %get3A_276, %get3A_277] : memref<1x1024x64xf32, #tpu.memory_space<vmem>>, vector<1x128x64xf32>
    %get3A_279 = vector.shape_cast %get3A_278 : vector<1x128x64xf32> to vector<128x64xf32>
    %dot_general3A_280 = arith.constant dense<0.000000e+00> : vector<1024x64xf32>
    %dot_general3A_281 = tpu.matmul %div3A_274, %get3A_279, %dot_general3A_280 {dimension_numbers = #tpu.dot_dimension_numbers<[1], [0], [0], [1], [0, 0, 1, 1], [], []>, transpose_lhs_hint = false} : vector<1024x128xf32>, vector<128x64xf32>, vector<1024x64xf32> -> vector<1024x64xf32>
    %mul3A_282 = vector.broadcast %get3A_14 : f32 to vector<1024x64xf32>
    %mul3A_283 = arith.mulf %mul3A_282, %dot_general3A_281 : vector<1024x64xf32>
    %add3A_284 = vector.broadcast %get3A_17 : f32 to vector<1024x64xf32>
    %add3A_285 = arith.addf %mul3A_283, %add3A_284 : vector<1024x64xf32>
    %logistic3A_286 = arith.negf %add3A_285 : vector<1024x64xf32>
    %logistic3A_287 = math.exp %logistic3A_286 : vector<1024x64xf32>
    %logistic3A_288 = arith.constant 1.000000e+00 : f32
    %logistic3A_289 = vector.broadcast %logistic3A_288 : f32 to vector<1024x64xf32>
    %logistic3A_290 = arith.addf %logistic3A_289, %logistic3A_287 : vector<1024x64xf32>
    %logistic3A_291 = arith.divf %logistic3A_289, %logistic3A_290 : vector<1024x64xf32>
    %reduce_max3A_292 = arith.constant dense<0xFF800000> : vector<1024xf32>
    %reduce_max3A_293 = vector.multi_reduction <maximumf>, %logistic3A_291, %reduce_max3A_292 [1] : vector<1024x64xf32> to vector<1024xf32>
    %broadcast_in_dim3A_294 = vector.shape_cast %reduce_max3A_293 : vector<1024xf32> to vector<1024x1xf32>
    %eq3A_295 = vector.broadcast %broadcast_in_dim3A_294 : vector<1024x1xf32> to vector<1024x64xf32>
    %eq3A_296 = arith.cmpf oeq, %logistic3A_291, %eq3A_295 : vector<1024x64xf32>
    %jit3A_297 = arith.constant 6.400000e+01 : f32
    %broadcast_in_dim3A_298 = vector.broadcast %jit3A_297 : f32 to vector<1024x64xf32>
    %select_n3A_299 = arith.select %eq3A_296, %convert_element_type3A, %broadcast_in_dim3A_298 : vector<1024x64xi1>, vector<1024x64xf32>
    %reduce_min3A_300 = arith.constant dense<0x7F800000> : vector<1024xf32>
    %reduce_min3A_301 = vector.multi_reduction <minimumf>, %select_n3A_299, %reduce_min3A_300 [1] : vector<1024x64xf32> to vector<1024xf32>
    %broadcast_in_dim3A_302 = vector.shape_cast %reduce_min3A_301 : vector<1024xf32> to vector<1024x1xf32>
    %min3A_303 = arith.constant 6.300000e+01 : f32
    %min3A_304 = vector.broadcast %min3A_303 : f32 to vector<1024x1xf32>
    %min3A_305 = arith.minimumf %broadcast_in_dim3A_302, %min3A_304 : vector<1024x1xf32>
    %mul3A_306 = arith.constant 8.000000e+00 : f32
    %mul3A_307 = vector.broadcast %mul3A_306 : f32 to vector<1024x1xf32>
    %mul3A_308 = arith.mulf %min3A_305, %mul3A_307 : vector<1024x1xf32>
    %mul3A_309 = arith.constant 512 : i32
    %mul3A_310 = arith.muli %arg0, %mul3A_309 : i32
    %add3A_311 = arith.constant 5 : i32
    %add3A_312 = arith.addi %mul3A_310, %add3A_311 : i32
    %convert_element_type3A_313 = arith.sitofp %add3A_312 : i32 to f32
    %add3A_314 = vector.broadcast %convert_element_type3A_313 : f32 to vector<1024x1xf32>
    %add3A_315 = arith.addf %mul3A_308, %add3A_314 : vector<1024x1xf32>
    %slice3A_316 = vector.extract_strided_slice %add3A_11 {offsets = [0, 768], sizes = [1024, 128], strides = [1, 1]} : vector<1024x1024xf32> to vector<1024x128xf32>
    %mul3A_317 = arith.mulf %slice3A_316, %slice3A_316 : vector<1024x128xf32>
    %reduce_sum3A_318 = arith.constant dense<0.000000e+00> : vector<1024xf32>
    %reduce_sum3A_319 = vector.multi_reduction <add>, %mul3A_317, %reduce_sum3A_318 [1] : vector<1024x128xf32> to vector<1024xf32>
    %broadcast_in_dim3A_320 = vector.shape_cast %reduce_sum3A_319 : vector<1024xf32> to vector<1024x1xf32>
    %sqrt3A_321 = math.sqrt %broadcast_in_dim3A_320 : vector<1024x1xf32>
    %max3A_322 = arith.constant 9.99999996E-13 : f32
    %max3A_323 = vector.broadcast %max3A_322 : f32 to vector<1024x1xf32>
    %max3A_324 = arith.maximumf %sqrt3A_321, %max3A_323 : vector<1024x1xf32>
    %div3A_325 = vector.broadcast %max3A_324 : vector<1024x1xf32> to vector<1024x128xf32>
    %div3A_326 = arith.divf %slice3A_316, %div3A_325 : vector<1024x128xf32>
    %get3A_327 = arith.constant 0 : index
    %get3A_328 = arith.constant 768 : index
    %get3A_329 = arith.constant 0 : index
    %get3A_330 = vector.load %arg5[%get3A_327, %get3A_328, %get3A_329] : memref<1x1024x64xf32, #tpu.memory_space<vmem>>, vector<1x128x64xf32>
    %get3A_331 = vector.shape_cast %get3A_330 : vector<1x128x64xf32> to vector<128x64xf32>
    %dot_general3A_332 = arith.constant dense<0.000000e+00> : vector<1024x64xf32>
    %dot_general3A_333 = tpu.matmul %div3A_326, %get3A_331, %dot_general3A_332 {dimension_numbers = #tpu.dot_dimension_numbers<[1], [0], [0], [1], [0, 0, 1, 1], [], []>, transpose_lhs_hint = false} : vector<1024x128xf32>, vector<128x64xf32>, vector<1024x64xf32> -> vector<1024x64xf32>
    %mul3A_334 = vector.broadcast %get3A_14 : f32 to vector<1024x64xf32>
    %mul3A_335 = arith.mulf %mul3A_334, %dot_general3A_333 : vector<1024x64xf32>
    %add3A_336 = vector.broadcast %get3A_17 : f32 to vector<1024x64xf32>
    %add3A_337 = arith.addf %mul3A_335, %add3A_336 : vector<1024x64xf32>
    %logistic3A_338 = arith.negf %add3A_337 : vector<1024x64xf32>
    %logistic3A_339 = math.exp %logistic3A_338 : vector<1024x64xf32>
    %logistic3A_340 = arith.constant 1.000000e+00 : f32
    %logistic3A_341 = vector.broadcast %logistic3A_340 : f32 to vector<1024x64xf32>
    %logistic3A_342 = arith.addf %logistic3A_341, %logistic3A_339 : vector<1024x64xf32>
    %logistic3A_343 = arith.divf %logistic3A_341, %logistic3A_342 : vector<1024x64xf32>
    %reduce_max3A_344 = arith.constant dense<0xFF800000> : vector<1024xf32>
    %reduce_max3A_345 = vector.multi_reduction <maximumf>, %logistic3A_343, %reduce_max3A_344 [1] : vector<1024x64xf32> to vector<1024xf32>
    %broadcast_in_dim3A_346 = vector.shape_cast %reduce_max3A_345 : vector<1024xf32> to vector<1024x1xf32>
    %eq3A_347 = vector.broadcast %broadcast_in_dim3A_346 : vector<1024x1xf32> to vector<1024x64xf32>
    %eq3A_348 = arith.cmpf oeq, %logistic3A_343, %eq3A_347 : vector<1024x64xf32>
    %jit3A_349 = arith.constant 6.400000e+01 : f32
    %broadcast_in_dim3A_350 = vector.broadcast %jit3A_349 : f32 to vector<1024x64xf32>
    %select_n3A_351 = arith.select %eq3A_348, %convert_element_type3A, %broadcast_in_dim3A_350 : vector<1024x64xi1>, vector<1024x64xf32>
    %reduce_min3A_352 = arith.constant dense<0x7F800000> : vector<1024xf32>
    %reduce_min3A_353 = vector.multi_reduction <minimumf>, %select_n3A_351, %reduce_min3A_352 [1] : vector<1024x64xf32> to vector<1024xf32>
    %broadcast_in_dim3A_354 = vector.shape_cast %reduce_min3A_353 : vector<1024xf32> to vector<1024x1xf32>
    %min3A_355 = arith.constant 6.300000e+01 : f32
    %min3A_356 = vector.broadcast %min3A_355 : f32 to vector<1024x1xf32>
    %min3A_357 = arith.minimumf %broadcast_in_dim3A_354, %min3A_356 : vector<1024x1xf32>
    %mul3A_358 = arith.constant 8.000000e+00 : f32
    %mul3A_359 = vector.broadcast %mul3A_358 : f32 to vector<1024x1xf32>
    %mul3A_360 = arith.mulf %min3A_357, %mul3A_359 : vector<1024x1xf32>
    %mul3A_361 = arith.constant 512 : i32
    %mul3A_362 = arith.muli %arg0, %mul3A_361 : i32
    %add3A_363 = arith.constant 6 : i32
    %add3A_364 = arith.addi %mul3A_362, %add3A_363 : i32
    %convert_element_type3A_365 = arith.sitofp %add3A_364 : i32 to f32
    %add3A_366 = vector.broadcast %convert_element_type3A_365 : f32 to vector<1024x1xf32>
    %add3A_367 = arith.addf %mul3A_360, %add3A_366 : vector<1024x1xf32>
    %slice3A_368 = vector.extract_strided_slice %add3A_11 {offsets = [0, 896], sizes = [1024, 128], strides = [1, 1]} : vector<1024x1024xf32> to vector<1024x128xf32>
    %mul3A_369 = arith.mulf %slice3A_368, %slice3A_368 : vector<1024x128xf32>
    %reduce_sum3A_370 = arith.constant dense<0.000000e+00> : vector<1024xf32>
    %reduce_sum3A_371 = vector.multi_reduction <add>, %mul3A_369, %reduce_sum3A_370 [1] : vector<1024x128xf32> to vector<1024xf32>
    %broadcast_in_dim3A_372 = vector.shape_cast %reduce_sum3A_371 : vector<1024xf32> to vector<1024x1xf32>
    %sqrt3A_373 = math.sqrt %broadcast_in_dim3A_372 : vector<1024x1xf32>
    %max3A_374 = arith.constant 9.99999996E-13 : f32
    %max3A_375 = vector.broadcast %max3A_374 : f32 to vector<1024x1xf32>
    %max3A_376 = arith.maximumf %sqrt3A_373, %max3A_375 : vector<1024x1xf32>
    %div3A_377 = vector.broadcast %max3A_376 : vector<1024x1xf32> to vector<1024x128xf32>
    %div3A_378 = arith.divf %slice3A_368, %div3A_377 : vector<1024x128xf32>
    %get3A_379 = arith.constant 0 : index
    %get3A_380 = arith.constant 896 : index
    %get3A_381 = arith.constant 0 : index
    %get3A_382 = vector.load %arg5[%get3A_379, %get3A_380, %get3A_381] : memref<1x1024x64xf32, #tpu.memory_space<vmem>>, vector<1x128x64xf32>
    %get3A_383 = vector.shape_cast %get3A_382 : vector<1x128x64xf32> to vector<128x64xf32>
    %dot_general3A_384 = arith.constant dense<0.000000e+00> : vector<1024x64xf32>
    %dot_general3A_385 = tpu.matmul %div3A_378, %get3A_383, %dot_general3A_384 {dimension_numbers = #tpu.dot_dimension_numbers<[1], [0], [0], [1], [0, 0, 1, 1], [], []>, transpose_lhs_hint = false} : vector<1024x128xf32>, vector<128x64xf32>, vector<1024x64xf32> -> vector<1024x64xf32>
    %mul3A_386 = vector.broadcast %get3A_14 : f32 to vector<1024x64xf32>
    %mul3A_387 = arith.mulf %mul3A_386, %dot_general3A_385 : vector<1024x64xf32>
    %add3A_388 = vector.broadcast %get3A_17 : f32 to vector<1024x64xf32>
    %add3A_389 = arith.addf %mul3A_387, %add3A_388 : vector<1024x64xf32>
    %logistic3A_390 = arith.negf %add3A_389 : vector<1024x64xf32>
    %logistic3A_391 = math.exp %logistic3A_390 : vector<1024x64xf32>
    %logistic3A_392 = arith.constant 1.000000e+00 : f32
    %logistic3A_393 = vector.broadcast %logistic3A_392 : f32 to vector<1024x64xf32>
    %logistic3A_394 = arith.addf %logistic3A_393, %logistic3A_391 : vector<1024x64xf32>
    %logistic3A_395 = arith.divf %logistic3A_393, %logistic3A_394 : vector<1024x64xf32>
    %reduce_max3A_396 = arith.constant dense<0xFF800000> : vector<1024xf32>
    %reduce_max3A_397 = vector.multi_reduction <maximumf>, %logistic3A_395, %reduce_max3A_396 [1] : vector<1024x64xf32> to vector<1024xf32>
    %broadcast_in_dim3A_398 = vector.shape_cast %reduce_max3A_397 : vector<1024xf32> to vector<1024x1xf32>
    %eq3A_399 = vector.broadcast %broadcast_in_dim3A_398 : vector<1024x1xf32> to vector<1024x64xf32>
    %eq3A_400 = arith.cmpf oeq, %logistic3A_395, %eq3A_399 : vector<1024x64xf32>
    %jit3A_401 = arith.constant 6.400000e+01 : f32
    %broadcast_in_dim3A_402 = vector.broadcast %jit3A_401 : f32 to vector<1024x64xf32>
    %select_n3A_403 = arith.select %eq3A_400, %convert_element_type3A, %broadcast_in_dim3A_402 : vector<1024x64xi1>, vector<1024x64xf32>
    %reduce_min3A_404 = arith.constant dense<0x7F800000> : vector<1024xf32>
    %reduce_min3A_405 = vector.multi_reduction <minimumf>, %select_n3A_403, %reduce_min3A_404 [1] : vector<1024x64xf32> to vector<1024xf32>
    %broadcast_in_dim3A_406 = vector.shape_cast %reduce_min3A_405 : vector<1024xf32> to vector<1024x1xf32>
    %min3A_407 = arith.constant 6.300000e+01 : f32
    %min3A_408 = vector.broadcast %min3A_407 : f32 to vector<1024x1xf32>
    %min3A_409 = arith.minimumf %broadcast_in_dim3A_406, %min3A_408 : vector<1024x1xf32>
    %mul3A_410 = arith.constant 8.000000e+00 : f32
    %mul3A_411 = vector.broadcast %mul3A_410 : f32 to vector<1024x1xf32>
    %mul3A_412 = arith.mulf %min3A_409, %mul3A_411 : vector<1024x1xf32>
    %mul3A_413 = arith.constant 512 : i32
    %mul3A_414 = arith.muli %arg0, %mul3A_413 : i32
    %add3A_415 = arith.constant 7 : i32
    %add3A_416 = arith.addi %mul3A_414, %add3A_415 : i32
    %convert_element_type3A_417 = arith.sitofp %add3A_416 : i32 to f32
    %add3A_418 = vector.broadcast %convert_element_type3A_417 : f32 to vector<1024x1xf32>
    %add3A_419 = arith.addf %mul3A_412, %add3A_418 : vector<1024x1xf32>
    %concatenate3A = tpu.concatenate %broadcast_in_dim3A_39, %broadcast_in_dim3A_86, %broadcast_in_dim3A_138, %broadcast_in_dim3A_190, %broadcast_in_dim3A_242, %broadcast_in_dim3A_294, %broadcast_in_dim3A_346, %broadcast_in_dim3A_398 in 1 : vector<1024x1xf32>, vector<1024x1xf32>, vector<1024x1xf32>, vector<1024x1xf32>, vector<1024x1xf32>, vector<1024x1xf32>, vector<1024x1xf32>, vector<1024x1xf32> -> vector<1024x8xf32>
    %swap3A = arith.constant 0 : index
    %swap3A_420 = arith.constant 0 : index
    %swap3A_421 = arith.constant 0 : index
    %swap3A_422 = vector.load %arg8[%swap3A, %swap3A_420, %swap3A_421] : memref<1x1024x8xf32, #tpu.memory_space<vmem>>, vector<1x1024x8xf32>
    %swap3A_423 = vector.shape_cast %swap3A_422 : vector<1x1024x8xf32> to vector<1024x8xf32>
    %swap3A_424 = vector.shape_cast %concatenate3A : vector<1024x8xf32> to vector<1x1024x8xf32>
    tpu.vector_store %arg8[%swap3A, %swap3A_420, %swap3A_421], %swap3A_424 {strides = array<i32>} : memref<1x1024x8xf32, #tpu.memory_space<vmem>>, vector<1x1024x8xf32>,
    %concatenate3A_425 = tpu.concatenate %add3A_55, %add3A_107, %add3A_159, %add3A_211, %add3A_263, %add3A_315, %add3A_367, %add3A_419 in 1 : vector<1024x1xf32>, vector<1024x1xf32>, vector<1024x1xf32>, vector<1024x1xf32>, vector<1024x1xf32>, vector<1024x1xf32>, vector<1024x1xf32>, vector<1024x1xf32> -> vector<1024x8xf32>
    %convert_element_type3A_426 = arith.fptosi %concatenate3A_425 : vector<1024x8xf32> to vector<1024x8xi32>
    %swap3A_427 = arith.constant 0 : index
    %swap3A_428 = arith.constant 0 : index
    %swap3A_429 = arith.constant 0 : index
    %swap3A_430 = vector.load %arg7[%swap3A_427, %swap3A_428, %swap3A_429] : memref<1x1024x8xi32, #tpu.memory_space<vmem>>, vector<1x1024x8xi32>
    %swap3A_431 = vector.shape_cast %swap3A_430 : vector<1x1024x8xi32> to vector<1024x8xi32>
    %swap3A_432 = vector.shape_cast %convert_element_type3A_426 : vector<1024x8xi32> to vector<1x1024x8xi32>
    tpu.vector_store %arg7[%swap3A_427, %swap3A_428, %swap3A_429], %swap3A_432 {strides = array<i32>} : memref<1x1024x8xi32, #tpu.memory_space<vmem>>, vector<1x1024x8xi32>,
    return
  }
  func.func @transform_0(%arg0: i32, %arg1: i32) -> (i32, i32, i32) {
    %c0_i32 = arith.constant 0 : i32
    %c0_i32_0 = arith.constant 0 : i32
    return %arg0, %arg1, %c0_i32 : i32, i32, i32
  }
  func.func @transform_1(%arg0: i32, %arg1: i32) -> (i32, i32) {
    %c0_i32 = arith.constant 0 : i32
    %c0_i32_0 = arith.constant 0 : i32
    %c0_i32_1 = arith.constant 0 : i32
    return %c0_i32, %c0_i32_0 : i32, i32
  }
  func.func @transform_2(%arg0: i32, %arg1: i32) -> (i32, i32) {
    %c0_i32 = arith.constant 0 : i32
    %c0_i32_0 = arith.constant 0 : i32
    %c0_i32_1 = arith.constant 0 : i32
    return %c0_i32, %c0_i32_0 : i32, i32
  }
  func.func @transform_3(%arg0: i32, %arg1: i32) -> (i32, i32, i32) {
    %c0_i32 = arith.constant 0 : i32
    %c0_i32_0 = arith.constant 0 : i32
    %c0_i32_1 = arith.constant 0 : i32
    return %arg0, %c0_i32, %c0_i32_0 : i32, i32, i32
  }
  func.func @transform_4(%arg0: i32, %arg1: i32) -> (i32, i32) {
    %c0_i32 = arith.constant 0 : i32
    %c0_i32_0 = arith.constant 0 : i32
    %c0_i32_1 = arith.constant 0 : i32
    return %c0_i32, %c0_i32_0 : i32, i32
  }
  func.func @transform_5(%arg0: i32, %arg1: i32) -> (i32, i32, i32) {
    %c0_i32 = arith.constant 0 : i32
    %c0_i32_0 = arith.constant 0 : i32
    return %arg0, %arg1, %c0_i32 : i32, i32, i32
  }
  func.func @transform_6(%arg0: i32, %arg1: i32) -> (i32, i32, i32) {
    %c0_i32 = arith.constant 0 : i32
    %c0_i32_0 = arith.constant 0 : i32
    return %arg0, %arg1, %c0_i32 : i32, i32, i32
  }
}

module attributes {stable_mosaic.version = 14 : i64} {
  func.func @_proj_body(%arg0: i32, %arg1: i32, %arg2: memref<8x1x1024x128xf32, #tpu.memory_space<vmem>>, %arg3: memref<1x1024x8xf32, #tpu.memory_space<vmem>>, %arg4: memref<1024x1024xf32, #tpu.memory_space<vmem>>, %arg5: memref<1x1024xf32, #tpu.memory_space<vmem>>, %arg6: memref<1x1024x1024xf32, #tpu.memory_space<vmem>>) attributes {dimension_semantics = [#tpu.dimension_semantics<arbitrary>, #tpu.dimension_semantics<arbitrary>], iteration_bounds = array<i64: 2, 4>, scalar_prefetch = 0 : i64, scratch_operands = 0 : i64, tpu.core_type = #tpu.core_type<tc>, window_params = [{transform_indices = @transform_0, window_bounds = array<i64: 8, 1, 1024, 128>}, {transform_indices = @transform_1, window_bounds = array<i64: 1, 1024, 8>}, {pipeline_mode = #tpu.pipeline_mode<synchronous>, transform_indices = @transform_2, window_bounds = array<i64: 1024, 1024>}, {pipeline_mode = #tpu.pipeline_mode<synchronous>, transform_indices = @transform_3, window_bounds = array<i64: 1, 1024>}, {transform_indices = @transform_4, window_bounds = array<i64: 1, 1024, 1024>}]} {
    %get3A = arith.constant 0 : index
    %get3A_0 = arith.constant 0 : index
    %get3A_1 = arith.constant 0 : index
    %get3A_2 = vector.load %arg3[%get3A, %get3A_0, %get3A_1] : memref<1x1024x8xf32, #tpu.memory_space<vmem>>, vector<1x1024x8xf32>
    %get3A_3 = vector.shape_cast %get3A_2 : vector<1x1024x8xf32> to vector<1024x8xf32>
    %get3A_4 = arith.constant 0 : index
    %get3A_5 = arith.constant 0 : index
    %get3A_6 = arith.constant 0 : index
    %get3A_7 = arith.constant 0 : index
    %get3A_8 = vector.load %arg2[%get3A_4, %get3A_5, %get3A_6, %get3A_7] : memref<8x1x1024x128xf32, #tpu.memory_space<vmem>>, vector<1x1x1024x128xf32>
    %get3A_9 = vector.shape_cast %get3A_8 : vector<1x1x1024x128xf32> to vector<1024x128xf32>
    %slice3A = vector.extract_strided_slice %get3A_3 {offsets = [0, 0], sizes = [1024, 1], strides = [1, 1]} : vector<1024x8xf32> to vector<1024x1xf32>
    %mul3A = vector.broadcast %slice3A : vector<1024x1xf32> to vector<1024x128xf32>
    %mul3A_10 = arith.mulf %get3A_9, %mul3A : vector<1024x128xf32>
    %get3A_11 = arith.constant 1 : index
    %get3A_12 = arith.constant 0 : index
    %get3A_13 = arith.constant 0 : index
    %get3A_14 = arith.constant 0 : index
    %get3A_15 = vector.load %arg2[%get3A_11, %get3A_12, %get3A_13, %get3A_14] : memref<8x1x1024x128xf32, #tpu.memory_space<vmem>>, vector<1x1x1024x128xf32>
    %get3A_16 = vector.shape_cast %get3A_15 : vector<1x1x1024x128xf32> to vector<1024x128xf32>
    %slice3A_17 = vector.extract_strided_slice %get3A_3 {offsets = [0, 1], sizes = [1024, 1], strides = [1, 1]} : vector<1024x8xf32> to vector<1024x1xf32>
    %mul3A_18 = vector.broadcast %slice3A_17 : vector<1024x1xf32> to vector<1024x128xf32>
    %mul3A_19 = arith.mulf %get3A_16, %mul3A_18 : vector<1024x128xf32>
    %get3A_20 = arith.constant 2 : index
    %get3A_21 = arith.constant 0 : index
    %get3A_22 = arith.constant 0 : index
    %get3A_23 = arith.constant 0 : index
    %get3A_24 = vector.load %arg2[%get3A_20, %get3A_21, %get3A_22, %get3A_23] : memref<8x1x1024x128xf32, #tpu.memory_space<vmem>>, vector<1x1x1024x128xf32>
    %get3A_25 = vector.shape_cast %get3A_24 : vector<1x1x1024x128xf32> to vector<1024x128xf32>
    %slice3A_26 = vector.extract_strided_slice %get3A_3 {offsets = [0, 2], sizes = [1024, 1], strides = [1, 1]} : vector<1024x8xf32> to vector<1024x1xf32>
    %mul3A_27 = vector.broadcast %slice3A_26 : vector<1024x1xf32> to vector<1024x128xf32>
    %mul3A_28 = arith.mulf %get3A_25, %mul3A_27 : vector<1024x128xf32>
    %get3A_29 = arith.constant 3 : index
    %get3A_30 = arith.constant 0 : index
    %get3A_31 = arith.constant 0 : index
    %get3A_32 = arith.constant 0 : index
    %get3A_33 = vector.load %arg2[%get3A_29, %get3A_30, %get3A_31, %get3A_32] : memref<8x1x1024x128xf32, #tpu.memory_space<vmem>>, vector<1x1x1024x128xf32>
    %get3A_34 = vector.shape_cast %get3A_33 : vector<1x1x1024x128xf32> to vector<1024x128xf32>
    %slice3A_35 = vector.extract_strided_slice %get3A_3 {offsets = [0, 3], sizes = [1024, 1], strides = [1, 1]} : vector<1024x8xf32> to vector<1024x1xf32>
    %mul3A_36 = vector.broadcast %slice3A_35 : vector<1024x1xf32> to vector<1024x128xf32>
    %mul3A_37 = arith.mulf %get3A_34, %mul3A_36 : vector<1024x128xf32>
    %get3A_38 = arith.constant 4 : index
    %get3A_39 = arith.constant 0 : index
    %get3A_40 = arith.constant 0 : index
    %get3A_41 = arith.constant 0 : index
    %get3A_42 = vector.load %arg2[%get3A_38, %get3A_39, %get3A_40, %get3A_41] : memref<8x1x1024x128xf32, #tpu.memory_space<vmem>>, vector<1x1x1024x128xf32>
    %get3A_43 = vector.shape_cast %get3A_42 : vector<1x1x1024x128xf32> to vector<1024x128xf32>
    %slice3A_44 = vector.extract_strided_slice %get3A_3 {offsets = [0, 4], sizes = [1024, 1], strides = [1, 1]} : vector<1024x8xf32> to vector<1024x1xf32>
    %mul3A_45 = vector.broadcast %slice3A_44 : vector<1024x1xf32> to vector<1024x128xf32>
    %mul3A_46 = arith.mulf %get3A_43, %mul3A_45 : vector<1024x128xf32>
    %get3A_47 = arith.constant 5 : index
    %get3A_48 = arith.constant 0 : index
    %get3A_49 = arith.constant 0 : index
    %get3A_50 = arith.constant 0 : index
    %get3A_51 = vector.load %arg2[%get3A_47, %get3A_48, %get3A_49, %get3A_50] : memref<8x1x1024x128xf32, #tpu.memory_space<vmem>>, vector<1x1x1024x128xf32>
    %get3A_52 = vector.shape_cast %get3A_51 : vector<1x1x1024x128xf32> to vector<1024x128xf32>
    %slice3A_53 = vector.extract_strided_slice %get3A_3 {offsets = [0, 5], sizes = [1024, 1], strides = [1, 1]} : vector<1024x8xf32> to vector<1024x1xf32>
    %mul3A_54 = vector.broadcast %slice3A_53 : vector<1024x1xf32> to vector<1024x128xf32>
    %mul3A_55 = arith.mulf %get3A_52, %mul3A_54 : vector<1024x128xf32>
    %get3A_56 = arith.constant 6 : index
    %get3A_57 = arith.constant 0 : index
    %get3A_58 = arith.constant 0 : index
    %get3A_59 = arith.constant 0 : index
    %get3A_60 = vector.load %arg2[%get3A_56, %get3A_57, %get3A_58, %get3A_59] : memref<8x1x1024x128xf32, #tpu.memory_space<vmem>>, vector<1x1x1024x128xf32>
    %get3A_61 = vector.shape_cast %get3A_60 : vector<1x1x1024x128xf32> to vector<1024x128xf32>
    %slice3A_62 = vector.extract_strided_slice %get3A_3 {offsets = [0, 6], sizes = [1024, 1], strides = [1, 1]} : vector<1024x8xf32> to vector<1024x1xf32>
    %mul3A_63 = vector.broadcast %slice3A_62 : vector<1024x1xf32> to vector<1024x128xf32>
    %mul3A_64 = arith.mulf %get3A_61, %mul3A_63 : vector<1024x128xf32>
    %get3A_65 = arith.constant 7 : index
    %get3A_66 = arith.constant 0 : index
    %get3A_67 = arith.constant 0 : index
    %get3A_68 = arith.constant 0 : index
    %get3A_69 = vector.load %arg2[%get3A_65, %get3A_66, %get3A_67, %get3A_68] : memref<8x1x1024x128xf32, #tpu.memory_space<vmem>>, vector<1x1x1024x128xf32>
    %get3A_70 = vector.shape_cast %get3A_69 : vector<1x1x1024x128xf32> to vector<1024x128xf32>
    %slice3A_71 = vector.extract_strided_slice %get3A_3 {offsets = [0, 7], sizes = [1024, 1], strides = [1, 1]} : vector<1024x8xf32> to vector<1024x1xf32>
    %mul3A_72 = vector.broadcast %slice3A_71 : vector<1024x1xf32> to vector<1024x128xf32>
    %mul3A_73 = arith.mulf %get3A_70, %mul3A_72 : vector<1024x128xf32>
    %concatenate3A = tpu.concatenate %mul3A_10, %mul3A_19, %mul3A_28, %mul3A_37, %mul3A_46, %mul3A_55, %mul3A_64, %mul3A_73 in 1 : vector<1024x128xf32>, vector<1024x128xf32>, vector<1024x128xf32>, vector<1024x128xf32>, vector<1024x128xf32>, vector<1024x128xf32>, vector<1024x128xf32>, vector<1024x128xf32> -> vector<1024x1024xf32>
    %get3A_74 = arith.constant 0 : index
    %get3A_75 = arith.constant 0 : index
    %get3A_76 = vector.load %arg4[%get3A_74, %get3A_75] : memref<1024x1024xf32, #tpu.memory_space<vmem>>, vector<1024x1024xf32>
    %dot_general3A = arith.constant dense<0.000000e+00> : vector<1024x1024xf32>
    %dot_general3A_77 = tpu.matmul %concatenate3A, %get3A_76, %dot_general3A {dimension_numbers = #tpu.dot_dimension_numbers<[1], [0], [0], [1], [0, 0, 1, 1], [], []>, transpose_lhs_hint = false} : vector<1024x1024xf32>, vector<1024x1024xf32>, vector<1024x1024xf32> -> vector<1024x1024xf32>
    %get3A_78 = arith.constant 0 : index
    %get3A_79 = arith.constant 0 : index
    %get3A_80 = vector.load %arg5[%get3A_78, %get3A_79] : memref<1x1024xf32, #tpu.memory_space<vmem>>, vector<1x1024xf32>
    %add3A = vector.broadcast %get3A_80 : vector<1x1024xf32> to vector<1024x1024xf32>
    %add3A_81 = arith.addf %dot_general3A_77, %add3A : vector<1024x1024xf32>
    %swap3A = arith.constant 0 : index
    %swap3A_82 = arith.constant 0 : index
    %swap3A_83 = arith.constant 0 : index
    %swap3A_84 = vector.load %arg6[%swap3A, %swap3A_82, %swap3A_83] : memref<1x1024x1024xf32, #tpu.memory_space<vmem>>, vector<1x1024x1024xf32>
    %swap3A_85 = vector.shape_cast %swap3A_84 : vector<1x1024x1024xf32> to vector<1024x1024xf32>
    %swap3A_86 = vector.shape_cast %add3A_81 : vector<1024x1024xf32> to vector<1x1024x1024xf32>
    tpu.vector_store %arg6[%swap3A, %swap3A_82, %swap3A_83], %swap3A_86 {strides = array<i32>} : memref<1x1024x1024xf32, #tpu.memory_space<vmem>>, vector<1x1024x1024xf32>,
    return
  }
  func.func @transform_0(%arg0: i32, %arg1: i32) -> (i32, i32, i32, i32) {
    %c0_i32 = arith.constant 0 : i32
    %c0_i32_0 = arith.constant 0 : i32
    %c0_i32_1 = arith.constant 0 : i32
    return %c0_i32, %arg0, %arg1, %c0_i32_0 : i32, i32, i32, i32
  }
  func.func @transform_1(%arg0: i32, %arg1: i32) -> (i32, i32, i32) {
    %c0_i32 = arith.constant 0 : i32
    %c0_i32_0 = arith.constant 0 : i32
    return %arg0, %arg1, %c0_i32 : i32, i32, i32
  }
  func.func @transform_2(%arg0: i32, %arg1: i32) -> (i32, i32) {
    %c0_i32 = arith.constant 0 : i32
    %c0_i32_0 = arith.constant 0 : i32
    %c0_i32_1 = arith.constant 0 : i32
    return %c0_i32, %c0_i32_0 : i32, i32
  }
  func.func @transform_3(%arg0: i32, %arg1: i32) -> (i32, i32) {
    %c0_i32 = arith.constant 0 : i32
    %c0_i32_0 = arith.constant 0 : i32
    %c0_i32_1 = arith.constant 0 : i32
    return %c0_i32, %c0_i32_0 : i32, i32
  }
  func.func @transform_4(%arg0: i32, %arg1: i32) -> (i32, i32, i32) {
    %c0_i32 = arith.constant 0 : i32
    %c0_i32_0 = arith.constant 0 : i32
    return %arg0, %arg1, %c0_i32 : i32, i32, i32
  }
}

</mosaic_0001>

<sc_bundles>
// kernel: kernel.6.cloned.1.call-start
scs
__scs_entry_jumppad:
0x0: {  	(pc) =	sbr.rel $0x88, $3  }
0x1: {  	(tag) =	ssettag $0x0;
	lr =	simm.s32 $0x1  }
0x2: {  	[smem:$0x3F97] =	sst lr;
	_ =	strace $0xD0000000  }
0x3: {  	_ = 	snop  }
0x4: {  	_ = 	snop  }
0x5: {  	_ = 	snop  }
0x6: {  	_ = 	snop  }
0x7: {  	_ = 	snop  }
__scs_overlays_trampoline_lowered:
0x8: {  	[smem:$0x3FA6] =	sst s0  }
0x9: {  	[smem:$0x3FA7] =	sst s1  }
0xa: {  	[smem:$0x3FA8] =	sst s2  }
0xb: {  	[smem:$0x3FA9] =	sst s3  }
0xc: {  	[smem:$0x3FAA] =	sst s4  }
0xd: {  	[smem:$0x3FAB] =	sst s5  }
0xe: {  	[smem:$0x3FAC] =	sst s6  }
0xf: {  	[smem:$0x3FAD] =	sst s7  }
0x10: {  	[smem:$0x3FAE] =	sst s8  }
0x11: {  	[smem:$0x3FAF] =	sst s9;
	s0 =	simm.s32 @!p0 $0x0  }
0x12: {  	s1 =	sld [smem:$0x3F95];
	s0 =	simm.s32 @p0 $0x1  }
0x13: {  	[smem:$0x3FB0] =	sst s0;
	s0 =	simm.s32 @!p1 $0x0  }
0x14: {  	s2 =	sld [smem:$0x3F94];
	s0 =	simm.s32 @p1 $0x1  }
0x15: {  	[smem:$0x3FB1] =	sst s0;
	s0 =	simm.s32 @!p2 $0x0  }
0x16: {  	s3 =	sld [smem:$0x3FDB];
	s0 =	simm.s32 @p2 $0x1  }
0x17: {  	s4 =	simm.s32 $0x1BF5;
	[smem:$0x3FB3] =	sst s0  }
0x18: {  	s0 =	sld [smem:$0x3F96];
	_ =	swait.ge [sflag:s4], $0x0  }
0x19: {  	s7 =	sld [smem:$0x3F97]  }
0x1a: {  	s8 =	sadd.s32 $0xFFFFE003, lr  }
0x1b: {  	s9 =	sadd.s32 $0xFFFFFEF7, lr;
	s5 =	simm.s32 $0xFFFFFFFF;
	p2 =	slt.u32 s8, $0xFFFFF086  }
0x1c: {  	p1 =	slt.u32 s9, $0xF7A;
	s5 =	simm.s32 @!p2 $0x0  }
0x1d: {  	s5 =	simm.s32 @p1 $0x1;
	p0 =	seq.s32 s7, s2  }
0x1e: {  	s7 =	smul.u32 @!p0 $0xF7A, s2;
	p2 =	seq.s32 @!p0 s5, $0x0  }
0x1f: {  	s9 =	smul.u32 $0xF7A, s1;
	s8 =	simm.s32 @!p0 $0x1BF5;
	p2 =	por !p2, p0  }
0x20: {  	[sflag:s8] =	ssyncset.s32 @!p0 $0xFFFFF086;
	s6 =	sadd.s32 @!p0 s3, s7;
	s7 =	simm.s32 @!p0 $0x108  }
0x21: {  	s3 =	sadd.s32 s3, s9;
	s6 =	sadd.s32 @!p0 $0x88, s6;
	s7 =	simm.s32 @p2 $0x1082  }
0x22: {  	[simem:s7], [sflag:s8] =	dma.local @!p0 [hbm:s6], $0xF7A  }
0x23: {  	s9 =	sor.u32 $0xD0000000, s2;
	s6 =	simm.s32 $0x108;
	_ =	swait.ge @!p0 [sflag:s8], $0x0  }
0x24: {  	s3 =	sadd.s32 $0x88, s3;
	s6 =	simm.s32 @!p1 $0x1082;
	[sflag:s4] =	ssyncset.s32 $0xFFFFF086  }
0x25: {  	[simem:s6], [sflag:s4] =	dma.local [hbm:s3], $0xF7A  }
0x26: {  	[smem:$0x3F97] =	sst s1;
	(tag) =	ssettag s2;
	_ =	strace s9  }
0x27: {  	s1 =	sld [smem:$0x3FA7]  }
0x28: {  	s2 =	sld [smem:$0x3FA8]  }
0x29: {  	s4 =	sld [smem:$0x3FAA]  }
0x2a: {  	p0 =	seq.s32 s5, $0x0;
	s5 =	sld [smem:$0x3FAB]  }
0x2b: {  	s6 =	sld [smem:$0x3FAC]  }
0x2c: {  	s7 =	sld [smem:$0x3FAD]  }
0x2d: {  	s3 =	simm.s32 $0x108;
	s8 =	sld [smem:$0x3FAE]  }
0x2e: {  	s3 =	simm.s32 @!p0 $0x1082;
	s9 =	sld [smem:$0x3FAF]  }
0x2f: {  	lr =	sadd.s32 s0, s3;
	s0 =	sld [smem:$0x3FA6]  }
0x30: {  	s3 =	sld [smem:$0x3FA9]  }
0x31: {  	[smem:$0x3FB2] =	sst s10  }
0x32: {  	s10 =	sld [smem:$0x3FB0];
	_ =	sdelay $0x3  }
0x33: {  	p0 =	seq.s32 s10, $0x1;
	s10 =	sld [smem:$0x3FB2];
	_ =	sdelay $0x3  }
0x34: {  	[smem:$0x3FB2] =	sst s10  }
0x35: {  	s10 =	sld [smem:$0x3FB1];
	_ =	sdelay $0x3  }
0x36: {  	p1 =	seq.s32 s10, $0x1;
	s10 =	sld [smem:$0x3FB2];
	_ =	sdelay $0x3  }
0x37: {  	[smem:$0x3FB2] =	sst s10  }
0x38: {  	s10 =	sld [smem:$0x3FB3]  }
0x39: {  	_ = 	snop;
	(pc) =	sbr.ind lr, $3  }
0x3a: {  	_ = 	snop  }
0x3b: {  	_ = 	snop  }
0x3c: {  	p2 =	seq.s32 s10, $0x1;
	s10 =	sld [smem:$0x3FB2]  }
0x3d: {  	_ =	shalt  }
0x3e: {  	_ =	shalt  }
0x3f: {  	_ =	shalt  }
0x40: {  	_ =	shalt  }
0x41: {  	_ =	shalt  }
0x42: {  	_ =	shalt  }
0x43: {  	_ =	shalt  }
0x44: {  	_ =	shalt  }
0x45: {  	_ =	shalt  }
0x46: {  	_ =	shalt  }
0x47: {  	_ =	shalt  }
0x48: {  	_ =	shalt  }
0x49: {  	_ =	shalt  }
0x4a: {  	_ =	shalt  }
0x4b: {  	_ =	shalt  }
0x4c: {  	_ =	shalt  }
0x4d: {  	_ =	shalt  }
0x4e: {  	_ =	shalt  }
0x4f: {  	_ =	shalt  }
0x50: {  	_ =	shalt  }
0x51: {  	_ =	shalt  }
0x52: {  	_ =	shalt  }
0x53: {  	_ =	shalt  }
0x54: {  	_ =	shalt  }
0x55: {  	_ =	shalt  }
0x56: {  	_ =	shalt  }
0x57: {  	_ =	shalt  }
0x58: {  	_ =	shalt  }
0x59: {  	_ =	shalt  }
0x5a: {  	_ =	shalt  }
0x5b: {  	_ =	shalt  }
0x5c: {  	_ =	shalt  }
0x5d: {  	_ =	shalt  }
0x5e: {  	_ =	shalt  }
0x5f: {  	_ =	shalt  }
0x60: {  	_ =	shalt  }
0x61: {  	_ =	shalt  }
0x62: {  	_ =	shalt  }
0x63: {  	_ =	shalt  }
0x64: {  	_ =	shalt  }
0x65: {  	_ =	shalt  }
0x66: {  	_ =	shalt  }
0x67: {  	_ =	shalt  }
0x68: {  	_ =	shalt  }
0x69: {  	_ =	shalt  }
0x6a: {  	_ =	shalt  }
0x6b: {  	_ =	shalt  }
0x6c: {  	_ =	shalt  }
0x6d: {  	_ =	shalt  }
0x6e: {  	_ =	shalt  }
0x6f: {  	_ =	shalt  }
0x70: {  	_ =	shalt  }
0x71: {  	_ =	shalt  }
0x72: {  	_ =	shalt  }
0x73: {  	_ =	shalt  }
0x74: {  	_ =	shalt  }
0x75: {  	_ =	shalt  }
0x76: {  	_ =	shalt  }
0x77: {  	_ =	shalt  }
0x78: {  	_ =	shalt  }
0x79: {  	_ =	shalt  }
0x7a: {  	_ =	shalt  }
0x7b: {  	_ =	shalt  }
0x7c: {  	_ =	shalt  }
0x7d: {  	_ =	shalt  }
0x7e: {  	_ =	shalt  }
0x7f: {  	_ =	shalt  }
0x80: {  	_ =	shalt  }
0x81: {  	_ =	shalt  }
0x82: {  	_ =	shalt  }
0x83: {  	_ =	shalt  }
0x84: {  	_ =	shalt  }
0x85: {  	_ =	shalt  }
0x86: {  	_ =	shalt  }
0x87: {  	_ =	shalt  }
.Lfunc_end0:
.L_simem_size_0:
called_computation_lowered:
.L_overlay_start_0:
0x88: {  	s2 =	sld [smem:$0x3FD9]  }
0x89: {  	s3 =	sld [smem:$0x3FFE];
	_ =	sdelay $0x1  }
0x8a: {  	s1 =	srdreg.scid  }
0x8b: {  	s0 =	sand.u32 $0x1, s1  }
0x8c: {  	s17 =	sshll.u32 s0, $0xA;
	s2 =	sadd.s32 s3, s2  }
0x8d: {  	s2 =	sadd.s32 s2, s17  }
0x8e: {  	[smem:$0x3FBE] =	sst s2  }
0x8f: {  	_ = 	snop  }
0x90: {  	s2 =	sld [smem:$0x3FD0];
	(tm) =	ssettm $0x1  }
0x91: {  	s18 =	sld [smem:$0x3FFB];
	_ =	sdelay $0x3  }
0x92: {  	_ =	strace s18  }
0x93: {  	s3 =	sld [smem:$0x3FFC];
	_ =	sdelay $0x3  }
0x94: {  	_ =	strace s3  }
0x95: {  	s3 =	sld [smem:$0x3FFD];
	_ =	sdelay $0x3  }
0x96: {  	_ =	strace s3  }
0x97: {  	_ =	strace $0x8FFFFFFF  }
0x98: {  	s19 =	sld [smem:$0x3FDB];
	_ =	sdelay $0x1  }
0x99: {  	s4 =	simm.s32 $_scs_section_size  }
0x9a: {  	s5 =	simm.s32 $_size__tile_overlayer_lowered;
	s6 =	simm.s32 $_tile_overlayer_lowered  }
0x9b: {  	s22 =	simm.s32 $0x1BFF;
	s21 =	sshll.u32 s6, $0x1;
	s3 =	sadd.s32 s4, s19  }
0x9c: {  	s7 =	simm.s32 $0x0;
	s20 =	sshll.u32 s5, $0x1;
	s5 =	sadd.s32 s21, s3  }
0x9d: {  	[timem:s7], [sflag:s22] =	dma.local [hbm:s5], s20  }
0x9e: {  	_ =	swait.ge [sflag:s22], s20  }
0x9f: {  	s4 =	ssub.s32 $0x0, s20;
	[sflag:s22] =	ssyncset.done $0x0  }
0xa0: {  	[sflag:s22] =	ssyncadd.s32 s4;
	_ =	sdelay $0x1  }
0xa1: {  	s23 =	simm.s32 $0x1B8B  }
0xa2: {  	_ =	swait.ge [sflag:s23], $0x1  }
0xa3: {  	[sflag:s23] =	ssyncset.done $0x0  }
0xa4: {  	s25 =	simm.s32 $0x1B8E;
	s24 =	sld [smem:$0x3FFE];
	[sflag:s23] =	ssyncadd.s32 $0xFFFFFFFF  }
0xa5: {  	s26 =	simm.s32 $execute0_lowered;
	[smem:$0x3FD2] =	sst s25  }
0xa6: {  	s5 =	sshll.u32 s26, $0x1;
	_ =	strace $0x80000046;
	[dreg:$0x1] =	wrdreg $0xFFFFFFFF  }
0xa7: {  	s28 =	simm.s32 $_size_execute0_lowered;
	s3 =	sadd.s32 s3, s5;
	[dreg:$0x0] =	wrdreg $0x0  }
0xa8: {  	s5 =	sshll.u32 s28, $0x1;
	[dreg:$0x2] =	wrdreg s3  }
0xa9: {  	[dreg:$0x3] =	wrdreg s5  }
0xaa: {  	[dreg:$0x4] =	wrdreg $0xC0  }
0xab: {  	_ =	task [dreg:s7], $0x5FFFF  }
0xac: {  	[dreg:$0x1] =	wrdreg $0xFFFFFFFF  }
0xad: {  	[dreg:$0x0] =	wrdreg $0x60  }
0xae: {  	[dreg:$0x2] =	wrdreg s2  }
0xaf: {  	[dreg:$0x3] =	wrdreg s24  }
0xb0: {  	[dreg:$0x4] =	wrdreg $0x9  }
0xb1: {  	_ =	task.clear_ibuf [dreg:s7], $0x5FFFF;
	_ =	strace $0x90000046  }
0xb2: {  	s29 =	simm.s32 $0x9;
	_ =	strace $0x80000048  }
0xb3: {  	_ =	swait.ge [sflag:s29], $0x1  }
0xb4: {  	[sflag:s29] =	ssyncadd.s32 $0xFFFFFFFF  }
0xb5: {  	_ =	strace $0x90000048  }
0xb6: {  	_ =	sfence  }
0xb7: {  	s30 =	sld [smem:$0x0];
	_ =	sdelay $0x2  }
0xb8: {  	s31 =	sshll.u32 s1, $0xD;
	s1 =	sshrl.u32 s1, $0x2  }
0xb9: {  	s3 =	sand.u32 $0x4000, s31;
	s1 =	sadd.s32 s1, s30  }
0xba: {  	s0 =	sor.u32 s3, s0;
	s1 =	sshll.u32 s1, $0x11  }
0xbb: {  	s0 =	sor.u32 s1, s0  }
0xbc: {  	s0 =	sadd.s32 $0x8F2B, s0  }
0xbd: {  	[sflag:s0] =	ssyncadd.remote.s32 $0x1  }
0xbe: {  	_ =	sfence.sel $0xFFFF  }
0xbf: {  	[dreg:$0x0] =	wrdreg $0xFFFFFFFF;
	(pc) =	sbr.abs _section_cstart, $3  }
0xc0: {  	[dreg:$0x1] =	wrdreg $0xFFFFFFFF  }
0xc1: {  	_ =	task.clear_ibuf [dreg:s7], $0x2FFFF;
	_ =	strace $0x9FFFFFFF  }
0xc2: {  	(tm) =	ssettm $0x7FFFFFFF  }
0xc3: {  	_ =	shalt  }
tec
execute0_lowered:
.L_overlay_start_1:
0x0: {  	(tag) =	ssettag $0x1  }
0x1: {  	s1 =	srdreg.scid  }
0x2: {  	s0 =	stileid.u32;
	s1 =	sand.u32 $0x1, s1  }
0x3: {  	s3 =	sshll.u32 s0, $0xC;
	s4 =	sshll.u32 s1, $0xB  }
0x4: {  	s2 =	rddreg [dreg:$0x0];
	s4 =	sor.u32 s4, s3  }
0x5: {  	s5 =	rddreg [dreg:$0x1];
	s6 =	sshrl.u32 s4, $0x3  }
0x6: {  	s3 =	simm.s32 $0x0;
	s4 =	sshll.u32 s4, $0x4;
	s6 =	sadd.s32 s6, s5  }
0x7: {  	[smem:$0x7FF] =	sst s3;
	s31 =	sadd.s32 s4, s5;
	s14 =	sadd.s32 $0x1600, s6  }
0x8: {  	_ =	strace $0x80000047;
	s15 =	sadd.s32 $0x3600, s31;
	[dreg:$0x3] =	wrdreg s14  }
0x9: {  	s16 =	sadd.s32 $0x3E00, s31;
	[dreg:$0x4] =	wrdreg s15  }
0xa: {  	s17 =	sadd.s32 $0x4600, s31;
	[dreg:$0x5] =	wrdreg s16  }
0xb: {  	s18 =	sadd.s32 $0x4E00, s31;
	[dreg:$0x6] =	wrdreg s17  }
0xc: {  	s19 =	sadd.s32 $0x5600, s31;
	[dreg:$0x7] =	wrdreg s18  }
0xd: {  	s20 =	sadd.s32 $0x5E00, s31;
	[dreg:$0x8] =	wrdreg s19  }
0xe: {  	s21 =	sadd.s32 $0x6600, s31;
	[dreg:$0x9] =	wrdreg s20  }
0xf: {  	s22 =	sadd.s32 $0x6E00, s31;
	[dreg:$0xa] =	wrdreg s21  }
0x10: {  	s23 =	sadd.s32 $0x7600, s31;
	[dreg:$0xb] =	wrdreg s22  }
0x11: {  	s24 =	sadd.s32 $0x7E00, s31;
	[dreg:$0xc] =	wrdreg s23  }
0x12: {  	s26 =	sadd.s32 $0x8600, s31;
	[dreg:$0xd] =	wrdreg s24  }
0x13: {  	[dreg:$0xe] =	wrdreg s26  }
0x14: {  	s4 =	simm.s32 $0x5;
	s25 =	rddreg [dreg:$0x3]  }
0x15: {  	[tilespmem:s3], [sflag:$0x5] =	stream.linear.gather [hbm4b:s25+s3], $0x800, $0x38;
	[tilespmem:$0x8800] =	vst v63  }
0x16: {  	_ =	swait.ge [sflag:s4], $0x800  }
0x17: {  	[sflag:s4] =	ssyncset.done $0x0  }
0x18: {  	s5 =	simm.s32 $0x80;
	s6 =	simm.s32 $0x800;
	[sflag:s4] =	ssyncadd.s32 $0xFFFFF800  }
0x19: {  	[tilespmem:s6], [sflag:$0x1] =	stream.indirect.gather [hbm4b:s2+s5], $0x80, s3, s5, $0xb8;
	[tilespmem:$0x8800] =	vst v63  }
0x1a: {  	s7 =	simm.s32 $0x4800;
	s8 =	simm.s32 $0x1  }
0x1b: {  	[tilespmem:s7], [sflag:$0x2] =	stream.indirect.gather [hbm4b:s2+s5], $0x80, s5, s5, $0xb8;
	[tilespmem:$0x8800] =	vst v63  }
0x1c: {  	_ =	swait.ge [sflag:s8], $0x4000  }
0x1d: {  	[sflag:s8] =	ssyncset.done $0x0  }
0x1e: {  	s9 =	simm.s32 $0x3;
	s10 =	rddreg [dreg:$0x4];
	[sflag:s8] =	ssyncadd.s32 $0xFFFFC000  }
0x1f: {  	[hbm4b:s10+s3] =	stream.linear.scatter [tilespmem:s6], [sflag:$0x3], $0x4000, $0x38;
	[tilespmem:$0x8800] =	vst v63  }
0x20: {  	_ =	swait.ge [sflag:s9], $0x4000  }
0x21: {  	[sflag:s9] =	ssyncset.done $0x0  }
0x22: {  	s11 =	simm.s32 $0x2;
	s10 =	simm.s32 $0x100;
	[sflag:s9] =	ssyncadd.s32 $0xFFFFC000  }
0x23: {  	[tilespmem:s6], [sflag:$0x1] =	stream.indirect.gather [hbm4b:s2+s5], $0x80, s10, s5, $0xb8;
	[tilespmem:$0x8800] =	vst v63  }
0x24: {  	_ =	swait.ge [sflag:s11], $0x4000  }
0x25: {  	[sflag:s11] =	ssyncset.done $0x0  }
0x26: {  	s12 =	simm.s32 $0x4;
	s13 =	rddreg [dreg:$0x5];
	[sflag:s11] =	ssyncadd.s32 $0xFFFFC000  }
0x27: {  	[hbm4b:s13+s3] =	stream.linear.scatter [tilespmem:s7], [sflag:$0x4], $0x4000, $0x38;
	[tilespmem:$0x8800] =	vst v63  }
0x28: {  	_ =	swait.ge [sflag:s12], $0x4000  }
0x29: {  	[sflag:s12] =	ssyncset.done $0x0  }
0x2a: {  	s13 =	simm.s32 $0x180;
	[sflag:s12] =	ssyncadd.s32 $0xFFFFC000  }
0x2b: {  	[tilespmem:s7], [sflag:$0x2] =	stream.indirect.gather [hbm4b:s2+s5], $0x80, s13, s5, $0xb8;
	[tilespmem:$0x8800] =	vst v63  }
0x2c: {  	_ =	swait.ge [sflag:s8], $0x4000  }
0x2d: {  	[sflag:s8] =	ssyncset.done $0x0  }
0x2e: {  	s14 =	rddreg [dreg:$0x6];
	[sflag:s8] =	ssyncadd.s32 $0xFFFFC000  }
0x2f: {  	[hbm4b:s14+s3] =	stream.linear.scatter [tilespmem:s6], [sflag:$0x3], $0x4000, $0x38;
	[tilespmem:$0x8800] =	vst v63  }
0x30: {  	_ =	swait.ge [sflag:s9], $0x4000  }
0x31: {  	[sflag:s9] =	ssyncset.done $0x0  }
0x32: {  	s14 =	simm.s32 $0x200;
	[sflag:s9] =	ssyncadd.s32 $0xFFFFC000  }
0x33: {  	[tilespmem:s6], [sflag:$0x1] =	stream.indirect.gather [hbm4b:s2+s5], $0x80, s14, s5, $0xb8;
	[tilespmem:$0x8800] =	vst v63  }
0x34: {  	_ =	swait.ge [sflag:s11], $0x4000  }
0x35: {  	[sflag:s11] =	ssyncset.done $0x0  }
0x36: {  	s15 =	rddreg [dreg:$0x7];
	[sflag:s11] =	ssyncadd.s32 $0xFFFFC000  }
0x37: {  	[hbm4b:s15+s3] =	stream.linear.scatter [tilespmem:s7], [sflag:$0x4], $0x4000, $0x38;
	[tilespmem:$0x8800] =	vst v63  }
0x38: {  	_ =	swait.ge [sflag:s12], $0x4000  }
0x39: {  	[sflag:s12] =	ssyncset.done $0x0  }
0x3a: {  	s15 =	simm.s32 $0x280;
	[sflag:s12] =	ssyncadd.s32 $0xFFFFC000  }
0x3b: {  	[tilespmem:s7], [sflag:$0x2] =	stream.indirect.gather [hbm4b:s2+s5], $0x80, s15, s5, $0xb8;
	[tilespmem:$0x8800] =	vst v63  }
0x3c: {  	_ =	swait.ge [sflag:s8], $0x4000  }
0x3d: {  	[sflag:s8] =	ssyncset.done $0x0  }
0x3e: {  	s16 =	rddreg [dreg:$0x8];
	[sflag:s8] =	ssyncadd.s32 $0xFFFFC000  }
0x3f: {  	[hbm4b:s16+s3] =	stream.linear.scatter [tilespmem:s6], [sflag:$0x3], $0x4000, $0x38;
	[tilespmem:$0x8800] =	vst v63  }
0x40: {  	_ =	swait.ge [sflag:s9], $0x4000  }
0x41: {  	[sflag:s9] =	ssyncset.done $0x0  }
0x42: {  	s16 =	simm.s32 $0x300;
	[sflag:s9] =	ssyncadd.s32 $0xFFFFC000  }
0x43: {  	[tilespmem:s6], [sflag:$0x1] =	stream.indirect.gather [hbm4b:s2+s5], $0x80, s16, s5, $0xb8;
	[tilespmem:$0x8800] =	vst v63  }
0x44: {  	_ =	swait.ge [sflag:s11], $0x4000  }
0x45: {  	[sflag:s11] =	ssyncset.done $0x0  }
0x46: {  	s17 =	rddreg [dreg:$0x9];
	[sflag:s11] =	ssyncadd.s32 $0xFFFFC000  }
0x47: {  	[hbm4b:s17+s3] =	stream.linear.scatter [tilespmem:s7], [sflag:$0x4], $0x4000, $0x38;
	[tilespmem:$0x8800] =	vst v63  }
0x48: {  	_ =	swait.ge [sflag:s12], $0x4000  }
0x49: {  	[sflag:s12] =	ssyncset.done $0x0  }
0x4a: {  	s17 =	simm.s32 $0x380;
	[sflag:s12] =	ssyncadd.s32 $0xFFFFC000  }
0x4b: {  	[tilespmem:s7], [sflag:$0x2] =	stream.indirect.gather [hbm4b:s2+s5], $0x80, s17, s5, $0xb8;
	[tilespmem:$0x8800] =	vst v63  }
0x4c: {  	_ =	swait.ge [sflag:s8], $0x4000  }
0x4d: {  	[sflag:s8] =	ssyncset.done $0x0  }
0x4e: {  	s18 =	rddreg [dreg:$0xa];
	[sflag:s8] =	ssyncadd.s32 $0xFFFFC000  }
0x4f: {  	[hbm4b:s18+s3] =	stream.linear.scatter [tilespmem:s6], [sflag:$0x3], $0x4000, $0x38;
	[tilespmem:$0x8800] =	vst v63  }
0x50: {  	_ =	swait.ge [sflag:s9], $0x4000  }
0x51: {  	[sflag:s9] =	ssyncset.done $0x0  }
0x52: {  	s18 =	simm.s32 $0x400;
	[sflag:s9] =	ssyncadd.s32 $0xFFFFC000  }
0x53: {  	[tilespmem:s6], [sflag:$0x1] =	stream.indirect.gather [hbm4b:s2+s5], $0x80, s18, s5, $0xb8;
	[tilespmem:$0x8800] =	vst v63  }
0x54: {  	_ =	swait.ge [sflag:s11], $0x4000  }
0x55: {  	[sflag:s11] =	ssyncset.done $0x0  }
0x56: {  	s19 =	rddreg [dreg:$0xb];
	[sflag:s11] =	ssyncadd.s32 $0xFFFFC000  }
0x57: {  	[hbm4b:s19+s3] =	stream.linear.scatter [tilespmem:s7], [sflag:$0x4], $0x4000, $0x38;
	[tilespmem:$0x8800] =	vst v63  }
0x58: {  	_ =	swait.ge [sflag:s12], $0x4000  }
0x59: {  	[sflag:s12] =	ssyncset.done $0x0  }
0x5a: {  	s19 =	simm.s32 $0x480;
	[sflag:s12] =	ssyncadd.s32 $0xFFFFC000  }
0x5b: {  	[tilespmem:s7], [sflag:$0x2] =	stream.indirect.gather [hbm4b:s2+s5], $0x80, s19, s5, $0xb8;
	[tilespmem:$0x8800] =	vst v63  }
0x5c: {  	_ =	swait.ge [sflag:s8], $0x4000  }
0x5d: {  	[sflag:s8] =	ssyncset.done $0x0  }
0x5e: {  	s20 =	rddreg [dreg:$0xc];
	[sflag:s8] =	ssyncadd.s32 $0xFFFFC000  }
0x5f: {  	[hbm4b:s20+s3] =	stream.linear.scatter [tilespmem:s6], [sflag:$0x3], $0x4000, $0x38;
	[tilespmem:$0x8800] =	vst v63  }
0x60: {  	_ =	swait.ge [sflag:s9], $0x4000  }
0x61: {  	[sflag:s9] =	ssyncset.done $0x0  }
0x62: {  	s20 =	simm.s32 $0x500;
	[sflag:s9] =	ssyncadd.s32 $0xFFFFC000  }
0x63: {  	[tilespmem:s6], [sflag:$0x1] =	stream.indirect.gather [hbm4b:s2+s5], $0x80, s20, s5, $0xb8;
	[tilespmem:$0x8800] =	vst v63  }
0x64: {  	_ =	swait.ge [sflag:s11], $0x4000  }
0x65: {  	[sflag:s11] =	ssyncset.done $0x0  }
0x66: {  	s21 =	rddreg [dreg:$0xd];
	[sflag:s11] =	ssyncadd.s32 $0xFFFFC000  }
0x67: {  	[hbm4b:s21+s3] =	stream.linear.scatter [tilespmem:s7], [sflag:$0x4], $0x4000, $0x38;
	[tilespmem:$0x8800] =	vst v63  }
0x68: {  	_ =	swait.ge [sflag:s12], $0x4000  }
0x69: {  	[sflag:s12] =	ssyncset.done $0x0  }
0x6a: {  	s21 =	simm.s32 $0x580;
	[sflag:s12] =	ssyncadd.s32 $0xFFFFC000  }
0x6b: {  	[tilespmem:s7], [sflag:$0x2] =	stream.indirect.gather [hbm4b:s2+s5], $0x80, s21, s5, $0xb8;
	[tilespmem:$0x8800] =	vst v63  }
0x6c: {  	_ =	swait.ge [sflag:s8], $0x4000  }
0x6d: {  	[sflag:s8] =	ssyncset.done $0x0  }
0x6e: {  	s22 =	rddreg [dreg:$0xe];
	[sflag:s8] =	ssyncadd.s32 $0xFFFFC000  }
0x6f: {  	[hbm4b:s22+s3] =	stream.linear.scatter [tilespmem:s6], [sflag:$0x3], $0x4000, $0x38;
	[tilespmem:$0x8800] =	vst v63  }
0x70: {  	_ =	swait.ge [sflag:s9], $0x4000  }
0x71: {  	[sflag:s9] =	ssyncset.done $0x0  }
0x72: {  	s22 =	simm.s32 $0x600;
	[sflag:s9] =	ssyncadd.s32 $0xFFFFC000  }
0x73: {  	[tilespmem:s6], [sflag:$0x1] =	stream.indirect.gather [hbm4b:s2+s5], $0x80, s22, s5, $0xb8;
	[tilespmem:$0x8800] =	vst v63  }
0x74: {  	_ =	swait.ge [sflag:s11], $0x4000  }
0x75: {  	[sflag:s11] =	ssyncset.done $0x0  }
0x76: {  	s23 =	sadd.s32 $0x8E00, s31;
	[sflag:s11] =	ssyncadd.s32 $0xFFFFC000  }
0x77: {  	[hbm4b:s23+s3] =	stream.linear.scatter [tilespmem:s7], [sflag:$0x4], $0x4000, $0x38;
	[tilespmem:$0x8800] =	vst v63  }
0x78: {  	_ =	swait.ge [sflag:s12], $0x4000  }
0x79: {  	[sflag:s12] =	ssyncset.done $0x0  }
0x7a: {  	s24 =	simm.s32 $0x680;
	[sflag:s12] =	ssyncadd.s32 $0xFFFFC000  }
0x7b: {  	[tilespmem:s7], [sflag:$0x2] =	stream.indirect.gather [hbm4b:s2+s5], $0x80, s24, s5, $0xb8;
	[tilespmem:$0x8800] =	vst v63  }
0x7c: {  	_ =	swait.ge [sflag:s8], $0x4000  }
0x7d: {  	[sflag:s8] =	ssyncset.done $0x0  }
0x7e: {  	s25 =	sadd.s32 $0x9600, s31;
	[sflag:s8] =	ssyncadd.s32 $0xFFFFC000  }
0x7f: {  	[hbm4b:s25+s3] =	stream.linear.scatter [tilespmem:s6], [sflag:$0x3], $0x4000, $0x38;
	[tilespmem:$0x8800] =	vst v63  }
0x80: {  	_ =	swait.ge [sflag:s9], $0x4000  }
0x81: {  	[sflag:s9] =	ssyncset.done $0x0  }
0x82: {  	s26 =	simm.s32 $0x700;
	[sflag:s9] =	ssyncadd.s32 $0xFFFFC000  }
0x83: {  	[tilespmem:s6], [sflag:$0x1] =	stream.indirect.gather [hbm4b:s2+s5], $0x80, s26, s5, $0xb8;
	[tilespmem:$0x8800] =	vst v63  }
0x84: {  	_ =	swait.ge [sflag:s11], $0x4000  }
0x85: {  	[sflag:s11] =	ssyncset.done $0x0  }
0x86: {  	s28 =	sadd.s32 $0x9E00, s31;
	[sflag:s11] =	ssyncadd.s32 $0xFFFFC000  }
0x87: {  	[hbm4b:s28+s3] =	stream.linear.scatter [tilespmem:s7], [sflag:$0x4], $0x4000, $0x38;
	[tilespmem:$0x8800] =	vst v63  }
0x88: {  	_ =	swait.ge [sflag:s12], $0x4000  }
0x89: {  	[sflag:s12] =	ssyncset.done $0x0  }
0x8a: {  	s29 =	simm.s32 $0x780;
	[sflag:s12] =	ssyncadd.s32 $0xFFFFC000  }
0x8b: {  	[tilespmem:s7], [sflag:$0x2] =	stream.indirect.gather [hbm4b:s2+s5], $0x80, s29, s5, $0xb8;
	[tilespmem:$0x8800] =	vst v63  }
0x8c: {  	_ =	swait.ge [sflag:s8], $0x4000  }
0x8d: {  	s1 =	ssub.s32 $0x2, s1;
	[sflag:s8] =	ssyncset.done $0x0  }
0x8e: {  	s0 =	sshrl.u32 s1, $0x1;
	s30 =	sadd.s32 $0xA600, s31;
	[sflag:s8] =	ssyncadd.s32 $0xFFFFC000  }
0x8f: {  	[hbm4b:s30+s3] =	stream.linear.scatter [tilespmem:s6], [sflag:$0x3], $0x4000, $0x38;
	[tilespmem:$0x8800] =	vst v63  }
0x90: {  	s0 =	ssub.s32 s1, s0;
	_ =	swait.ge [sflag:s11], $0x4000  }
0x91: {  	s0 =	smax.u32 s0, $0x1;
	[sflag:s11] =	ssyncset.done $0x0  }
0x92: {  	p0 =	sne.s32 s0, $0x1;
	s31 =	sadd.s32 $0xAE00, s31;
	[sflag:s11] =	ssyncadd.s32 $0xFFFFC000  }
0x93: {  	[hbm4b:s31+s3] =	stream.linear.scatter [tilespmem:s7], [sflag:$0x4], $0x4000, $0x38;
	[tilespmem:$0x8800] =	vst v63  }
.Ltmp0:
0x94: {  	_ =	swait.ge [sflag:s9], $0x4000;
	(pc) =	sbr.rel @!p0 .LBB2_2-.Ltmp0, $4  }
0x95: {  	[sflag:s9] =	ssyncset.done $0x0  }
0x96: {  	[sflag:s9] =	ssyncadd.s32 $0xFFFFC000  }
0x97: {  	_ =	swait.ge [sflag:s12], $0x4000  }
0x98: {  	s1 =	sadd.s32 $0xFFFFFFFF, s0;
	[sflag:s12] =	ssyncset.done $0x0  }
.LBB2_1:
0x99: {  	s0 =	rddreg [dreg:$0x3];
	[sflag:s12] =	ssyncadd.s32 $0xFFFFC000  }
0x9a: {  	[tilespmem:s3], [sflag:$0x5] =	stream.linear.gather [hbm4b:s0+s3], $0x800, $0x38;
	[tilespmem:$0x8800] =	vst v63  }
0x9b: {  	_ =	swait.ge [sflag:s4], $0x800  }
0x9c: {  	[sflag:s4] =	ssyncset.done $0x0  }
0x9d: {  	[sflag:s4] =	ssyncadd.s32 $0xFFFFF800  }
0x9e: {  	[tilespmem:s6], [sflag:$0x1] =	stream.indirect.gather [hbm4b:s2+s5], $0x80, s3, s5, $0xb8;
	[tilespmem:$0x8800] =	vst v63  }
0x9f: {  	_ = 	snop  }
0xa0: {  	[tilespmem:s7], [sflag:$0x2] =	stream.indirect.gather [hbm4b:s2+s5], $0x80, s5, s5, $0xb8;
	[tilespmem:$0x8800] =	vst v63  }
0xa1: {  	_ =	swait.ge [sflag:s8], $0x4000  }
0xa2: {  	[sflag:s8] =	ssyncset.done $0x0  }
0xa3: {  	s0 =	rddreg [dreg:$0x4];
	[sflag:s8] =	ssyncadd.s32 $0xFFFFC000  }
0xa4: {  	[hbm4b:s0+s3] =	stream.linear.scatter [tilespmem:s6], [sflag:$0x3], $0x4000, $0x38;
	[tilespmem:$0x8800] =	vst v63  }
0xa5: {  	_ =	swait.ge [sflag:s9], $0x4000  }
0xa6: {  	[sflag:s9] =	ssyncset.done $0x0  }
0xa7: {  	[sflag:s9] =	ssyncadd.s32 $0xFFFFC000  }
0xa8: {  	[tilespmem:s6], [sflag:$0x1] =	stream.indirect.gather [hbm4b:s2+s5], $0x80, s10, s5, $0xb8;
	[tilespmem:$0x8800] =	vst v63  }
0xa9: {  	_ =	swait.ge [sflag:s11], $0x4000  }
0xaa: {  	[sflag:s11] =	ssyncset.done $0x0  }
0xab: {  	s0 =	rddreg [dreg:$0x5];
	[sflag:s11] =	ssyncadd.s32 $0xFFFFC000  }
0xac: {  	[hbm4b:s0+s3] =	stream.linear.scatter [tilespmem:s7], [sflag:$0x4], $0x4000, $0x38;
	[tilespmem:$0x8800] =	vst v63  }
0xad: {  	_ =	swait.ge [sflag:s12], $0x4000  }
0xae: {  	[sflag:s12] =	ssyncset.done $0x0  }
0xaf: {  	[sflag:s12] =	ssyncadd.s32 $0xFFFFC000  }
0xb0: {  	[tilespmem:s7], [sflag:$0x2] =	stream.indirect.gather [hbm4b:s2+s5], $0x80, s13, s5, $0xb8;
	[tilespmem:$0x8800] =	vst v63  }
0xb1: {  	_ =	swait.ge [sflag:s8], $0x4000  }
0xb2: {  	[sflag:s8] =	ssyncset.done $0x0  }
0xb3: {  	s0 =	rddreg [dreg:$0x6];
	[sflag:s8] =	ssyncadd.s32 $0xFFFFC000  }
0xb4: {  	[hbm4b:s0+s3] =	stream.linear.scatter [tilespmem:s6], [sflag:$0x3], $0x4000, $0x38;
	[tilespmem:$0x8800] =	vst v63  }
0xb5: {  	_ =	swait.ge [sflag:s9], $0x4000  }
0xb6: {  	[sflag:s9] =	ssyncset.done $0x0  }
0xb7: {  	[sflag:s9] =	ssyncadd.s32 $0xFFFFC000  }
0xb8: {  	[tilespmem:s6], [sflag:$0x1] =	stream.indirect.gather [hbm4b:s2+s5], $0x80, s14, s5, $0xb8;
	[tilespmem:$0x8800] =	vst v63  }
0xb9: {  	_ =	swait.ge [sflag:s11], $0x4000  }
0xba: {  	[sflag:s11] =	ssyncset.done $0x0  }
0xbb: {  	s0 =	rddreg [dreg:$0x7];
	[sflag:s11] =	ssyncadd.s32 $0xFFFFC000  }
0xbc: {  	[hbm4b:s0+s3] =	stream.linear.scatter [tilespmem:s7], [sflag:$0x4], $0x4000, $0x38;
	[tilespmem:$0x8800] =	vst v63  }
0xbd: {  	_ =	swait.ge [sflag:s12], $0x4000  }
0xbe: {  	[sflag:s12] =	ssyncset.done $0x0  }
0xbf: {  	[sflag:s12] =	ssyncadd.s32 $0xFFFFC000  }
0xc0: {  	[tilespmem:s7], [sflag:$0x2] =	stream.indirect.gather [hbm4b:s2+s5], $0x80, s15, s5, $0xb8;
	[tilespmem:$0x8800] =	vst v63  }
0xc1: {  	_ =	swait.ge [sflag:s8], $0x4000  }
0xc2: {  	[sflag:s8] =	ssyncset.done $0x0  }
0xc3: {  	s0 =	rddreg [dreg:$0x8];
	[sflag:s8] =	ssyncadd.s32 $0xFFFFC000  }
0xc4: {  	[hbm4b:s0+s3] =	stream.linear.scatter [tilespmem:s6], [sflag:$0x3], $0x4000, $0x38;
	[tilespmem:$0x8800] =	vst v63  }
0xc5: {  	_ =	swait.ge [sflag:s9], $0x4000  }
0xc6: {  	[sflag:s9] =	ssyncset.done $0x0  }
0xc7: {  	[sflag:s9] =	ssyncadd.s32 $0xFFFFC000  }
0xc8: {  	[tilespmem:s6], [sflag:$0x1] =	stream.indirect.gather [hbm4b:s2+s5], $0x80, s16, s5, $0xb8;
	[tilespmem:$0x8800] =	vst v63  }
0xc9: {  	_ =	swait.ge [sflag:s11], $0x4000  }
0xca: {  	[sflag:s11] =	ssyncset.done $0x0  }
0xcb: {  	s0 =	rddreg [dreg:$0x9];
	[sflag:s11] =	ssyncadd.s32 $0xFFFFC000  }
0xcc: {  	[hbm4b:s0+s3] =	stream.linear.scatter [tilespmem:s7], [sflag:$0x4], $0x4000, $0x38;
	[tilespmem:$0x8800] =	vst v63  }
0xcd: {  	_ =	swait.ge [sflag:s12], $0x4000  }
0xce: {  	[sflag:s12] =	ssyncset.done $0x0  }
0xcf: {  	[sflag:s12] =	ssyncadd.s32 $0xFFFFC000  }
0xd0: {  	[tilespmem:s7], [sflag:$0x2] =	stream.indirect.gather [hbm4b:s2+s5], $0x80, s17, s5, $0xb8;
	[tilespmem:$0x8800] =	vst v63  }
0xd1: {  	_ =	swait.ge [sflag:s8], $0x4000  }
0xd2: {  	[sflag:s8] =	ssyncset.done $0x0  }
0xd3: {  	s0 =	rddreg [dreg:$0xa];
	[sflag:s8] =	ssyncadd.s32 $0xFFFFC000  }
0xd4: {  	[hbm4b:s0+s3] =	stream.linear.scatter [tilespmem:s6], [sflag:$0x3], $0x4000, $0x38;
	[tilespmem:$0x8800] =	vst v63  }
0xd5: {  	_ =	swait.ge [sflag:s9], $0x4000  }
0xd6: {  	[sflag:s9] =	ssyncset.done $0x0  }
0xd7: {  	[sflag:s9] =	ssyncadd.s32 $0xFFFFC000  }
0xd8: {  	[tilespmem:s6], [sflag:$0x1] =	stream.indirect.gather [hbm4b:s2+s5], $0x80, s18, s5, $0xb8;
	[tilespmem:$0x8800] =	vst v63  }
0xd9: {  	_ =	swait.ge [sflag:s11], $0x4000  }
0xda: {  	[sflag:s11] =	ssyncset.done $0x0  }
0xdb: {  	s0 =	rddreg [dreg:$0xb];
	[sflag:s11] =	ssyncadd.s32 $0xFFFFC000  }
0xdc: {  	[hbm4b:s0+s3] =	stream.linear.scatter [tilespmem:s7], [sflag:$0x4], $0x4000, $0x38;
	[tilespmem:$0x8800] =	vst v63  }
0xdd: {  	_ =	swait.ge [sflag:s12], $0x4000  }
0xde: {  	[sflag:s12] =	ssyncset.done $0x0  }
0xdf: {  	[sflag:s12] =	ssyncadd.s32 $0xFFFFC000  }
0xe0: {  	[tilespmem:s7], [sflag:$0x2] =	stream.indirect.gather [hbm4b:s2+s5], $0x80, s19, s5, $0xb8;
	[tilespmem:$0x8800] =	vst v63  }
0xe1: {  	_ =	swait.ge [sflag:s8], $0x4000  }
0xe2: {  	[sflag:s8] =	ssyncset.done $0x0  }
0xe3: {  	s0 =	rddreg [dreg:$0xc];
	[sflag:s8] =	ssyncadd.s32 $0xFFFFC000  }
0xe4: {  	[hbm4b:s0+s3] =	stream.linear.scatter [tilespmem:s6], [sflag:$0x3], $0x4000, $0x38;
	[tilespmem:$0x8800] =	vst v63  }
0xe5: {  	_ =	swait.ge [sflag:s9], $0x4000  }
0xe6: {  	[sflag:s9] =	ssyncset.done $0x0  }
0xe7: {  	[sflag:s9] =	ssyncadd.s32 $0xFFFFC000  }
0xe8: {  	[tilespmem:s6], [sflag:$0x1] =	stream.indirect.gather [hbm4b:s2+s5], $0x80, s20, s5, $0xb8;
	[tilespmem:$0x8800] =	vst v63  }
0xe9: {  	_ =	swait.ge [sflag:s11], $0x4000  }
0xea: {  	[sflag:s11] =	ssyncset.done $0x0  }
0xeb: {  	s0 =	rddreg [dreg:$0xd];
	[sflag:s11] =	ssyncadd.s32 $0xFFFFC000  }
0xec: {  	[hbm4b:s0+s3] =	stream.linear.scatter [tilespmem:s7], [sflag:$0x4], $0x4000, $0x38;
	[tilespmem:$0x8800] =	vst v63  }
0xed: {  	_ =	swait.ge [sflag:s12], $0x4000  }
0xee: {  	[sflag:s12] =	ssyncset.done $0x0  }
0xef: {  	[sflag:s12] =	ssyncadd.s32 $0xFFFFC000  }
0xf0: {  	[tilespmem:s7], [sflag:$0x2] =	stream.indirect.gather [hbm4b:s2+s5], $0x80, s21, s5, $0xb8;
	[tilespmem:$0x8800] =	vst v63  }
0xf1: {  	_ =	swait.ge [sflag:s8], $0x4000  }
0xf2: {  	[sflag:s8] =	ssyncset.done $0x0  }
0xf3: {  	s0 =	rddreg [dreg:$0xe];
	[sflag:s8] =	ssyncadd.s32 $0xFFFFC000  }
0xf4: {  	[hbm4b:s0+s3] =	stream.linear.scatter [tilespmem:s6], [sflag:$0x3], $0x4000, $0x38;
	[tilespmem:$0x8800] =	vst v63  }
0xf5: {  	_ =	swait.ge [sflag:s9], $0x4000  }
0xf6: {  	[sflag:s9] =	ssyncset.done $0x0  }
0xf7: {  	[sflag:s9] =	ssyncadd.s32 $0xFFFFC000  }
0xf8: {  	[tilespmem:s6], [sflag:$0x1] =	stream.indirect.gather [hbm4b:s2+s5], $0x80, s22, s5, $0xb8;
	[tilespmem:$0x8800] =	vst v63  }
0xf9: {  	_ =	swait.ge [sflag:s11], $0x4000  }
0xfa: {  	[sflag:s11] =	ssyncset.done $0x0  }
0xfb: {  	[sflag:s11] =	ssyncadd.s32 $0xFFFFC000  }
0xfc: {  	[hbm4b:s23+s3] =	stream.linear.scatter [tilespmem:s7], [sflag:$0x4], $0x4000, $0x38;
	[tilespmem:$0x8800] =	vst v63  }
0xfd: {  	_ =	swait.ge [sflag:s12], $0x4000  }
0xfe: {  	[sflag:s12] =	ssyncset.done $0x0  }
0xff: {  	[sflag:s12] =	ssyncadd.s32 $0xFFFFC000  }
0x100: {  	[tilespmem:s7], [sflag:$0x2] =	stream.indirect.gather [hbm4b:s2+s5], $0x80, s24, s5, $0xb8;
	[tilespmem:$0x8800] =	vst v63  }
0x101: {  	_ =	swait.ge [sflag:s8], $0x4000  }
0x102: {  	[sflag:s8] =	ssyncset.done $0x0  }
0x103: {  	[sflag:s8] =	ssyncadd.s32 $0xFFFFC000  }
0x104: {  	[hbm4b:s25+s3] =	stream.linear.scatter [tilespmem:s6], [sflag:$0x3], $0x4000, $0x38;
	[tilespmem:$0x8800] =	vst v63  }
0x105: {  	_ =	swait.ge [sflag:s9], $0x4000  }
0x106: {  	[sflag:s9] =	ssyncset.done $0x0  }
0x107: {  	[sflag:s9] =	ssyncadd.s32 $0xFFFFC000  }
0x108: {  	[tilespmem:s6], [sflag:$0x1] =	stream.indirect.gather [hbm4b:s2+s5], $0x80, s26, s5, $0xb8;
	[tilespmem:$0x8800] =	vst v63  }
0x109: {  	_ =	swait.ge [sflag:s11], $0x4000  }
0x10a: {  	[sflag:s11] =	ssyncset.done $0x0  }
0x10b: {  	[sflag:s11] =	ssyncadd.s32 $0xFFFFC000  }
0x10c: {  	[hbm4b:s28+s3] =	stream.linear.scatter [tilespmem:s7], [sflag:$0x4], $0x4000, $0x38;
	[tilespmem:$0x8800] =	vst v63  }
0x10d: {  	_ =	swait.ge [sflag:s12], $0x4000  }
0x10e: {  	[sflag:s12] =	ssyncset.done $0x0  }
0x10f: {  	[sflag:s12] =	ssyncadd.s32 $0xFFFFC000  }
0x110: {  	[tilespmem:s7], [sflag:$0x2] =	stream.indirect.gather [hbm4b:s2+s5], $0x80, s29, s5, $0xb8;
	[tilespmem:$0x8800] =	vst v63  }
0x111: {  	_ =	swait.ge [sflag:s8], $0x4000  }
0x112: {  	[sflag:s8] =	ssyncset.done $0x0  }
0x113: {  	[sflag:s8] =	ssyncadd.s32 $0xFFFFC000  }
0x114: {  	[hbm4b:s30+s3] =	stream.linear.scatter [tilespmem:s6], [sflag:$0x3], $0x4000, $0x38;
	[tilespmem:$0x8800] =	vst v63  }
0x115: {  	_ =	swait.ge [sflag:s11], $0x4000  }
0x116: {  	[sflag:s11] =	ssyncset.done $0x0  }
0x117: {  	p0 =	sne.s32 s1, $0x1;
	[sflag:s11] =	ssyncadd.s32 $0xFFFFC000  }
0x118: {  	[hbm4b:s31+s3] =	stream.linear.scatter [tilespmem:s7], [sflag:$0x4], $0x4000, $0x38;
	[tilespmem:$0x8800] =	vst v63  }
.Ltmp1:
0x119: {  	_ =	swait.ge [sflag:s9], $0x4000;
	(pc) =	sbr.rel @p0 .LBB2_1-.Ltmp1, $4  }
0x11a: {  	[sflag:s9] =	ssyncset.done $0x0  }
0x11b: {  	[sflag:s9] =	ssyncadd.s32 $0xFFFFC000  }
0x11c: {  	_ =	swait.ge [sflag:s12], $0x4000  }
0x11d: {  	s1 =	sadd.s32 $0xFFFFFFFF, s1;
	[sflag:s12] =	ssyncset.done $0x0  }
.LBB2_2:
0x11e: {  	[sflag:s12] =	ssyncadd.s32 $0xFFFFC000  }
0x11f: {  	_ =	sfence.sel $0x180000  }
0x120: {  	[bflag:$0x0] =	sbarrier.arrive $0xFFFF  }
0x121: {  	_ =	strace $0x90000047  }
0x122: {  	s0 =	stileid.u32;
	[bflag:$0x2] =	sbarrier.arrive $0xFFFF  }
0x123: {  	p0 =	sne.s32 s0, $0x0;
	s0 =	rddreg [dreg:$0x2]  }
0x124: {  	s0 =	sadd.s32 @!p0 $0x100000, s0  }
0x125: {  	[sflag:s0] =	ssyncadd.tile.s32 @!p0 $0x1;
	_ =	shalt  }
.Lfunc_end2:
_tile_overlayer_lowered:
.L_overlay_start_2:
0x126: {  	(tag) =	ssettag $0x2  }
0x127: {  	s0 =	rddreg [dreg:$0x0];
	s2 =	stileid.u32  }
0x128: {  	s1 =	rddreg [dreg:$0x1];
	p0 =	sne.s32 s2, $0x0  }
0x129: {  	s3 =	rddreg [dreg:$0x2];
	[bflag:$0x3] =	sbarrier.arrive $0xFFFF;
	s2 =	simm.s32 @!p0 $0x1C05  }
0x12a: {  	[timem:s3], [sflag:s2] =	dma.local @!p0 [hbm:s0], s1  }
0x12b: {  	s0 =	simm.s32 @!p0 $0x5  }
0x12c: {  	_ =	swait.ge @!p0 [sflag:s0], s1  }
0x12d: {  	s1 =	ssub.s32 @!p0 $0x0, s1;
	[sflag:s0] =	ssyncset.done @!p0 $0x0  }
0x12e: {  	[sflag:s0] =	ssyncadd.s32 @!p0 s1  }
0x12f: {  	[bflag:$0x3] =	sbarrier.arrive $0xFFFF  }
0x130: {  	_ =	shalt  }

</sc_bundles>
